<compile_context>
chip_gen: v7x
topology: tpu7x:2x2x1
jax: 0.10.2.dev20260603
libtpu: 0.0.44.dev20260713+nightly
codegen_flags: <defaults>
</compile_context>

<pallas_src>
import functools

import jax
import jax.numpy as jnp
from jax import lax
from jax.experimental import pallas as pl
from jax.experimental.pallas import tpu as pltpu
from jax.experimental.pallas import tpu_sc as plsc

E_DIM = 32
NUM_ASP = 18
LANE = 128
CH = 16


@functools.cache
def _make_gather(B: int, n_cols: int):
    info = plsc.get_sparse_core_info()
    NC, NS = info.num_cores, info.num_subcores
    NW = NC * NS
    assert B % (8 * NW) == 0
    bpw = B // NW
    nch = bpw // CH

    mesh = plsc.VectorSubcoreMesh(core_axis_name="c", subcore_axis_name="s")
    f32 = jnp.float32
    i32 = jnp.int32

    @functools.partial(
        pl.kernel,
        mesh=mesh,
        compiler_params=pltpu.CompilerParams(
            use_tc_tiling_on_sc=True, needs_layout_passes=False),
        out_type=(
            jax.ShapeDtypeStruct((E_DIM, B), f32),
            jax.ShapeDtypeStruct((E_DIM, B), f32),
            jax.ShapeDtypeStruct((1, B), f32),
            jax.ShapeDtypeStruct((1, B), f32),
        ),
        scratch_types=[
            pltpu.VMEM((bpw,), i32),
            pltpu.VMEM((bpw,), i32),
            pltpu.VMEM((CH, E_DIM, LANE), f32),
            pltpu.VMEM((E_DIM, bpw), f32),
            pltpu.VMEM((E_DIM, bpw), f32),
            pltpu.VMEM((bpw,), f32),
            pltpu.VMEM((bpw,), f32),
            pltpu.SemaphoreType.DMA,
            pltpu.SemaphoreType.DMA,
            pltpu.SemaphoreType.DMA,
        ],
    )
    def gather(x_hbm, y_hbm, ut_hbm, it_hbm, ubt_hbm, ibt_hbm,
               uT_out, iT_out, ub_out, ib_out,
               xv, yv, sbuf, ucols, icols, ubv, ibv, sd, sb0, sb1):
        wid = lax.axis_index("s") * NC + lax.axis_index("c")
        base = wid * bpw
        pltpu.sync_copy(x_hbm.at[pl.ds(base, bpw)], xv)
        pltpu.sync_copy(y_hbm.at[pl.ds(base, bpw)], yv)
        cb0 = pltpu.async_copy(ubt_hbm.at[xv], ubv, sb0)
        cb1 = pltpu.async_copy(ibt_hbm.at[yv], ibv, sb1)
        iota16 = lax.iota(i32, 16)

        def fetch_one(tab_hbm, idx_vmem, j0):
            xc = plsc.load_gather(idx_vmem, [j0 + iota16])
            qc = xc >> 7
            for k in range(CH):
                qk = lax.reduce_max(
                    jnp.where(iota16 == k, qc, 0), axes=(0,))
                a = pl.multiple_of(qk * LANE, LANE)
                pltpu.async_copy(tab_hbm.at[:, pl.ds(a, LANE)],
                                 sbuf.at[k], sd)
            for k in range(CH):
                pltpu.make_async_copy(
                    tab_hbm.at[:, pl.ds(0, LANE)], sbuf.at[k], sd).wait()
            return xc & (LANE - 1)

        def extract_one(cols, lv, j0):
            col_i = j0 + iota16
            for e in range(E_DIM):
                ev = jnp.full((16,), e, i32)
                v = plsc.load_gather(sbuf, [iota16, ev, lv])
                plsc.store_scatter(cols, [ev, col_i], v)

        def chunk(c, carry):
            j0 = c * CH
            lv = fetch_one(ut_hbm, xv, j0)
            extract_one(ucols, lv, j0)
            lv = fetch_one(it_hbm, yv, j0)
            extract_one(icols, lv, j0)
            return carry

        lax.fori_loop(0, nch, chunk, 0)
        pltpu.sync_copy(ucols, uT_out.at[:, pl.ds(base, bpw)])
        pltpu.sync_copy(icols, iT_out.at[:, pl.ds(base, bpw)])
        cb0.wait()
        pltpu.sync_copy(ubv, ub_out.at[0, pl.ds(base, bpw)])
        cb1.wait()
        pltpu.sync_copy(ibv, ib_out.at[0, pl.ds(base, bpw)])

    return gather


def _mm(a, b):
    return lax.dot_general(a, b, (((1,), (0,)), ((), ())),
                           preferred_element_type=jnp.float32)


def _dense_body(uT_ref, iT_ref, ub_ref, ib_ref, aspT_ref, aw_ref,
                w1_ref, b1_ref, w2_ref, b2_ref, w3_ref, b3_ref,
                out_ref, sim_ref, prefT_ref):
    u = uT_ref[...]
    it = iT_ref[...]
    aw = aw_ref[...]
    out_ref[...] = (jnp.sum(u * it, axis=0)
                    + ub_ref[0] + ib_ref[0] + 3.53)
    wa = jnp.sqrt(jnp.sum(aw * aw, axis=1, keepdims=True))
    a = aspT_ref[...]
    t = a / jnp.maximum(jnp.abs(a) * wa, 1e-12)
    h = _mm(w1_ref[...], it) + b1_ref[...]
    h = _mm(w2_ref[...], h) + b2_ref[...]
    logits = _mm(w3_ref[...], h) + b3_ref[...]
    weight = 1.0 / (1.0 + jnp.exp(-logits))
    tw = t * weight
    item_asp = lax.dot_general(aw, tw, (((0,), (0,)), ((), ())),
                               preferred_element_type=jnp.float32)
    d = item_asp - it + 1e-6
    sim_ref[...] = jnp.sqrt(jnp.sum(d * d, axis=0))
    prefT_ref[...] = t * _mm(aw, u)


def _dense(uT, iT, ub, ib, aspT, asp_W, W1, b1, W2, b2, W3, b3):
    B = uT.shape[1]
    BLK = 2048
    grid = (B // BLK,)
    f32 = jnp.float32
    col = lambda b: (0, b)
    rep = lambda b: (0, 0)
    return pl.pallas_call(
        _dense_body,
        grid=grid,
        in_specs=[
            pl.BlockSpec((E_DIM, BLK), col),
            pl.BlockSpec((E_DIM, BLK), col),
            pl.BlockSpec((1, BLK), col),
            pl.BlockSpec((1, BLK), col),
            pl.BlockSpec((NUM_ASP, BLK), col),
            pl.BlockSpec((NUM_ASP, E_DIM), rep),
            pl.BlockSpec((50, E_DIM), rep),
            pl.BlockSpec((50, 1), rep),
            pl.BlockSpec((25, 50), rep),
            pl.BlockSpec((25, 1), rep),
            pl.BlockSpec((NUM_ASP, 25), rep),
            pl.BlockSpec((NUM_ASP, 1), rep),
        ],
        out_specs=[
            pl.BlockSpec((BLK,), lambda b: (b,)),
            pl.BlockSpec((BLK,), lambda b: (b,)),
            pl.BlockSpec((NUM_ASP, BLK), col),
        ],
        out_shape=[
            jax.ShapeDtypeStruct((B,), f32),
            jax.ShapeDtypeStruct((B,), f32),
            jax.ShapeDtypeStruct((NUM_ASP, B), f32),
        ],
    )(uT, iT, ub, ib, aspT, asp_W,
      W1, b1.reshape(50, 1), W2, b2.reshape(25, 1), W3, b3.reshape(NUM_ASP, 1))


def kernel(x, y, asp, user_table, item_table, u_bias, i_bias, asp_W,
           W1, b1, W2, b2, W3, b3):
    B = x.shape[0]
    x = x.astype(jnp.int32)
    y = y.astype(jnp.int32)
    uT, iT, ub, ib = _make_gather(B, user_table.shape[0])(
        x, y, user_table.T, item_table.T, u_bias, i_bias)
    out, sim, prefT = _dense(uT, iT, ub, ib, asp.T, asp_W,
                             W1, b1, W2, b2, W3, b3)
    return out, sim, prefT.T

# --- scband reference (transcript-rebuilt; emitter-appended) ---
"""Pipeline reference for scband-amcf-26594437497688 (READ-ONLY COPY).

The authoritative reference and input builder live on the scoring server;
editing this copy changes nothing except your own understanding.
"""

import jax, jax.numpy as jnp
import numpy as np

NUM_USER = 1000000
NUM_ITEM = 1000000
E_DIM = 32
NUM_ASP = 18
B = 16384


def _unif(key, shape, lim):
    return jax.random.uniform(key, shape, dtype=jnp.float32, minval=-lim, maxval=lim)


def setup_inputs(seed: int = 0) -> dict:
    key = jax.random.key(seed)
    ks = jax.random.split(key, 14)
    x = jax.random.randint(ks[0], (B,), 0, NUM_USER, dtype=jnp.int64 if jax.config.jax_enable_x64 else jnp.int32)
    y = jax.random.randint(ks[1], (B,), 0, NUM_ITEM, dtype=jnp.int64 if jax.config.jax_enable_x64 else jnp.int32)
    asp = jax.random.uniform(ks[2], (B, NUM_ASP), dtype=jnp.float32)
    user_table = jax.random.normal(ks[3], (NUM_USER, E_DIM), dtype=jnp.float32)
    item_table = jax.random.normal(ks[4], (NUM_ITEM, E_DIM), dtype=jnp.float32)
    u_bias = jax.random.normal(ks[5], (NUM_USER,), dtype=jnp.float32)
    i_bias = jax.random.normal(ks[6], (NUM_ITEM,), dtype=jnp.float32)
    asp_W = jax.random.normal(ks[7], (NUM_ASP, E_DIM), dtype=jnp.float32)
    l1 = 1.0 / np.sqrt(E_DIM)
    W1 = _unif(ks[8], (50, E_DIM), l1); b1 = _unif(ks[9], (50,), l1)
    l2 = 1.0 / np.sqrt(50)
    W2 = _unif(ks[10], (25, 50), l2); b2 = _unif(ks[11], (25,), l2)
    l3 = 1.0 / np.sqrt(25)
    W3 = _unif(ks[12], (NUM_ASP, 25), l3); b3 = _unif(ks[13], (NUM_ASP,), l3)
    return {"x": x, "y": y, "asp": asp, "user_table": user_table, "item_table": item_table,
            "u_bias": u_bias, "i_bias": i_bias, "asp_W": asp_W,
            "W1": W1, "b1": b1, "W2": W2, "b2": b2, "W3": W3, "b3": b3}


def reference(x, y, asp, user_table, item_table, u_bias, i_bias, asp_W, W1, b1, W2, b2, W3, b3):
    user_latent = jnp.take(user_table, x, axis=0)
    item_latent = jnp.take(item_table, y, axis=0)
    det_item = jax.lax.stop_gradient(item_latent)
    ub = jnp.take(u_bias, x, axis=0)
    ib = jnp.take(i_bias, y, axis=0)
    out = jnp.sum(user_latent * item_latent, axis=-1) + ub + ib + 3.53
    # Aspect_emb: broadcast-mul then L2 normalize along last dim (torch F.normalize, eps=1e-12)
    asp_latent = asp[:, :, None] * asp_W[None, :, :]
    nrm = jnp.linalg.norm(asp_latent, ord=2, axis=2, keepdims=True)
    asp_latent = asp_latent / jnp.maximum(nrm, 1e-12)
    # MLP on detached item latent (3 stacked Linear layers, no activation between)
    h = det_item @ W1.T + b1
    h = h @ W2.T + b2
    logits = h @ W3.T + b3
    asp_weight = jax.nn.sigmoid(logits)  # [B, NUM_ASP]
    # bmm(asp_latent^T [B,E,A], asp_weight [B,A,1]) -> [B,E]
    item_asp = jnp.einsum('bae,ba->be', asp_latent, asp_weight)
    # PairwiseDistance p=2, eps=1e-6: ||x1 - x2 + eps||_2
    sim = jnp.sqrt(jnp.sum((item_asp - det_item + 1e-6) ** 2, axis=-1))
    # bmm(asp_latent [B,A,E], user_latent [B,E,1]) -> [B,A]
    pref = jnp.einsum('bae,be->ba', asp_latent, user_latent)
    return (out, sim, pref)

if __name__ == "__main__":
    import jax
    _d = setup_inputs()
    print(jax.jit(kernel)(*tuple(_d.values())))

</pallas_src>

<mosaic_0001>
#map = affine_map<(d0, d1) -> (0)>
#map1 = affine_map<(d0, d1) -> (0, 0)>
module attributes {stable_mosaic.version = 14 : i64} {
  func.func @gather(%arg0: i32, %arg1: i32, %arg2: memref<16384xi32, #tpu.memory_space<hbm>>, %arg3: memref<16384xi32, #tpu.memory_space<hbm>>, %arg4: memref<32x1000000xf32, #tpu.memory_space<hbm>>, %arg5: memref<32x1000000xf32, #tpu.memory_space<hbm>>, %arg6: memref<1000000xf32, #tpu.memory_space<hbm>>, %arg7: memref<1000000xf32, #tpu.memory_space<hbm>>, %arg8: memref<32x16384xf32, #tpu.memory_space<hbm>>, %arg9: memref<32x16384xf32, #tpu.memory_space<hbm>>, %arg10: memref<1x16384xf32, #tpu.memory_space<hbm>>, %arg11: memref<1x16384xf32, #tpu.memory_space<hbm>>, %arg12: memref<512xi32, #tpu.memory_space<vmem>>, %arg13: memref<512xi32, #tpu.memory_space<vmem>>, %arg14: memref<16x32x128xf32, #tpu.memory_space<vmem>>, %arg15: memref<32x512xf32, #tpu.memory_space<vmem>>, %arg16: memref<32x512xf32, #tpu.memory_space<vmem>>, %arg17: memref<512xf32, #tpu.memory_space<vmem>>, %arg18: memref<512xf32, #tpu.memory_space<vmem>>, %arg19: memref<!tpu.dma_semaphore, #tpu.memory_space<semaphore_mem>>, %arg20: memref<!tpu.dma_semaphore, #tpu.memory_space<semaphore_mem>>, %arg21: memref<!tpu.dma_semaphore, #tpu.memory_space<semaphore_mem>>) attributes {dimension_semantics = [#tpu.dimension_semantics<core_parallel>, #tpu.dimension_semantics<subcore_parallel>], iteration_bounds = array<i64: 2, 16>, scalar_prefetch = 0 : i64, scratch_operands = 10 : i64, tpu.core_type = #tpu.core_type<sc_vector_subcore>, window_params = [{transform_indices = #map}, {transform_indices = #map}, {transform_indices = #map1}, {transform_indices = #map1}, {transform_indices = #map}, {transform_indices = #map}, {transform_indices = #map1}, {transform_indices = #map1}, {transform_indices = #map1}, {transform_indices = #map1}]} {
    %mul3A = arith.constant 2 : i32
    %mul3A_0 = arith.muli %arg1, %mul3A : i32
    %add3A = arith.addi %mul3A_0, %arg0 : i32
    %mul3A_1 = arith.constant 512 : i32
    %mul3A_2 = arith.muli %add3A, %mul3A_1 : i32
    "tpu.region"() ({
      %run_scoped3A_15 = tpu.sem_alloc : memref<!tpu.dma_semaphore, #tpu.memory_space<semaphore_mem>>
      %dma_start3A_16 = tpu.memref_slice %arg2[%mul3A_2] : memref<16384xi32, #tpu.memory_space<hbm>> -> memref<512xi32, #tpu.memory_space<hbm>>
      %dma_start3A_17 = tpu.memref_slice %arg2[%mul3A_2] : memref<16384xi32, #tpu.memory_space<hbm>> -> memref<512xi32, #tpu.memory_space<hbm>>
      tpu.enqueue_dma source(%dma_start3A_17 : memref<512xi32, #tpu.memory_space<hbm>>) target(%arg12 : memref<512xi32, #tpu.memory_space<vmem>>) target_semaphore(%run_scoped3A_15 : memref<!tpu.dma_semaphore, #tpu.memory_space<semaphore_mem>>)
      %dma_wait3A_18 = tpu.memref_slice %arg2[%mul3A_2] : memref<16384xi32, #tpu.memory_space<hbm>> -> memref<512xi32, #tpu.memory_space<hbm>>
      %dma_wait3A_19 = tpu.memref_slice %arg2[%mul3A_2] : memref<16384xi32, #tpu.memory_space<hbm>> -> memref<512xi32, #tpu.memory_space<hbm>>
      tpu.wait_dma2 semaphore(%run_scoped3A_15 : memref<!tpu.dma_semaphore, #tpu.memory_space<semaphore_mem>>) src(%dma_wait3A_19 : memref<512xi32, #tpu.memory_space<hbm>>) dst(%arg12 : memref<512xi32, #tpu.memory_space<vmem>>)
      tpu.yield
    }) : () -> ()
    "tpu.region"() ({
      %run_scoped3A_15 = tpu.sem_alloc : memref<!tpu.dma_semaphore, #tpu.memory_space<semaphore_mem>>
      %dma_start3A_16 = tpu.memref_slice %arg3[%mul3A_2] : memref<16384xi32, #tpu.memory_space<hbm>> -> memref<512xi32, #tpu.memory_space<hbm>>
      %dma_start3A_17 = tpu.memref_slice %arg3[%mul3A_2] : memref<16384xi32, #tpu.memory_space<hbm>> -> memref<512xi32, #tpu.memory_space<hbm>>
      tpu.enqueue_dma source(%dma_start3A_17 : memref<512xi32, #tpu.memory_space<hbm>>) target(%arg13 : memref<512xi32, #tpu.memory_space<vmem>>) target_semaphore(%run_scoped3A_15 : memref<!tpu.dma_semaphore, #tpu.memory_space<semaphore_mem>>)
      %dma_wait3A_18 = tpu.memref_slice %arg3[%mul3A_2] : memref<16384xi32, #tpu.memory_space<hbm>> -> memref<512xi32, #tpu.memory_space<hbm>>
      %dma_wait3A_19 = tpu.memref_slice %arg3[%mul3A_2] : memref<16384xi32, #tpu.memory_space<hbm>> -> memref<512xi32, #tpu.memory_space<hbm>>
      tpu.wait_dma2 semaphore(%run_scoped3A_15 : memref<!tpu.dma_semaphore, #tpu.memory_space<semaphore_mem>>) src(%dma_wait3A_19 : memref<512xi32, #tpu.memory_space<hbm>>) dst(%arg13 : memref<512xi32, #tpu.memory_space<vmem>>)
      tpu.yield
    }) : () -> ()
    %dma_start3A = arith.constant 0 : i32
    %dma_start3A_3 = tpu.memref_slice %arg6[%dma_start3A] : memref<1000000xf32, #tpu.memory_space<hbm>> -> memref<1000000xf32, #tpu.memory_space<hbm>>
    tpu.enqueue_indirect_dma source(%dma_start3A_3 : memref<1000000xf32, #tpu.memory_space<hbm>>) target(%arg17 : memref<512xf32, #tpu.memory_space<vmem>>) offsets(%arg12 : memref<512xi32, #tpu.memory_space<vmem>>) semaphore(%arg20 : memref<!tpu.dma_semaphore, #tpu.memory_space<semaphore_mem>>)
    %dma_start3A_4 = arith.constant 0 : i32
    %dma_start3A_5 = tpu.memref_slice %arg7[%dma_start3A_4] : memref<1000000xf32, #tpu.memory_space<hbm>> -> memref<1000000xf32, #tpu.memory_space<hbm>>
    tpu.enqueue_indirect_dma source(%dma_start3A_5 : memref<1000000xf32, #tpu.memory_space<hbm>>) target(%arg18 : memref<512xf32, #tpu.memory_space<vmem>>) offsets(%arg13 : memref<512xi32, #tpu.memory_space<vmem>>) semaphore(%arg21 : memref<!tpu.dma_semaphore, #tpu.memory_space<semaphore_mem>>)
    %iota3A = tpu.iota {dimensions = array<i32: 0>} : vector<16xi32>
    %scan3A = arith.constant 0 : i32
    %scan3A_6 = arith.constant 0 : i32
    %scan3A_7 = arith.constant 32 : i32
    %scan3A_8 = arith.addi %scan3A_6, %scan3A_7 : i32
    %scan3A_9 = arith.constant 1 : i32
    scf.for %scan3A_15 = %scan3A_6 to %scan3A_8 step %scan3A_9  : i32 {
      %mul3A_16 = arith.constant 16 : i32
      %mul3A_17 = arith.muli %scan3A_15, %mul3A_16 : i32
      %add3A_18 = vector.broadcast %mul3A_17 : i32 to vector<16xi32>
      %add3A_19 = arith.addi %add3A_18, %iota3A : vector<16xi32>
      %gather3A = tpu.vector_load_idx %arg12[%add3A_19] : memref<512xi32, #tpu.memory_space<vmem>>[vector<16xi32>], vector<16xi32>,
      %shift_right_arithmetic3A = arith.constant 7 : i32
      %shift_right_arithmetic3A_20 = vector.broadcast %shift_right_arithmetic3A : i32 to vector<16xi32>
      %shift_right_arithmetic3A_21 = arith.shrsi %gather3A, %shift_right_arithmetic3A_20 : vector<16xi32>
      %eq3A = arith.constant 0 : i32
      %eq3A_22 = vector.broadcast %eq3A : i32 to vector<16xi32>
      %eq3A_23 = arith.cmpi eq, %iota3A, %eq3A_22 : vector<16xi32>
      %jit3A = arith.constant 0 : i32
      %broadcast_in_dim3A = vector.broadcast %jit3A : i32 to vector<16xi32>
      %select_n3A = arith.select %eq3A_23, %shift_right_arithmetic3A_21, %broadcast_in_dim3A : vector<16xi1>, vector<16xi32>
      %reduce_max3A = arith.constant true
      %reduce_max3A_24 = vector.broadcast %reduce_max3A : i1 to vector<16xi1>
      %reduce_max3A_25 = arith.constant -2147483648 : i32
      %reduce_max3A_26 = vector.broadcast %reduce_max3A_25 : i32 to vector<16xi32>
      %reduce_max3A_27 = arith.xori %select_n3A, %reduce_max3A_26 : vector<16xi32>
      %reduce_max3A_28 = tpu.scan <max>, %reduce_max3A_27 masked %reduce_max3A_24 : vector<16xi32>, vector<16xi1> -> vector<16xi32>
      %reduce_max3A_29 = arith.xori %reduce_max3A_28, %reduce_max3A_26 : vector<16xi32>
      %reduce_max3A_30 = vector.extract %reduce_max3A_29[15] : i32 from vector<16xi32>
      %mul3A_31 = arith.constant 128 : i32
      %mul3A_32 = arith.muli %reduce_max3A_30, %mul3A_31 : i32
      %multiple_of3A = tpu.assume_multiple %mul3A_32, 128 : i32
      %dma_start3A_33 = arith.constant 0 : i32
      %dma_start3A_34 = arith.constant 0 : i32
      %dma_start3A_35 = arith.constant 0 : i32
      %dma_start3A_36 = tpu.memref_slice %arg14[%dma_start3A_33, %dma_start3A_34, %dma_start3A_35] : memref<16x32x128xf32, #tpu.memory_space<vmem>> -> memref<1x32x128xf32, #tpu.memory_space<vmem>>
      %dma_start3A_37 = tpu.memref_squeeze %dma_start3A_36 : memref<1x32x128xf32, #tpu.memory_space<vmem>> -> memref<32x128xf32, #tpu.memory_space<vmem>>
      %dma_start3A_38 = arith.constant 0 : i32
      %dma_start3A_39 = tpu.memref_slice %arg4[%dma_start3A_38, %multiple_of3A] : memref<32x1000000xf32, #tpu.memory_space<hbm>> -> memref<32x128xf32, #tpu.memory_space<hbm>>
      %dma_start3A_40 = arith.constant 0 : i32
      %dma_start3A_41 = arith.constant 0 : i32
      %dma_start3A_42 = tpu.memref_slice %arg14[%dma_start3A_33, %dma_start3A_40, %dma_start3A_41] : memref<16x32x128xf32, #tpu.memory_space<vmem>> -> memref<1x32x128xf32, #tpu.memory_space<vmem>>
      %dma_start3A_43 = tpu.memref_squeeze %dma_start3A_42 : memref<1x32x128xf32, #tpu.memory_space<vmem>> -> memref<32x128xf32, #tpu.memory_space<vmem>>
      %dma_start3A_44 = arith.constant 0 : i32
      %dma_start3A_45 = tpu.memref_slice %arg4[%dma_start3A_44, %multiple_of3A] : memref<32x1000000xf32, #tpu.memory_space<hbm>> -> memref<32x128xf32, #tpu.memory_space<hbm>>
      tpu.enqueue_dma source(%dma_start3A_45 : memref<32x128xf32, #tpu.memory_space<hbm>>) target(%dma_start3A_43 : memref<32x128xf32, #tpu.memory_space<vmem>>) target_semaphore(%arg19 : memref<!tpu.dma_semaphore, #tpu.memory_space<semaphore_mem>>)
      %eq3A_46 = arith.constant 1 : i32
      %eq3A_47 = vector.broadcast %eq3A_46 : i32 to vector<16xi32>
      %eq3A_48 = arith.cmpi eq, %iota3A, %eq3A_47 : vector<16xi32>
      %jit3A_49 = arith.constant 0 : i32
      %broadcast_in_dim3A_50 = vector.broadcast %jit3A_49 : i32 to vector<16xi32>
      %select_n3A_51 = arith.select %eq3A_48, %shift_right_arithmetic3A_21, %broadcast_in_dim3A_50 : vector<16xi1>, vector<16xi32>
      %reduce_max3A_52 = arith.constant true
      %reduce_max3A_53 = vector.broadcast %reduce_max3A_52 : i1 to vector<16xi1>
      %reduce_max3A_54 = arith.constant -2147483648 : i32
      %reduce_max3A_55 = vector.broadcast %reduce_max3A_54 : i32 to vector<16xi32>
      %reduce_max3A_56 = arith.xori %select_n3A_51, %reduce_max3A_55 : vector<16xi32>
      %reduce_max3A_57 = tpu.scan <max>, %reduce_max3A_56 masked %reduce_max3A_53 : vector<16xi32>, vector<16xi1> -> vector<16xi32>
      %reduce_max3A_58 = arith.xori %reduce_max3A_57, %reduce_max3A_55 : vector<16xi32>
      %reduce_max3A_59 = vector.extract %reduce_max3A_58[15] : i32 from vector<16xi32>
      %mul3A_60 = arith.constant 128 : i32
      %mul3A_61 = arith.muli %reduce_max3A_59, %mul3A_60 : i32
      %multiple_of3A_62 = tpu.assume_multiple %mul3A_61, 128 : i32
      %dma_start3A_63 = arith.constant 1 : i32
      %dma_start3A_64 = arith.constant 0 : i32
      %dma_start3A_65 = arith.constant 0 : i32
      %dma_start3A_66 = tpu.memref_slice %arg14[%dma_start3A_63, %dma_start3A_64, %dma_start3A_65] : memref<16x32x128xf32, #tpu.memory_space<vmem>> -> memref<1x32x128xf32, #tpu.memory_space<vmem>>
      %dma_start3A_67 = tpu.memref_squeeze %dma_start3A_66 : memref<1x32x128xf32, #tpu.memory_space<vmem>> -> memref<32x128xf32, #tpu.memory_space<vmem>>
      %dma_start3A_68 = arith.constant 0 : i32
      %dma_start3A_69 = tpu.memref_slice %arg4[%dma_start3A_68, %multiple_of3A_62] : memref<32x1000000xf32, #tpu.memory_space<hbm>> -> memref<32x128xf32, #tpu.memory_space<hbm>>
      %dma_start3A_70 = arith.constant 0 : i32
      %dma_start3A_71 = arith.constant 0 : i32
      %dma_start3A_72 = tpu.memref_slice %arg14[%dma_start3A_63, %dma_start3A_70, %dma_start3A_71] : memref<16x32x128xf32, #tpu.memory_space<vmem>> -> memref<1x32x128xf32, #tpu.memory_space<vmem>>
      %dma_start3A_73 = tpu.memref_squeeze %dma_start3A_72 : memref<1x32x128xf32, #tpu.memory_space<vmem>> -> memref<32x128xf32, #tpu.memory_space<vmem>>
      %dma_start3A_74 = arith.constant 0 : i32
      %dma_start3A_75 = tpu.memref_slice %arg4[%dma_start3A_74, %multiple_of3A_62] : memref<32x1000000xf32, #tpu.memory_space<hbm>> -> memref<32x128xf32, #tpu.memory_space<hbm>>
      tpu.enqueue_dma source(%dma_start3A_75 : memref<32x128xf32, #tpu.memory_space<hbm>>) target(%dma_start3A_73 : memref<32x128xf32, #tpu.memory_space<vmem>>) target_semaphore(%arg19 : memref<!tpu.dma_semaphore, #tpu.memory_space<semaphore_mem>>)
      %eq3A_76 = arith.constant 2 : i32
      %eq3A_77 = vector.broadcast %eq3A_76 : i32 to vector<16xi32>
      %eq3A_78 = arith.cmpi eq, %iota3A, %eq3A_77 : vector<16xi32>
      %jit3A_79 = arith.constant 0 : i32
      %broadcast_in_dim3A_80 = vector.broadcast %jit3A_79 : i32 to vector<16xi32>
      %select_n3A_81 = arith.select %eq3A_78, %shift_right_arithmetic3A_21, %broadcast_in_dim3A_80 : vector<16xi1>, vector<16xi32>
      %reduce_max3A_82 = arith.constant true
      %reduce_max3A_83 = vector.broadcast %reduce_max3A_82 : i1 to vector<16xi1>
      %reduce_max3A_84 = arith.constant -2147483648 : i32
      %reduce_max3A_85 = vector.broadcast %reduce_max3A_84 : i32 to vector<16xi32>
      %reduce_max3A_86 = arith.xori %select_n3A_81, %reduce_max3A_85 : vector<16xi32>
      %reduce_max3A_87 = tpu.scan <max>, %reduce_max3A_86 masked %reduce_max3A_83 : vector<16xi32>, vector<16xi1> -> vector<16xi32>
      %reduce_max3A_88 = arith.xori %reduce_max3A_87, %reduce_max3A_85 : vector<16xi32>
      %reduce_max3A_89 = vector.extract %reduce_max3A_88[15] : i32 from vector<16xi32>
      %mul3A_90 = arith.constant 128 : i32
      %mul3A_91 = arith.muli %reduce_max3A_89, %mul3A_90 : i32
      %multiple_of3A_92 = tpu.assume_multiple %mul3A_91, 128 : i32
      %dma_start3A_93 = arith.constant 2 : i32
      %dma_start3A_94 = arith.constant 0 : i32
      %dma_start3A_95 = arith.constant 0 : i32
      %dma_start3A_96 = tpu.memref_slice %arg14[%dma_start3A_93, %dma_start3A_94, %dma_start3A_95] : memref<16x32x128xf32, #tpu.memory_space<vmem>> -> memref<1x32x128xf32, #tpu.memory_space<vmem>>
      %dma_start3A_97 = tpu.memref_squeeze %dma_start3A_96 : memref<1x32x128xf32, #tpu.memory_space<vmem>> -> memref<32x128xf32, #tpu.memory_space<vmem>>
      %dma_start3A_98 = arith.constant 0 : i32
      %dma_start3A_99 = tpu.memref_slice %arg4[%dma_start3A_98, %multiple_of3A_92] : memref<32x1000000xf32, #tpu.memory_space<hbm>> -> memref<32x128xf32, #tpu.memory_space<hbm>>
      %dma_start3A_100 = arith.constant 0 : i32
      %dma_start3A_101 = arith.constant 0 : i32
      %dma_start3A_102 = tpu.memref_slice %arg14[%dma_start3A_93, %dma_start3A_100, %dma_start3A_101] : memref<16x32x128xf32, #tpu.memory_space<vmem>> -> memref<1x32x128xf32, #tpu.memory_space<vmem>>
      %dma_start3A_103 = tpu.memref_squeeze %dma_start3A_102 : memref<1x32x128xf32, #tpu.memory_space<vmem>> -> memref<32x128xf32, #tpu.memory_space<vmem>>
      %dma_start3A_104 = arith.constant 0 : i32
      %dma_start3A_105 = tpu.memref_slice %arg4[%dma_start3A_104, %multiple_of3A_92] : memref<32x1000000xf32, #tpu.memory_space<hbm>> -> memref<32x128xf32, #tpu.memory_space<hbm>>
      tpu.enqueue_dma source(%dma_start3A_105 : memref<32x128xf32, #tpu.memory_space<hbm>>) target(%dma_start3A_103 : memref<32x128xf32, #tpu.memory_space<vmem>>) target_semaphore(%arg19 : memref<!tpu.dma_semaphore, #tpu.memory_space<semaphore_mem>>)
      %eq3A_106 = arith.constant 3 : i32
      %eq3A_107 = vector.broadcast %eq3A_106 : i32 to vector<16xi32>
      %eq3A_108 = arith.cmpi eq, %iota3A, %eq3A_107 : vector<16xi32>
      %jit3A_109 = arith.constant 0 : i32
      %broadcast_in_dim3A_110 = vector.broadcast %jit3A_109 : i32 to vector<16xi32>
      %select_n3A_111 = arith.select %eq3A_108, %shift_right_arithmetic3A_21, %broadcast_in_dim3A_110 : vector<16xi1>, vector<16xi32>
      %reduce_max3A_112 = arith.constant true
      %reduce_max3A_113 = vector.broadcast %reduce_max3A_112 : i1 to vector<16xi1>
      %reduce_max3A_114 = arith.constant -2147483648 : i32
      %reduce_max3A_115 = vector.broadcast %reduce_max3A_114 : i32 to vector<16xi32>
      %reduce_max3A_116 = arith.xori %select_n3A_111, %reduce_max3A_115 : vector<16xi32>
      %reduce_max3A_117 = tpu.scan <max>, %reduce_max3A_116 masked %reduce_max3A_113 : vector<16xi32>, vector<16xi1> -> vector<16xi32>
      %reduce_max3A_118 = arith.xori %reduce_max3A_117, %reduce_max3A_115 : vector<16xi32>
      %reduce_max3A_119 = vector.extract %reduce_max3A_118[15] : i32 from vector<16xi32>
      %mul3A_120 = arith.constant 128 : i32
      %mul3A_121 = arith.muli %reduce_max3A_119, %mul3A_120 : i32
      %multiple_of3A_122 = tpu.assume_multiple %mul3A_121, 128 : i32
      %dma_start3A_123 = arith.constant 3 : i32
      %dma_start3A_124 = arith.constant 0 : i32
      %dma_start3A_125 = arith.constant 0 : i32
      %dma_start3A_126 = tpu.memref_slice %arg14[%dma_start3A_123, %dma_start3A_124, %dma_start3A_125] : memref<16x32x128xf32, #tpu.memory_space<vmem>> -> memref<1x32x128xf32, #tpu.memory_space<vmem>>
      %dma_start3A_127 = tpu.memref_squeeze %dma_start3A_126 : memref<1x32x128xf32, #tpu.memory_space<vmem>> -> memref<32x128xf32, #tpu.memory_space<vmem>>
      %dma_start3A_128 = arith.constant 0 : i32
      %dma_start3A_129 = tpu.memref_slice %arg4[%dma_start3A_128, %multiple_of3A_122] : memref<32x1000000xf32, #tpu.memory_space<hbm>> -> memref<32x128xf32, #tpu.memory_space<hbm>>
      %dma_start3A_130 = arith.constant 0 : i32
      %dma_start3A_131 = arith.constant 0 : i32
      %dma_start3A_132 = tpu.memref_slice %arg14[%dma_start3A_123, %dma_start3A_130, %dma_start3A_131] : memref<16x32x128xf32, #tpu.memory_space<vmem>> -> memref<1x32x128xf32, #tpu.memory_space<vmem>>
      %dma_start3A_133 = tpu.memref_squeeze %dma_start3A_132 : memref<1x32x128xf32, #tpu.memory_space<vmem>> -> memref<32x128xf32, #tpu.memory_space<vmem>>
      %dma_start3A_134 = arith.constant 0 : i32
      %dma_start3A_135 = tpu.memref_slice %arg4[%dma_start3A_134, %multiple_of3A_122] : memref<32x1000000xf32, #tpu.memory_space<hbm>> -> memref<32x128xf32, #tpu.memory_space<hbm>>
      tpu.enqueue_dma source(%dma_start3A_135 : memref<32x128xf32, #tpu.memory_space<hbm>>) target(%dma_start3A_133 : memref<32x128xf32, #tpu.memory_space<vmem>>) target_semaphore(%arg19 : memref<!tpu.dma_semaphore, #tpu.memory_space<semaphore_mem>>)
      %eq3A_136 = arith.constant 4 : i32
      %eq3A_137 = vector.broadcast %eq3A_136 : i32 to vector<16xi32>
      %eq3A_138 = arith.cmpi eq, %iota3A, %eq3A_137 : vector<16xi32>
      %jit3A_139 = arith.constant 0 : i32
      %broadcast_in_dim3A_140 = vector.broadcast %jit3A_139 : i32 to vector<16xi32>
      %select_n3A_141 = arith.select %eq3A_138, %shift_right_arithmetic3A_21, %broadcast_in_dim3A_140 : vector<16xi1>, vector<16xi32>
      %reduce_max3A_142 = arith.constant true
      %reduce_max3A_143 = vector.broadcast %reduce_max3A_142 : i1 to vector<16xi1>
      %reduce_max3A_144 = arith.constant -2147483648 : i32
      %reduce_max3A_145 = vector.broadcast %reduce_max3A_144 : i32 to vector<16xi32>
      %reduce_max3A_146 = arith.xori %select_n3A_141, %reduce_max3A_145 : vector<16xi32>
      %reduce_max3A_147 = tpu.scan <max>, %reduce_max3A_146 masked %reduce_max3A_143 : vector<16xi32>, vector<16xi1> -> vector<16xi32>
      %reduce_max3A_148 = arith.xori %reduce_max3A_147, %reduce_max3A_145 : vector<16xi32>
      %reduce_max3A_149 = vector.extract %reduce_max3A_148[15] : i32 from vector<16xi32>
      %mul3A_150 = arith.constant 128 : i32
      %mul3A_151 = arith.muli %reduce_max3A_149, %mul3A_150 : i32
      %multiple_of3A_152 = tpu.assume_multiple %mul3A_151, 128 : i32
      %dma_start3A_153 = arith.constant 4 : i32
      %dma_start3A_154 = arith.constant 0 : i32
      %dma_start3A_155 = arith.constant 0 : i32
      %dma_start3A_156 = tpu.memref_slice %arg14[%dma_start3A_153, %dma_start3A_154, %dma_start3A_155] : memref<16x32x128xf32, #tpu.memory_space<vmem>> -> memref<1x32x128xf32, #tpu.memory_space<vmem>>
      %dma_start3A_157 = tpu.memref_squeeze %dma_start3A_156 : memref<1x32x128xf32, #tpu.memory_space<vmem>> -> memref<32x128xf32, #tpu.memory_space<vmem>>
      %dma_start3A_158 = arith.constant 0 : i32
      %dma_start3A_159 = tpu.memref_slice %arg4[%dma_start3A_158, %multiple_of3A_152] : memref<32x1000000xf32, #tpu.memory_space<hbm>> -> memref<32x128xf32, #tpu.memory_space<hbm>>
      %dma_start3A_160 = arith.constant 0 : i32
      %dma_start3A_161 = arith.constant 0 : i32
      %dma_start3A_162 = tpu.memref_slice %arg14[%dma_start3A_153, %dma_start3A_160, %dma_start3A_161] : memref<16x32x128xf32, #tpu.memory_space<vmem>> -> memref<1x32x128xf32, #tpu.memory_space<vmem>>
      %dma_start3A_163 = tpu.memref_squeeze %dma_start3A_162 : memref<1x32x128xf32, #tpu.memory_space<vmem>> -> memref<32x128xf32, #tpu.memory_space<vmem>>
      %dma_start3A_164 = arith.constant 0 : i32
      %dma_start3A_165 = tpu.memref_slice %arg4[%dma_start3A_164, %multiple_of3A_152] : memref<32x1000000xf32, #tpu.memory_space<hbm>> -> memref<32x128xf32, #tpu.memory_space<hbm>>
      tpu.enqueue_dma source(%dma_start3A_165 : memref<32x128xf32, #tpu.memory_space<hbm>>) target(%dma_start3A_163 : memref<32x128xf32, #tpu.memory_space<vmem>>) target_semaphore(%arg19 : memref<!tpu.dma_semaphore, #tpu.memory_space<semaphore_mem>>)
      %eq3A_166 = arith.constant 5 : i32
      %eq3A_167 = vector.broadcast %eq3A_166 : i32 to vector<16xi32>
      %eq3A_168 = arith.cmpi eq, %iota3A, %eq3A_167 : vector<16xi32>
      %jit3A_169 = arith.constant 0 : i32
      %broadcast_in_dim3A_170 = vector.broadcast %jit3A_169 : i32 to vector<16xi32>
      %select_n3A_171 = arith.select %eq3A_168, %shift_right_arithmetic3A_21, %broadcast_in_dim3A_170 : vector<16xi1>, vector<16xi32>
      %reduce_max3A_172 = arith.constant true
      %reduce_max3A_173 = vector.broadcast %reduce_max3A_172 : i1 to vector<16xi1>
      %reduce_max3A_174 = arith.constant -2147483648 : i32
      %reduce_max3A_175 = vector.broadcast %reduce_max3A_174 : i32 to vector<16xi32>
      %reduce_max3A_176 = arith.xori %select_n3A_171, %reduce_max3A_175 : vector<16xi32>
      %reduce_max3A_177 = tpu.scan <max>, %reduce_max3A_176 masked %reduce_max3A_173 : vector<16xi32>, vector<16xi1> -> vector<16xi32>
      %reduce_max3A_178 = arith.xori %reduce_max3A_177, %reduce_max3A_175 : vector<16xi32>
      %reduce_max3A_179 = vector.extract %reduce_max3A_178[15] : i32 from vector<16xi32>
      %mul3A_180 = arith.constant 128 : i32
      %mul3A_181 = arith.muli %reduce_max3A_179, %mul3A_180 : i32
      %multiple_of3A_182 = tpu.assume_multiple %mul3A_181, 128 : i32
      %dma_start3A_183 = arith.constant 5 : i32
      %dma_start3A_184 = arith.constant 0 : i32
      %dma_start3A_185 = arith.constant 0 : i32
      %dma_start3A_186 = tpu.memref_slice %arg14[%dma_start3A_183, %dma_start3A_184, %dma_start3A_185] : memref<16x32x128xf32, #tpu.memory_space<vmem>> -> memref<1x32x128xf32, #tpu.memory_space<vmem>>
      %dma_start3A_187 = tpu.memref_squeeze %dma_start3A_186 : memref<1x32x128xf32, #tpu.memory_space<vmem>> -> memref<32x128xf32, #tpu.memory_space<vmem>>
      %dma_start3A_188 = arith.constant 0 : i32
      %dma_start3A_189 = tpu.memref_slice %arg4[%dma_start3A_188, %multiple_of3A_182] : memref<32x1000000xf32, #tpu.memory_space<hbm>> -> memref<32x128xf32, #tpu.memory_space<hbm>>
      %dma_start3A_190 = arith.constant 0 : i32
      %dma_start3A_191 = arith.constant 0 : i32
      %dma_start3A_192 = tpu.memref_slice %arg14[%dma_start3A_183, %dma_start3A_190, %dma_start3A_191] : memref<16x32x128xf32, #tpu.memory_space<vmem>> -> memref<1x32x128xf32, #tpu.memory_space<vmem>>
      %dma_start3A_193 = tpu.memref_squeeze %dma_start3A_192 : memref<1x32x128xf32, #tpu.memory_space<vmem>> -> memref<32x128xf32, #tpu.memory_space<vmem>>
      %dma_start3A_194 = arith.constant 0 : i32
      %dma_start3A_195 = tpu.memref_slice %arg4[%dma_start3A_194, %multiple_of3A_182] : memref<32x1000000xf32, #tpu.memory_space<hbm>> -> memref<32x128xf32, #tpu.memory_space<hbm>>
      tpu.enqueue_dma source(%dma_start3A_195 : memref<32x128xf32, #tpu.memory_space<hbm>>) target(%dma_start3A_193 : memref<32x128xf32, #tpu.memory_space<vmem>>) target_semaphore(%arg19 : memref<!tpu.dma_semaphore, #tpu.memory_space<semaphore_mem>>)
      %eq3A_196 = arith.constant 6 : i32
      %eq3A_197 = vector.broadcast %eq3A_196 : i32 to vector<16xi32>
      %eq3A_198 = arith.cmpi eq, %iota3A, %eq3A_197 : vector<16xi32>
      %jit3A_199 = arith.constant 0 : i32
      %broadcast_in_dim3A_200 = vector.broadcast %jit3A_199 : i32 to vector<16xi32>
      %select_n3A_201 = arith.select %eq3A_198, %shift_right_arithmetic3A_21, %broadcast_in_dim3A_200 : vector<16xi1>, vector<16xi32>
      %reduce_max3A_202 = arith.constant true
      %reduce_max3A_203 = vector.broadcast %reduce_max3A_202 : i1 to vector<16xi1>
      %reduce_max3A_204 = arith.constant -2147483648 : i32
      %reduce_max3A_205 = vector.broadcast %reduce_max3A_204 : i32 to vector<16xi32>
      %reduce_max3A_206 = arith.xori %select_n3A_201, %reduce_max3A_205 : vector<16xi32>
      %reduce_max3A_207 = tpu.scan <max>, %reduce_max3A_206 masked %reduce_max3A_203 : vector<16xi32>, vector<16xi1> -> vector<16xi32>
      %reduce_max3A_208 = arith.xori %reduce_max3A_207, %reduce_max3A_205 : vector<16xi32>
      %reduce_max3A_209 = vector.extract %reduce_max3A_208[15] : i32 from vector<16xi32>
      %mul3A_210 = arith.constant 128 : i32
      %mul3A_211 = arith.muli %reduce_max3A_209, %mul3A_210 : i32
      %multiple_of3A_212 = tpu.assume_multiple %mul3A_211, 128 : i32
      %dma_start3A_213 = arith.constant 6 : i32
      %dma_start3A_214 = arith.constant 0 : i32
      %dma_start3A_215 = arith.constant 0 : i32
      %dma_start3A_216 = tpu.memref_slice %arg14[%dma_start3A_213, %dma_start3A_214, %dma_start3A_215] : memref<16x32x128xf32, #tpu.memory_space<vmem>> -> memref<1x32x128xf32, #tpu.memory_space<vmem>>
      %dma_start3A_217 = tpu.memref_squeeze %dma_start3A_216 : memref<1x32x128xf32, #tpu.memory_space<vmem>> -> memref<32x128xf32, #tpu.memory_space<vmem>>
      %dma_start3A_218 = arith.constant 0 : i32
      %dma_start3A_219 = tpu.memref_slice %arg4[%dma_start3A_218, %multiple_of3A_212] : memref<32x1000000xf32, #tpu.memory_space<hbm>> -> memref<32x128xf32, #tpu.memory_space<hbm>>
      %dma_start3A_220 = arith.constant 0 : i32
      %dma_start3A_221 = arith.constant 0 : i32
      %dma_start3A_222 = tpu.memref_slice %arg14[%dma_start3A_213, %dma_start3A_220, %dma_start3A_221] : memref<16x32x128xf32, #tpu.memory_space<vmem>> -> memref<1x32x128xf32, #tpu.memory_space<vmem>>
      %dma_start3A_223 = tpu.memref_squeeze %dma_start3A_222 : memref<1x32x128xf32, #tpu.memory_space<vmem>> -> memref<32x128xf32, #tpu.memory_space<vmem>>
      %dma_start3A_224 = arith.constant 0 : i32
      %dma_start3A_225 = tpu.memref_slice %arg4[%dma_start3A_224, %multiple_of3A_212] : memref<32x1000000xf32, #tpu.memory_space<hbm>> -> memref<32x128xf32, #tpu.memory_space<hbm>>
      tpu.enqueue_dma source(%dma_start3A_225 : memref<32x128xf32, #tpu.memory_space<hbm>>) target(%dma_start3A_223 : memref<32x128xf32, #tpu.memory_space<vmem>>) target_semaphore(%arg19 : memref<!tpu.dma_semaphore, #tpu.memory_space<semaphore_mem>>)
      %eq3A_226 = arith.constant 7 : i32
      %eq3A_227 = vector.broadcast %eq3A_226 : i32 to vector<16xi32>
      %eq3A_228 = arith.cmpi eq, %iota3A, %eq3A_227 : vector<16xi32>
      %jit3A_229 = arith.constant 0 : i32
      %broadcast_in_dim3A_230 = vector.broadcast %jit3A_229 : i32 to vector<16xi32>
      %select_n3A_231 = arith.select %eq3A_228, %shift_right_arithmetic3A_21, %broadcast_in_dim3A_230 : vector<16xi1>, vector<16xi32>
      %reduce_max3A_232 = arith.constant true
      %reduce_max3A_233 = vector.broadcast %reduce_max3A_232 : i1 to vector<16xi1>
      %reduce_max3A_234 = arith.constant -2147483648 : i32
      %reduce_max3A_235 = vector.broadcast %reduce_max3A_234 : i32 to vector<16xi32>
      %reduce_max3A_236 = arith.xori %select_n3A_231, %reduce_max3A_235 : vector<16xi32>
      %reduce_max3A_237 = tpu.scan <max>, %reduce_max3A_236 masked %reduce_max3A_233 : vector<16xi32>, vector<16xi1> -> vector<16xi32>
      %reduce_max3A_238 = arith.xori %reduce_max3A_237, %reduce_max3A_235 : vector<16xi32>
      %reduce_max3A_239 = vector.extract %reduce_max3A_238[15] : i32 from vector<16xi32>
      %mul3A_240 = arith.constant 128 : i32
      %mul3A_241 = arith.muli %reduce_max3A_239, %mul3A_240 : i32
      %multiple_of3A_242 = tpu.assume_multiple %mul3A_241, 128 : i32
      %dma_start3A_243 = arith.constant 7 : i32
      %dma_start3A_244 = arith.constant 0 : i32
      %dma_start3A_245 = arith.constant 0 : i32
      %dma_start3A_246 = tpu.memref_slice %arg14[%dma_start3A_243, %dma_start3A_244, %dma_start3A_245] : memref<16x32x128xf32, #tpu.memory_space<vmem>> -> memref<1x32x128xf32, #tpu.memory_space<vmem>>
      %dma_start3A_247 = tpu.memref_squeeze %dma_start3A_246 : memref<1x32x128xf32, #tpu.memory_space<vmem>> -> memref<32x128xf32, #tpu.memory_space<vmem>>
      %dma_start3A_248 = arith.constant 0 : i32
      %dma_start3A_249 = tpu.memref_slice %arg4[%dma_start3A_248, %multiple_of3A_242] : memref<32x1000000xf32, #tpu.memory_space<hbm>> -> memref<32x128xf32, #tpu.memory_space<hbm>>
      %dma_start3A_250 = arith.constant 0 : i32
      %dma_start3A_251 = arith.constant 0 : i32
      %dma_start3A_252 = tpu.memref_slice %arg14[%dma_start3A_243, %dma_start3A_250, %dma_start3A_251] : memref<16x32x128xf32, #tpu.memory_space<vmem>> -> memref<1x32x128xf32, #tpu.memory_space<vmem>>
      %dma_start3A_253 = tpu.memref_squeeze %dma_start3A_252 : memref<1x32x128xf32, #tpu.memory_space<vmem>> -> memref<32x128xf32, #tpu.memory_space<vmem>>
      %dma_start3A_254 = arith.constant 0 : i32
      %dma_start3A_255 = tpu.memref_slice %arg4[%dma_start3A_254, %multiple_of3A_242] : memref<32x1000000xf32, #tpu.memory_space<hbm>> -> memref<32x128xf32, #tpu.memory_space<hbm>>
      tpu.enqueue_dma source(%dma_start3A_255 : memref<32x128xf32, #tpu.memory_space<hbm>>) target(%dma_start3A_253 : memref<32x128xf32, #tpu.memory_space<vmem>>) target_semaphore(%arg19 : memref<!tpu.dma_semaphore, #tpu.memory_space<semaphore_mem>>)
      %eq3A_256 = arith.constant 8 : i32
      %eq3A_257 = vector.broadcast %eq3A_256 : i32 to vector<16xi32>
      %eq3A_258 = arith.cmpi eq, %iota3A, %eq3A_257 : vector<16xi32>
      %jit3A_259 = arith.constant 0 : i32
      %broadcast_in_dim3A_260 = vector.broadcast %jit3A_259 : i32 to vector<16xi32>
      %select_n3A_261 = arith.select %eq3A_258, %shift_right_arithmetic3A_21, %broadcast_in_dim3A_260 : vector<16xi1>, vector<16xi32>
      %reduce_max3A_262 = arith.constant true
      %reduce_max3A_263 = vector.broadcast %reduce_max3A_262 : i1 to vector<16xi1>
      %reduce_max3A_264 = arith.constant -2147483648 : i32
      %reduce_max3A_265 = vector.broadcast %reduce_max3A_264 : i32 to vector<16xi32>
      %reduce_max3A_266 = arith.xori %select_n3A_261, %reduce_max3A_265 : vector<16xi32>
      %reduce_max3A_267 = tpu.scan <max>, %reduce_max3A_266 masked %reduce_max3A_263 : vector<16xi32>, vector<16xi1> -> vector<16xi32>
      %reduce_max3A_268 = arith.xori %reduce_max3A_267, %reduce_max3A_265 : vector<16xi32>
      %reduce_max3A_269 = vector.extract %reduce_max3A_268[15] : i32 from vector<16xi32>
      %mul3A_270 = arith.constant 128 : i32
      %mul3A_271 = arith.muli %reduce_max3A_269, %mul3A_270 : i32
      %multiple_of3A_272 = tpu.assume_multiple %mul3A_271, 128 : i32
      %dma_start3A_273 = arith.constant 8 : i32
      %dma_start3A_274 = arith.constant 0 : i32
      %dma_start3A_275 = arith.constant 0 : i32
      %dma_start3A_276 = tpu.memref_slice %arg14[%dma_start3A_273, %dma_start3A_274, %dma_start3A_275] : memref<16x32x128xf32, #tpu.memory_space<vmem>> -> memref<1x32x128xf32, #tpu.memory_space<vmem>>
      %dma_start3A_277 = tpu.memref_squeeze %dma_start3A_276 : memref<1x32x128xf32, #tpu.memory_space<vmem>> -> memref<32x128xf32, #tpu.memory_space<vmem>>
      %dma_start3A_278 = arith.constant 0 : i32
      %dma_start3A_279 = tpu.memref_slice %arg4[%dma_start3A_278, %multiple_of3A_272] : memref<32x1000000xf32, #tpu.memory_space<hbm>> -> memref<32x128xf32, #tpu.memory_space<hbm>>
      %dma_start3A_280 = arith.constant 0 : i32
      %dma_start3A_281 = arith.constant 0 : i32
      %dma_start3A_282 = tpu.memref_slice %arg14[%dma_start3A_273, %dma_start3A_280, %dma_start3A_281] : memref<16x32x128xf32, #tpu.memory_space<vmem>> -> memref<1x32x128xf32, #tpu.memory_space<vmem>>
      %dma_start3A_283 = tpu.memref_squeeze %dma_start3A_282 : memref<1x32x128xf32, #tpu.memory_space<vmem>> -> memref<32x128xf32, #tpu.memory_space<vmem>>
      %dma_start3A_284 = arith.constant 0 : i32
      %dma_start3A_285 = tpu.memref_slice %arg4[%dma_start3A_284, %multiple_of3A_272] : memref<32x1000000xf32, #tpu.memory_space<hbm>> -> memref<32x128xf32, #tpu.memory_space<hbm>>
      tpu.enqueue_dma source(%dma_start3A_285 : memref<32x128xf32, #tpu.memory_space<hbm>>) target(%dma_start3A_283 : memref<32x128xf32, #tpu.memory_space<vmem>>) target_semaphore(%arg19 : memref<!tpu.dma_semaphore, #tpu.memory_space<semaphore_mem>>)
      %eq3A_286 = arith.constant 9 : i32
      %eq3A_287 = vector.broadcast %eq3A_286 : i32 to vector<16xi32>
      %eq3A_288 = arith.cmpi eq, %iota3A, %eq3A_287 : vector<16xi32>
      %jit3A_289 = arith.constant 0 : i32
      %broadcast_in_dim3A_290 = vector.broadcast %jit3A_289 : i32 to vector<16xi32>
      %select_n3A_291 = arith.select %eq3A_288, %shift_right_arithmetic3A_21, %broadcast_in_dim3A_290 : vector<16xi1>, vector<16xi32>
      %reduce_max3A_292 = arith.constant true
      %reduce_max3A_293 = vector.broadcast %reduce_max3A_292 : i1 to vector<16xi1>
      %reduce_max3A_294 = arith.constant -2147483648 : i32
      %reduce_max3A_295 = vector.broadcast %reduce_max3A_294 : i32 to vector<16xi32>
      %reduce_max3A_296 = arith.xori %select_n3A_291, %reduce_max3A_295 : vector<16xi32>
      %reduce_max3A_297 = tpu.scan <max>, %reduce_max3A_296 masked %reduce_max3A_293 : vector<16xi32>, vector<16xi1> -> vector<16xi32>
      %reduce_max3A_298 = arith.xori %reduce_max3A_297, %reduce_max3A_295 : vector<16xi32>
      %reduce_max3A_299 = vector.extract %reduce_max3A_298[15] : i32 from vector<16xi32>
      %mul3A_300 = arith.constant 128 : i32
      %mul3A_301 = arith.muli %reduce_max3A_299, %mul3A_300 : i32
      %multiple_of3A_302 = tpu.assume_multiple %mul3A_301, 128 : i32
      %dma_start3A_303 = arith.constant 9 : i32
      %dma_start3A_304 = arith.constant 0 : i32
      %dma_start3A_305 = arith.constant 0 : i32
      %dma_start3A_306 = tpu.memref_slice %arg14[%dma_start3A_303, %dma_start3A_304, %dma_start3A_305] : memref<16x32x128xf32, #tpu.memory_space<vmem>> -> memref<1x32x128xf32, #tpu.memory_space<vmem>>
      %dma_start3A_307 = tpu.memref_squeeze %dma_start3A_306 : memref<1x32x128xf32, #tpu.memory_space<vmem>> -> memref<32x128xf32, #tpu.memory_space<vmem>>
      %dma_start3A_308 = arith.constant 0 : i32
      %dma_start3A_309 = tpu.memref_slice %arg4[%dma_start3A_308, %multiple_of3A_302] : memref<32x1000000xf32, #tpu.memory_space<hbm>> -> memref<32x128xf32, #tpu.memory_space<hbm>>
      %dma_start3A_310 = arith.constant 0 : i32
      %dma_start3A_311 = arith.constant 0 : i32
      %dma_start3A_312 = tpu.memref_slice %arg14[%dma_start3A_303, %dma_start3A_310, %dma_start3A_311] : memref<16x32x128xf32, #tpu.memory_space<vmem>> -> memref<1x32x128xf32, #tpu.memory_space<vmem>>
      %dma_start3A_313 = tpu.memref_squeeze %dma_start3A_312 : memref<1x32x128xf32, #tpu.memory_space<vmem>> -> memref<32x128xf32, #tpu.memory_space<vmem>>
      %dma_start3A_314 = arith.constant 0 : i32
      %dma_start3A_315 = tpu.memref_slice %arg4[%dma_start3A_314, %multiple_of3A_302] : memref<32x1000000xf32, #tpu.memory_space<hbm>> -> memref<32x128xf32, #tpu.memory_space<hbm>>
      tpu.enqueue_dma source(%dma_start3A_315 : memref<32x128xf32, #tpu.memory_space<hbm>>) target(%dma_start3A_313 : memref<32x128xf32, #tpu.memory_space<vmem>>) target_semaphore(%arg19 : memref<!tpu.dma_semaphore, #tpu.memory_space<semaphore_mem>>)
      %eq3A_316 = arith.constant 10 : i32
      %eq3A_317 = vector.broadcast %eq3A_316 : i32 to vector<16xi32>
      %eq3A_318 = arith.cmpi eq, %iota3A, %eq3A_317 : vector<16xi32>
      %jit3A_319 = arith.constant 0 : i32
      %broadcast_in_dim3A_320 = vector.broadcast %jit3A_319 : i32 to vector<16xi32>
      %select_n3A_321 = arith.select %eq3A_318, %shift_right_arithmetic3A_21, %broadcast_in_dim3A_320 : vector<16xi1>, vector<16xi32>
      %reduce_max3A_322 = arith.constant true
      %reduce_max3A_323 = vector.broadcast %reduce_max3A_322 : i1 to vector<16xi1>
      %reduce_max3A_324 = arith.constant -2147483648 : i32
      %reduce_max3A_325 = vector.broadcast %reduce_max3A_324 : i32 to vector<16xi32>
      %reduce_max3A_326 = arith.xori %select_n3A_321, %reduce_max3A_325 : vector<16xi32>
      %reduce_max3A_327 = tpu.scan <max>, %reduce_max3A_326 masked %reduce_max3A_323 : vector<16xi32>, vector<16xi1> -> vector<16xi32>
      %reduce_max3A_328 = arith.xori %reduce_max3A_327, %reduce_max3A_325 : vector<16xi32>
      %reduce_max3A_329 = vector.extract %reduce_max3A_328[15] : i32 from vector<16xi32>
      %mul3A_330 = arith.constant 128 : i32
      %mul3A_331 = arith.muli %reduce_max3A_329, %mul3A_330 : i32
      %multiple_of3A_332 = tpu.assume_multiple %mul3A_331, 128 : i32
      %dma_start3A_333 = arith.constant 10 : i32
      %dma_start3A_334 = arith.constant 0 : i32
      %dma_start3A_335 = arith.constant 0 : i32
      %dma_start3A_336 = tpu.memref_slice %arg14[%dma_start3A_333, %dma_start3A_334, %dma_start3A_335] : memref<16x32x128xf32, #tpu.memory_space<vmem>> -> memref<1x32x128xf32, #tpu.memory_space<vmem>>
      %dma_start3A_337 = tpu.memref_squeeze %dma_start3A_336 : memref<1x32x128xf32, #tpu.memory_space<vmem>> -> memref<32x128xf32, #tpu.memory_space<vmem>>
      %dma_start3A_338 = arith.constant 0 : i32
      %dma_start3A_339 = tpu.memref_slice %arg4[%dma_start3A_338, %multiple_of3A_332] : memref<32x1000000xf32, #tpu.memory_space<hbm>> -> memref<32x128xf32, #tpu.memory_space<hbm>>
      %dma_start3A_340 = arith.constant 0 : i32
      %dma_start3A_341 = arith.constant 0 : i32
      %dma_start3A_342 = tpu.memref_slice %arg14[%dma_start3A_333, %dma_start3A_340, %dma_start3A_341] : memref<16x32x128xf32, #tpu.memory_space<vmem>> -> memref<1x32x128xf32, #tpu.memory_space<vmem>>
      %dma_start3A_343 = tpu.memref_squeeze %dma_start3A_342 : memref<1x32x128xf32, #tpu.memory_space<vmem>> -> memref<32x128xf32, #tpu.memory_space<vmem>>
      %dma_start3A_344 = arith.constant 0 : i32
      %dma_start3A_345 = tpu.memref_slice %arg4[%dma_start3A_344, %multiple_of3A_332] : memref<32x1000000xf32, #tpu.memory_space<hbm>> -> memref<32x128xf32, #tpu.memory_space<hbm>>
      tpu.enqueue_dma source(%dma_start3A_345 : memref<32x128xf32, #tpu.memory_space<hbm>>) target(%dma_start3A_343 : memref<32x128xf32, #tpu.memory_space<vmem>>) target_semaphore(%arg19 : memref<!tpu.dma_semaphore, #tpu.memory_space<semaphore_mem>>)
      %eq3A_346 = arith.constant 11 : i32
      %eq3A_347 = vector.broadcast %eq3A_346 : i32 to vector<16xi32>
      %eq3A_348 = arith.cmpi eq, %iota3A, %eq3A_347 : vector<16xi32>
      %jit3A_349 = arith.constant 0 : i32
      %broadcast_in_dim3A_350 = vector.broadcast %jit3A_349 : i32 to vector<16xi32>
      %select_n3A_351 = arith.select %eq3A_348, %shift_right_arithmetic3A_21, %broadcast_in_dim3A_350 : vector<16xi1>, vector<16xi32>
      %reduce_max3A_352 = arith.constant true
      %reduce_max3A_353 = vector.broadcast %reduce_max3A_352 : i1 to vector<16xi1>
      %reduce_max3A_354 = arith.constant -2147483648 : i32
      %reduce_max3A_355 = vector.broadcast %reduce_max3A_354 : i32 to vector<16xi32>
      %reduce_max3A_356 = arith.xori %select_n3A_351, %reduce_max3A_355 : vector<16xi32>
      %reduce_max3A_357 = tpu.scan <max>, %reduce_max3A_356 masked %reduce_max3A_353 : vector<16xi32>, vector<16xi1> -> vector<16xi32>
      %reduce_max3A_358 = arith.xori %reduce_max3A_357, %reduce_max3A_355 : vector<16xi32>
      %reduce_max3A_359 = vector.extract %reduce_max3A_358[15] : i32 from vector<16xi32>
      %mul3A_360 = arith.constant 128 : i32
      %mul3A_361 = arith.muli %reduce_max3A_359, %mul3A_360 : i32
      %multiple_of3A_362 = tpu.assume_multiple %mul3A_361, 128 : i32
      %dma_start3A_363 = arith.constant 11 : i32
      %dma_start3A_364 = arith.constant 0 : i32
      %dma_start3A_365 = arith.constant 0 : i32
      %dma_start3A_366 = tpu.memref_slice %arg14[%dma_start3A_363, %dma_start3A_364, %dma_start3A_365] : memref<16x32x128xf32, #tpu.memory_space<vmem>> -> memref<1x32x128xf32, #tpu.memory_space<vmem>>
      %dma_start3A_367 = tpu.memref_squeeze %dma_start3A_366 : memref<1x32x128xf32, #tpu.memory_space<vmem>> -> memref<32x128xf32, #tpu.memory_space<vmem>>
      %dma_start3A_368 = arith.constant 0 : i32
      %dma_start3A_369 = tpu.memref_slice %arg4[%dma_start3A_368, %multiple_of3A_362] : memref<32x1000000xf32, #tpu.memory_space<hbm>> -> memref<32x128xf32, #tpu.memory_space<hbm>>
      %dma_start3A_370 = arith.constant 0 : i32
      %dma_start3A_371 = arith.constant 0 : i32
      %dma_start3A_372 = tpu.memref_slice %arg14[%dma_start3A_363, %dma_start3A_370, %dma_start3A_371] : memref<16x32x128xf32, #tpu.memory_space<vmem>> -> memref<1x32x128xf32, #tpu.memory_space<vmem>>
      %dma_start3A_373 = tpu.memref_squeeze %dma_start3A_372 : memref<1x32x128xf32, #tpu.memory_space<vmem>> -> memref<32x128xf32, #tpu.memory_space<vmem>>
      %dma_start3A_374 = arith.constant 0 : i32
      %dma_start3A_375 = tpu.memref_slice %arg4[%dma_start3A_374, %multiple_of3A_362] : memref<32x1000000xf32, #tpu.memory_space<hbm>> -> memref<32x128xf32, #tpu.memory_space<hbm>>
      tpu.enqueue_dma source(%dma_start3A_375 : memref<32x128xf32, #tpu.memory_space<hbm>>) target(%dma_start3A_373 : memref<32x128xf32, #tpu.memory_space<vmem>>) target_semaphore(%arg19 : memref<!tpu.dma_semaphore, #tpu.memory_space<semaphore_mem>>)
      %eq3A_376 = arith.constant 12 : i32
      %eq3A_377 = vector.broadcast %eq3A_376 : i32 to vector<16xi32>
      %eq3A_378 = arith.cmpi eq, %iota3A, %eq3A_377 : vector<16xi32>
      %jit3A_379 = arith.constant 0 : i32
      %broadcast_in_dim3A_380 = vector.broadcast %jit3A_379 : i32 to vector<16xi32>
      %select_n3A_381 = arith.select %eq3A_378, %shift_right_arithmetic3A_21, %broadcast_in_dim3A_380 : vector<16xi1>, vector<16xi32>
      %reduce_max3A_382 = arith.constant true
      %reduce_max3A_383 = vector.broadcast %reduce_max3A_382 : i1 to vector<16xi1>
      %reduce_max3A_384 = arith.constant -2147483648 : i32
      %reduce_max3A_385 = vector.broadcast %reduce_max3A_384 : i32 to vector<16xi32>
      %reduce_max3A_386 = arith.xori %select_n3A_381, %reduce_max3A_385 : vector<16xi32>
      %reduce_max3A_387 = tpu.scan <max>, %reduce_max3A_386 masked %reduce_max3A_383 : vector<16xi32>, vector<16xi1> -> vector<16xi32>
      %reduce_max3A_388 = arith.xori %reduce_max3A_387, %reduce_max3A_385 : vector<16xi32>
      %reduce_max3A_389 = vector.extract %reduce_max3A_388[15] : i32 from vector<16xi32>
      %mul3A_390 = arith.constant 128 : i32
      %mul3A_391 = arith.muli %reduce_max3A_389, %mul3A_390 : i32
      %multiple_of3A_392 = tpu.assume_multiple %mul3A_391, 128 : i32
      %dma_start3A_393 = arith.constant 12 : i32
      %dma_start3A_394 = arith.constant 0 : i32
      %dma_start3A_395 = arith.constant 0 : i32
      %dma_start3A_396 = tpu.memref_slice %arg14[%dma_start3A_393, %dma_start3A_394, %dma_start3A_395] : memref<16x32x128xf32, #tpu.memory_space<vmem>> -> memref<1x32x128xf32, #tpu.memory_space<vmem>>
      %dma_start3A_397 = tpu.memref_squeeze %dma_start3A_396 : memref<1x32x128xf32, #tpu.memory_space<vmem>> -> memref<32x128xf32, #tpu.memory_space<vmem>>
      %dma_start3A_398 = arith.constant 0 : i32
      %dma_start3A_399 = tpu.memref_slice %arg4[%dma_start3A_398, %multiple_of3A_392] : memref<32x1000000xf32, #tpu.memory_space<hbm>> -> memref<32x128xf32, #tpu.memory_space<hbm>>
      %dma_start3A_400 = arith.constant 0 : i32
      %dma_start3A_401 = arith.constant 0 : i32
      %dma_start3A_402 = tpu.memref_slice %arg14[%dma_start3A_393, %dma_start3A_400, %dma_start3A_401] : memref<16x32x128xf32, #tpu.memory_space<vmem>> -> memref<1x32x128xf32, #tpu.memory_space<vmem>>
      %dma_start3A_403 = tpu.memref_squeeze %dma_start3A_402 : memref<1x32x128xf32, #tpu.memory_space<vmem>> -> memref<32x128xf32, #tpu.memory_space<vmem>>
      %dma_start3A_404 = arith.constant 0 : i32
      %dma_start3A_405 = tpu.memref_slice %arg4[%dma_start3A_404, %multiple_of3A_392] : memref<32x1000000xf32, #tpu.memory_space<hbm>> -> memref<32x128xf32, #tpu.memory_space<hbm>>
      tpu.enqueue_dma source(%dma_start3A_405 : memref<32x128xf32, #tpu.memory_space<hbm>>) target(%dma_start3A_403 : memref<32x128xf32, #tpu.memory_space<vmem>>) target_semaphore(%arg19 : memref<!tpu.dma_semaphore, #tpu.memory_space<semaphore_mem>>)
      %eq3A_406 = arith.constant 13 : i32
      %eq3A_407 = vector.broadcast %eq3A_406 : i32 to vector<16xi32>
      %eq3A_408 = arith.cmpi eq, %iota3A, %eq3A_407 : vector<16xi32>
      %jit3A_409 = arith.constant 0 : i32
      %broadcast_in_dim3A_410 = vector.broadcast %jit3A_409 : i32 to vector<16xi32>
      %select_n3A_411 = arith.select %eq3A_408, %shift_right_arithmetic3A_21, %broadcast_in_dim3A_410 : vector<16xi1>, vector<16xi32>
      %reduce_max3A_412 = arith.constant true
      %reduce_max3A_413 = vector.broadcast %reduce_max3A_412 : i1 to vector<16xi1>
      %reduce_max3A_414 = arith.constant -2147483648 : i32
      %reduce_max3A_415 = vector.broadcast %reduce_max3A_414 : i32 to vector<16xi32>
      %reduce_max3A_416 = arith.xori %select_n3A_411, %reduce_max3A_415 : vector<16xi32>
      %reduce_max3A_417 = tpu.scan <max>, %reduce_max3A_416 masked %reduce_max3A_413 : vector<16xi32>, vector<16xi1> -> vector<16xi32>
      %reduce_max3A_418 = arith.xori %reduce_max3A_417, %reduce_max3A_415 : vector<16xi32>
      %reduce_max3A_419 = vector.extract %reduce_max3A_418[15] : i32 from vector<16xi32>
      %mul3A_420 = arith.constant 128 : i32
      %mul3A_421 = arith.muli %reduce_max3A_419, %mul3A_420 : i32
      %multiple_of3A_422 = tpu.assume_multiple %mul3A_421, 128 : i32
      %dma_start3A_423 = arith.constant 13 : i32
      %dma_start3A_424 = arith.constant 0 : i32
      %dma_start3A_425 = arith.constant 0 : i32
      %dma_start3A_426 = tpu.memref_slice %arg14[%dma_start3A_423, %dma_start3A_424, %dma_start3A_425] : memref<16x32x128xf32, #tpu.memory_space<vmem>> -> memref<1x32x128xf32, #tpu.memory_space<vmem>>
      %dma_start3A_427 = tpu.memref_squeeze %dma_start3A_426 : memref<1x32x128xf32, #tpu.memory_space<vmem>> -> memref<32x128xf32, #tpu.memory_space<vmem>>
      %dma_start3A_428 = arith.constant 0 : i32
      %dma_start3A_429 = tpu.memref_slice %arg4[%dma_start3A_428, %multiple_of3A_422] : memref<32x1000000xf32, #tpu.memory_space<hbm>> -> memref<32x128xf32, #tpu.memory_space<hbm>>
      %dma_start3A_430 = arith.constant 0 : i32
      %dma_start3A_431 = arith.constant 0 : i32
      %dma_start3A_432 = tpu.memref_slice %arg14[%dma_start3A_423, %dma_start3A_430, %dma_start3A_431] : memref<16x32x128xf32, #tpu.memory_space<vmem>> -> memref<1x32x128xf32, #tpu.memory_space<vmem>>
      %dma_start3A_433 = tpu.memref_squeeze %dma_start3A_432 : memref<1x32x128xf32, #tpu.memory_space<vmem>> -> memref<32x128xf32, #tpu.memory_space<vmem>>
      %dma_start3A_434 = arith.constant 0 : i32
      %dma_start3A_435 = tpu.memref_slice %arg4[%dma_start3A_434, %multiple_of3A_422] : memref<32x1000000xf32, #tpu.memory_space<hbm>> -> memref<32x128xf32, #tpu.memory_space<hbm>>
      tpu.enqueue_dma source(%dma_start3A_435 : memref<32x128xf32, #tpu.memory_space<hbm>>) target(%dma_start3A_433 : memref<32x128xf32, #tpu.memory_space<vmem>>) target_semaphore(%arg19 : memref<!tpu.dma_semaphore, #tpu.memory_space<semaphore_mem>>)
      %eq3A_436 = arith.constant 14 : i32
      %eq3A_437 = vector.broadcast %eq3A_436 : i32 to vector<16xi32>
      %eq3A_438 = arith.cmpi eq, %iota3A, %eq3A_437 : vector<16xi32>
      %jit3A_439 = arith.constant 0 : i32
      %broadcast_in_dim3A_440 = vector.broadcast %jit3A_439 : i32 to vector<16xi32>
      %select_n3A_441 = arith.select %eq3A_438, %shift_right_arithmetic3A_21, %broadcast_in_dim3A_440 : vector<16xi1>, vector<16xi32>
      %reduce_max3A_442 = arith.constant true
      %reduce_max3A_443 = vector.broadcast %reduce_max3A_442 : i1 to vector<16xi1>
      %reduce_max3A_444 = arith.constant -2147483648 : i32
      %reduce_max3A_445 = vector.broadcast %reduce_max3A_444 : i32 to vector<16xi32>
      %reduce_max3A_446 = arith.xori %select_n3A_441, %reduce_max3A_445 : vector<16xi32>
      %reduce_max3A_447 = tpu.scan <max>, %reduce_max3A_446 masked %reduce_max3A_443 : vector<16xi32>, vector<16xi1> -> vector<16xi32>
      %reduce_max3A_448 = arith.xori %reduce_max3A_447, %reduce_max3A_445 : vector<16xi32>
      %reduce_max3A_449 = vector.extract %reduce_max3A_448[15] : i32 from vector<16xi32>
      %mul3A_450 = arith.constant 128 : i32
      %mul3A_451 = arith.muli %reduce_max3A_449, %mul3A_450 : i32
      %multiple_of3A_452 = tpu.assume_multiple %mul3A_451, 128 : i32
      %dma_start3A_453 = arith.constant 14 : i32
      %dma_start3A_454 = arith.constant 0 : i32
      %dma_start3A_455 = arith.constant 0 : i32
      %dma_start3A_456 = tpu.memref_slice %arg14[%dma_start3A_453, %dma_start3A_454, %dma_start3A_455] : memref<16x32x128xf32, #tpu.memory_space<vmem>> -> memref<1x32x128xf32, #tpu.memory_space<vmem>>
      %dma_start3A_457 = tpu.memref_squeeze %dma_start3A_456 : memref<1x32x128xf32, #tpu.memory_space<vmem>> -> memref<32x128xf32, #tpu.memory_space<vmem>>
      %dma_start3A_458 = arith.constant 0 : i32
      %dma_start3A_459 = tpu.memref_slice %arg4[%dma_start3A_458, %multiple_of3A_452] : memref<32x1000000xf32, #tpu.memory_space<hbm>> -> memref<32x128xf32, #tpu.memory_space<hbm>>
      %dma_start3A_460 = arith.constant 0 : i32
      %dma_start3A_461 = arith.constant 0 : i32
      %dma_start3A_462 = tpu.memref_slice %arg14[%dma_start3A_453, %dma_start3A_460, %dma_start3A_461] : memref<16x32x128xf32, #tpu.memory_space<vmem>> -> memref<1x32x128xf32, #tpu.memory_space<vmem>>
      %dma_start3A_463 = tpu.memref_squeeze %dma_start3A_462 : memref<1x32x128xf32, #tpu.memory_space<vmem>> -> memref<32x128xf32, #tpu.memory_space<vmem>>
      %dma_start3A_464 = arith.constant 0 : i32
      %dma_start3A_465 = tpu.memref_slice %arg4[%dma_start3A_464, %multiple_of3A_452] : memref<32x1000000xf32, #tpu.memory_space<hbm>> -> memref<32x128xf32, #tpu.memory_space<hbm>>
      tpu.enqueue_dma source(%dma_start3A_465 : memref<32x128xf32, #tpu.memory_space<hbm>>) target(%dma_start3A_463 : memref<32x128xf32, #tpu.memory_space<vmem>>) target_semaphore(%arg19 : memref<!tpu.dma_semaphore, #tpu.memory_space<semaphore_mem>>)
      %eq3A_466 = arith.constant 15 : i32
      %eq3A_467 = vector.broadcast %eq3A_466 : i32 to vector<16xi32>
      %eq3A_468 = arith.cmpi eq, %iota3A, %eq3A_467 : vector<16xi32>
      %jit3A_469 = arith.constant 0 : i32
      %broadcast_in_dim3A_470 = vector.broadcast %jit3A_469 : i32 to vector<16xi32>
      %select_n3A_471 = arith.select %eq3A_468, %shift_right_arithmetic3A_21, %broadcast_in_dim3A_470 : vector<16xi1>, vector<16xi32>
      %reduce_max3A_472 = arith.constant true
      %reduce_max3A_473 = vector.broadcast %reduce_max3A_472 : i1 to vector<16xi1>
      %reduce_max3A_474 = arith.constant -2147483648 : i32
      %reduce_max3A_475 = vector.broadcast %reduce_max3A_474 : i32 to vector<16xi32>
      %reduce_max3A_476 = arith.xori %select_n3A_471, %reduce_max3A_475 : vector<16xi32>
      %reduce_max3A_477 = tpu.scan <max>, %reduce_max3A_476 masked %reduce_max3A_473 : vector<16xi32>, vector<16xi1> -> vector<16xi32>
      %reduce_max3A_478 = arith.xori %reduce_max3A_477, %reduce_max3A_475 : vector<16xi32>
      %reduce_max3A_479 = vector.extract %reduce_max3A_478[15] : i32 from vector<16xi32>
      %mul3A_480 = arith.constant 128 : i32
      %mul3A_481 = arith.muli %reduce_max3A_479, %mul3A_480 : i32
      %multiple_of3A_482 = tpu.assume_multiple %mul3A_481, 128 : i32
      %dma_start3A_483 = arith.constant 15 : i32
      %dma_start3A_484 = arith.constant 0 : i32
      %dma_start3A_485 = arith.constant 0 : i32
      %dma_start3A_486 = tpu.memref_slice %arg14[%dma_start3A_483, %dma_start3A_484, %dma_start3A_485] : memref<16x32x128xf32, #tpu.memory_space<vmem>> -> memref<1x32x128xf32, #tpu.memory_space<vmem>>
      %dma_start3A_487 = tpu.memref_squeeze %dma_start3A_486 : memref<1x32x128xf32, #tpu.memory_space<vmem>> -> memref<32x128xf32, #tpu.memory_space<vmem>>
      %dma_start3A_488 = arith.constant 0 : i32
      %dma_start3A_489 = tpu.memref_slice %arg4[%dma_start3A_488, %multiple_of3A_482] : memref<32x1000000xf32, #tpu.memory_space<hbm>> -> memref<32x128xf32, #tpu.memory_space<hbm>>
      %dma_start3A_490 = arith.constant 0 : i32
      %dma_start3A_491 = arith.constant 0 : i32
      %dma_start3A_492 = tpu.memref_slice %arg14[%dma_start3A_483, %dma_start3A_490, %dma_start3A_491] : memref<16x32x128xf32, #tpu.memory_space<vmem>> -> memref<1x32x128xf32, #tpu.memory_space<vmem>>
      %dma_start3A_493 = tpu.memref_squeeze %dma_start3A_492 : memref<1x32x128xf32, #tpu.memory_space<vmem>> -> memref<32x128xf32, #tpu.memory_space<vmem>>
      %dma_start3A_494 = arith.constant 0 : i32
      %dma_start3A_495 = tpu.memref_slice %arg4[%dma_start3A_494, %multiple_of3A_482] : memref<32x1000000xf32, #tpu.memory_space<hbm>> -> memref<32x128xf32, #tpu.memory_space<hbm>>
      tpu.enqueue_dma source(%dma_start3A_495 : memref<32x128xf32, #tpu.memory_space<hbm>>) target(%dma_start3A_493 : memref<32x128xf32, #tpu.memory_space<vmem>>) target_semaphore(%arg19 : memref<!tpu.dma_semaphore, #tpu.memory_space<semaphore_mem>>)
      %dma_wait3A_496 = arith.constant 0 : i32
      %dma_wait3A_497 = arith.constant 0 : i32
      %dma_wait3A_498 = arith.constant 0 : i32
      %dma_wait3A_499 = tpu.memref_slice %arg14[%dma_wait3A_496, %dma_wait3A_497, %dma_wait3A_498] : memref<16x32x128xf32, #tpu.memory_space<vmem>> -> memref<1x32x128xf32, #tpu.memory_space<vmem>>
      %dma_wait3A_500 = tpu.memref_squeeze %dma_wait3A_499 : memref<1x32x128xf32, #tpu.memory_space<vmem>> -> memref<32x128xf32, #tpu.memory_space<vmem>>
      %dma_wait3A_501 = arith.constant 0 : i32
      %dma_wait3A_502 = arith.constant 0 : i32
      %dma_wait3A_503 = tpu.memref_slice %arg4[%dma_wait3A_501, %dma_wait3A_502] : memref<32x1000000xf32, #tpu.memory_space<hbm>> -> memref<32x128xf32, #tpu.memory_space<hbm>>
      %dma_wait3A_504 = arith.constant 0 : i32
      %dma_wait3A_505 = arith.constant 0 : i32
      %dma_wait3A_506 = tpu.memref_slice %arg14[%dma_wait3A_496, %dma_wait3A_504, %dma_wait3A_505] : memref<16x32x128xf32, #tpu.memory_space<vmem>> -> memref<1x32x128xf32, #tpu.memory_space<vmem>>
      %dma_wait3A_507 = tpu.memref_squeeze %dma_wait3A_506 : memref<1x32x128xf32, #tpu.memory_space<vmem>> -> memref<32x128xf32, #tpu.memory_space<vmem>>
      %dma_wait3A_508 = arith.constant 0 : i32
      %dma_wait3A_509 = arith.constant 0 : i32
      %dma_wait3A_510 = tpu.memref_slice %arg4[%dma_wait3A_508, %dma_wait3A_509] : memref<32x1000000xf32, #tpu.memory_space<hbm>> -> memref<32x128xf32, #tpu.memory_space<hbm>>
      tpu.wait_dma2 semaphore(%arg19 : memref<!tpu.dma_semaphore, #tpu.memory_space<semaphore_mem>>) src(%dma_wait3A_510 : memref<32x128xf32, #tpu.memory_space<hbm>>) dst(%dma_wait3A_507 : memref<32x128xf32, #tpu.memory_space<vmem>>)
      %dma_wait3A_511 = arith.constant 1 : i32
      %dma_wait3A_512 = arith.constant 0 : i32
      %dma_wait3A_513 = arith.constant 0 : i32
      %dma_wait3A_514 = tpu.memref_slice %arg14[%dma_wait3A_511, %dma_wait3A_512, %dma_wait3A_513] : memref<16x32x128xf32, #tpu.memory_space<vmem>> -> memref<1x32x128xf32, #tpu.memory_space<vmem>>
      %dma_wait3A_515 = tpu.memref_squeeze %dma_wait3A_514 : memref<1x32x128xf32, #tpu.memory_space<vmem>> -> memref<32x128xf32, #tpu.memory_space<vmem>>
      %dma_wait3A_516 = arith.constant 0 : i32
      %dma_wait3A_517 = arith.constant 0 : i32
      %dma_wait3A_518 = tpu.memref_slice %arg4[%dma_wait3A_516, %dma_wait3A_517] : memref<32x1000000xf32, #tpu.memory_space<hbm>> -> memref<32x128xf32, #tpu.memory_space<hbm>>
      %dma_wait3A_519 = arith.constant 0 : i32
      %dma_wait3A_520 = arith.constant 0 : i32
      %dma_wait3A_521 = tpu.memref_slice %arg14[%dma_wait3A_511, %dma_wait3A_519, %dma_wait3A_520] : memref<16x32x128xf32, #tpu.memory_space<vmem>> -> memref<1x32x128xf32, #tpu.memory_space<vmem>>
      %dma_wait3A_522 = tpu.memref_squeeze %dma_wait3A_521 : memref<1x32x128xf32, #tpu.memory_space<vmem>> -> memref<32x128xf32, #tpu.memory_space<vmem>>
      %dma_wait3A_523 = arith.constant 0 : i32
      %dma_wait3A_524 = arith.constant 0 : i32
      %dma_wait3A_525 = tpu.memref_slice %arg4[%dma_wait3A_523, %dma_wait3A_524] : memref<32x1000000xf32, #tpu.memory_space<hbm>> -> memref<32x128xf32, #tpu.memory_space<hbm>>
      tpu.wait_dma2 semaphore(%arg19 : memref<!tpu.dma_semaphore, #tpu.memory_space<semaphore_mem>>) src(%dma_wait3A_525 : memref<32x128xf32, #tpu.memory_space<hbm>>) dst(%dma_wait3A_522 : memref<32x128xf32, #tpu.memory_space<vmem>>)
      %dma_wait3A_526 = arith.constant 2 : i32
      %dma_wait3A_527 = arith.constant 0 : i32
      %dma_wait3A_528 = arith.constant 0 : i32
      %dma_wait3A_529 = tpu.memref_slice %arg14[%dma_wait3A_526, %dma_wait3A_527, %dma_wait3A_528] : memref<16x32x128xf32, #tpu.memory_space<vmem>> -> memref<1x32x128xf32, #tpu.memory_space<vmem>>
      %dma_wait3A_530 = tpu.memref_squeeze %dma_wait3A_529 : memref<1x32x128xf32, #tpu.memory_space<vmem>> -> memref<32x128xf32, #tpu.memory_space<vmem>>
      %dma_wait3A_531 = arith.constant 0 : i32
      %dma_wait3A_532 = arith.constant 0 : i32
      %dma_wait3A_533 = tpu.memref_slice %arg4[%dma_wait3A_531, %dma_wait3A_532] : memref<32x1000000xf32, #tpu.memory_space<hbm>> -> memref<32x128xf32, #tpu.memory_space<hbm>>
      %dma_wait3A_534 = arith.constant 0 : i32
      %dma_wait3A_535 = arith.constant 0 : i32
      %dma_wait3A_536 = tpu.memref_slice %arg14[%dma_wait3A_526, %dma_wait3A_534, %dma_wait3A_535] : memref<16x32x128xf32, #tpu.memory_space<vmem>> -> memref<1x32x128xf32, #tpu.memory_space<vmem>>
      %dma_wait3A_537 = tpu.memref_squeeze %dma_wait3A_536 : memref<1x32x128xf32, #tpu.memory_space<vmem>> -> memref<32x128xf32, #tpu.memory_space<vmem>>
      %dma_wait3A_538 = arith.constant 0 : i32
      %dma_wait3A_539 = arith.constant 0 : i32
      %dma_wait3A_540 = tpu.memref_slice %arg4[%dma_wait3A_538, %dma_wait3A_539] : memref<32x1000000xf32, #tpu.memory_space<hbm>> -> memref<32x128xf32, #tpu.memory_space<hbm>>
      tpu.wait_dma2 semaphore(%arg19 : memref<!tpu.dma_semaphore, #tpu.memory_space<semaphore_mem>>) src(%dma_wait3A_540 : memref<32x128xf32, #tpu.memory_space<hbm>>) dst(%dma_wait3A_537 : memref<32x128xf32, #tpu.memory_space<vmem>>)
      %dma_wait3A_541 = arith.constant 3 : i32
      %dma_wait3A_542 = arith.constant 0 : i32
      %dma_wait3A_543 = arith.constant 0 : i32
      %dma_wait3A_544 = tpu.memref_slice %arg14[%dma_wait3A_541, %dma_wait3A_542, %dma_wait3A_543] : memref<16x32x128xf32, #tpu.memory_space<vmem>> -> memref<1x32x128xf32, #tpu.memory_space<vmem>>
      %dma_wait3A_545 = tpu.memref_squeeze %dma_wait3A_544 : memref<1x32x128xf32, #tpu.memory_space<vmem>> -> memref<32x128xf32, #tpu.memory_space<vmem>>
      %dma_wait3A_546 = arith.constant 0 : i32
      %dma_wait3A_547 = arith.constant 0 : i32
      %dma_wait3A_548 = tpu.memref_slice %arg4[%dma_wait3A_546, %dma_wait3A_547] : memref<32x1000000xf32, #tpu.memory_space<hbm>> -> memref<32x128xf32, #tpu.memory_space<hbm>>
      %dma_wait3A_549 = arith.constant 0 : i32
      %dma_wait3A_550 = arith.constant 0 : i32
      %dma_wait3A_551 = tpu.memref_slice %arg14[%dma_wait3A_541, %dma_wait3A_549, %dma_wait3A_550] : memref<16x32x128xf32, #tpu.memory_space<vmem>> -> memref<1x32x128xf32, #tpu.memory_space<vmem>>
      %dma_wait3A_552 = tpu.memref_squeeze %dma_wait3A_551 : memref<1x32x128xf32, #tpu.memory_space<vmem>> -> memref<32x128xf32, #tpu.memory_space<vmem>>
      %dma_wait3A_553 = arith.constant 0 : i32
      %dma_wait3A_554 = arith.constant 0 : i32
      %dma_wait3A_555 = tpu.memref_slice %arg4[%dma_wait3A_553, %dma_wait3A_554] : memref<32x1000000xf32, #tpu.memory_space<hbm>> -> memref<32x128xf32, #tpu.memory_space<hbm>>
      tpu.wait_dma2 semaphore(%arg19 : memref<!tpu.dma_semaphore, #tpu.memory_space<semaphore_mem>>) src(%dma_wait3A_555 : memref<32x128xf32, #tpu.memory_space<hbm>>) dst(%dma_wait3A_552 : memref<32x128xf32, #tpu.memory_space<vmem>>)
      %dma_wait3A_556 = arith.constant 4 : i32
      %dma_wait3A_557 = arith.constant 0 : i32
      %dma_wait3A_558 = arith.constant 0 : i32
      %dma_wait3A_559 = tpu.memref_slice %arg14[%dma_wait3A_556, %dma_wait3A_557, %dma_wait3A_558] : memref<16x32x128xf32, #tpu.memory_space<vmem>> -> memref<1x32x128xf32, #tpu.memory_space<vmem>>
      %dma_wait3A_560 = tpu.memref_squeeze %dma_wait3A_559 : memref<1x32x128xf32, #tpu.memory_space<vmem>> -> memref<32x128xf32, #tpu.memory_space<vmem>>
      %dma_wait3A_561 = arith.constant 0 : i32
      %dma_wait3A_562 = arith.constant 0 : i32
      %dma_wait3A_563 = tpu.memref_slice %arg4[%dma_wait3A_561, %dma_wait3A_562] : memref<32x1000000xf32, #tpu.memory_space<hbm>> -> memref<32x128xf32, #tpu.memory_space<hbm>>
      %dma_wait3A_564 = arith.constant 0 : i32
      %dma_wait3A_565 = arith.constant 0 : i32
      %dma_wait3A_566 = tpu.memref_slice %arg14[%dma_wait3A_556, %dma_wait3A_564, %dma_wait3A_565] : memref<16x32x128xf32, #tpu.memory_space<vmem>> -> memref<1x32x128xf32, #tpu.memory_space<vmem>>
      %dma_wait3A_567 = tpu.memref_squeeze %dma_wait3A_566 : memref<1x32x128xf32, #tpu.memory_space<vmem>> -> memref<32x128xf32, #tpu.memory_space<vmem>>
      %dma_wait3A_568 = arith.constant 0 : i32
      %dma_wait3A_569 = arith.constant 0 : i32
      %dma_wait3A_570 = tpu.memref_slice %arg4[%dma_wait3A_568, %dma_wait3A_569] : memref<32x1000000xf32, #tpu.memory_space<hbm>> -> memref<32x128xf32, #tpu.memory_space<hbm>>
      tpu.wait_dma2 semaphore(%arg19 : memref<!tpu.dma_semaphore, #tpu.memory_space<semaphore_mem>>) src(%dma_wait3A_570 : memref<32x128xf32, #tpu.memory_space<hbm>>) dst(%dma_wait3A_567 : memref<32x128xf32, #tpu.memory_space<vmem>>)
      %dma_wait3A_571 = arith.constant 5 : i32
      %dma_wait3A_572 = arith.constant 0 : i32
      %dma_wait3A_573 = arith.constant 0 : i32
      %dma_wait3A_574 = tpu.memref_slice %arg14[%dma_wait3A_571, %dma_wait3A_572, %dma_wait3A_573] : memref<16x32x128xf32, #tpu.memory_space<vmem>> -> memref<1x32x128xf32, #tpu.memory_space<vmem>>
      %dma_wait3A_575 = tpu.memref_squeeze %dma_wait3A_574 : memref<1x32x128xf32, #tpu.memory_space<vmem>> -> memref<32x128xf32, #tpu.memory_space<vmem>>
      %dma_wait3A_576 = arith.constant 0 : i32
      %dma_wait3A_577 = arith.constant 0 : i32
      %dma_wait3A_578 = tpu.memref_slice %arg4[%dma_wait3A_576, %dma_wait3A_577] : memref<32x1000000xf32, #tpu.memory_space<hbm>> -> memref<32x128xf32, #tpu.memory_space<hbm>>
      %dma_wait3A_579 = arith.constant 0 : i32
      %dma_wait3A_580 = arith.constant 0 : i32
      %dma_wait3A_581 = tpu.memref_slice %arg14[%dma_wait3A_571, %dma_wait3A_579, %dma_wait3A_580] : memref<16x32x128xf32, #tpu.memory_space<vmem>> -> memref<1x32x128xf32, #tpu.memory_space<vmem>>
      %dma_wait3A_582 = tpu.memref_squeeze %dma_wait3A_581 : memref<1x32x128xf32, #tpu.memory_space<vmem>> -> memref<32x128xf32, #tpu.memory_space<vmem>>
      %dma_wait3A_583 = arith.constant 0 : i32
      %dma_wait3A_584 = arith.constant 0 : i32
      %dma_wait3A_585 = tpu.memref_slice %arg4[%dma_wait3A_583, %dma_wait3A_584] : memref<32x1000000xf32, #tpu.memory_space<hbm>> -> memref<32x128xf32, #tpu.memory_space<hbm>>
      tpu.wait_dma2 semaphore(%arg19 : memref<!tpu.dma_semaphore, #tpu.memory_space<semaphore_mem>>) src(%dma_wait3A_585 : memref<32x128xf32, #tpu.memory_space<hbm>>) dst(%dma_wait3A_582 : memref<32x128xf32, #tpu.memory_space<vmem>>)
      %dma_wait3A_586 = arith.constant 6 : i32
      %dma_wait3A_587 = arith.constant 0 : i32
      %dma_wait3A_588 = arith.constant 0 : i32
      %dma_wait3A_589 = tpu.memref_slice %arg14[%dma_wait3A_586, %dma_wait3A_587, %dma_wait3A_588] : memref<16x32x128xf32, #tpu.memory_space<vmem>> -> memref<1x32x128xf32, #tpu.memory_space<vmem>>
      %dma_wait3A_590 = tpu.memref_squeeze %dma_wait3A_589 : memref<1x32x128xf32, #tpu.memory_space<vmem>> -> memref<32x128xf32, #tpu.memory_space<vmem>>
      %dma_wait3A_591 = arith.constant 0 : i32
      %dma_wait3A_592 = arith.constant 0 : i32
      %dma_wait3A_593 = tpu.memref_slice %arg4[%dma_wait3A_591, %dma_wait3A_592] : memref<32x1000000xf32, #tpu.memory_space<hbm>> -> memref<32x128xf32, #tpu.memory_space<hbm>>
      %dma_wait3A_594 = arith.constant 0 : i32
      %dma_wait3A_595 = arith.constant 0 : i32
      %dma_wait3A_596 = tpu.memref_slice %arg14[%dma_wait3A_586, %dma_wait3A_594, %dma_wait3A_595] : memref<16x32x128xf32, #tpu.memory_space<vmem>> -> memref<1x32x128xf32, #tpu.memory_space<vmem>>
      %dma_wait3A_597 = tpu.memref_squeeze %dma_wait3A_596 : memref<1x32x128xf32, #tpu.memory_space<vmem>> -> memref<32x128xf32, #tpu.memory_space<vmem>>
      %dma_wait3A_598 = arith.constant 0 : i32
      %dma_wait3A_599 = arith.constant 0 : i32
      %dma_wait3A_600 = tpu.memref_slice %arg4[%dma_wait3A_598, %dma_wait3A_599] : memref<32x1000000xf32, #tpu.memory_space<hbm>> -> memref<32x128xf32, #tpu.memory_space<hbm>>
      tpu.wait_dma2 semaphore(%arg19 : memref<!tpu.dma_semaphore, #tpu.memory_space<semaphore_mem>>) src(%dma_wait3A_600 : memref<32x128xf32, #tpu.memory_space<hbm>>) dst(%dma_wait3A_597 : memref<32x128xf32, #tpu.memory_space<vmem>>)
      %dma_wait3A_601 = arith.constant 7 : i32
      %dma_wait3A_602 = arith.constant 0 : i32
      %dma_wait3A_603 = arith.constant 0 : i32
      %dma_wait3A_604 = tpu.memref_slice %arg14[%dma_wait3A_601, %dma_wait3A_602, %dma_wait3A_603] : memref<16x32x128xf32, #tpu.memory_space<vmem>> -> memref<1x32x128xf32, #tpu.memory_space<vmem>>
      %dma_wait3A_605 = tpu.memref_squeeze %dma_wait3A_604 : memref<1x32x128xf32, #tpu.memory_space<vmem>> -> memref<32x128xf32, #tpu.memory_space<vmem>>
      %dma_wait3A_606 = arith.constant 0 : i32
      %dma_wait3A_607 = arith.constant 0 : i32
      %dma_wait3A_608 = tpu.memref_slice %arg4[%dma_wait3A_606, %dma_wait3A_607] : memref<32x1000000xf32, #tpu.memory_space<hbm>> -> memref<32x128xf32, #tpu.memory_space<hbm>>
      %dma_wait3A_609 = arith.constant 0 : i32
      %dma_wait3A_610 = arith.constant 0 : i32
      %dma_wait3A_611 = tpu.memref_slice %arg14[%dma_wait3A_601, %dma_wait3A_609, %dma_wait3A_610] : memref<16x32x128xf32, #tpu.memory_space<vmem>> -> memref<1x32x128xf32, #tpu.memory_space<vmem>>
      %dma_wait3A_612 = tpu.memref_squeeze %dma_wait3A_611 : memref<1x32x128xf32, #tpu.memory_space<vmem>> -> memref<32x128xf32, #tpu.memory_space<vmem>>
      %dma_wait3A_613 = arith.constant 0 : i32
      %dma_wait3A_614 = arith.constant 0 : i32
      %dma_wait3A_615 = tpu.memref_slice %arg4[%dma_wait3A_613, %dma_wait3A_614] : memref<32x1000000xf32, #tpu.memory_space<hbm>> -> memref<32x128xf32, #tpu.memory_space<hbm>>
      tpu.wait_dma2 semaphore(%arg19 : memref<!tpu.dma_semaphore, #tpu.memory_space<semaphore_mem>>) src(%dma_wait3A_615 : memref<32x128xf32, #tpu.memory_space<hbm>>) dst(%dma_wait3A_612 : memref<32x128xf32, #tpu.memory_space<vmem>>)
      %dma_wait3A_616 = arith.constant 8 : i32
      %dma_wait3A_617 = arith.constant 0 : i32
      %dma_wait3A_618 = arith.constant 0 : i32
      %dma_wait3A_619 = tpu.memref_slice %arg14[%dma_wait3A_616, %dma_wait3A_617, %dma_wait3A_618] : memref<16x32x128xf32, #tpu.memory_space<vmem>> -> memref<1x32x128xf32, #tpu.memory_space<vmem>>
      %dma_wait3A_620 = tpu.memref_squeeze %dma_wait3A_619 : memref<1x32x128xf32, #tpu.memory_space<vmem>> -> memref<32x128xf32, #tpu.memory_space<vmem>>
      %dma_wait3A_621 = arith.constant 0 : i32
      %dma_wait3A_622 = arith.constant 0 : i32
      %dma_wait3A_623 = tpu.memref_slice %arg4[%dma_wait3A_621, %dma_wait3A_622] : memref<32x1000000xf32, #tpu.memory_space<hbm>> -> memref<32x128xf32, #tpu.memory_space<hbm>>
      %dma_wait3A_624 = arith.constant 0 : i32
      %dma_wait3A_625 = arith.constant 0 : i32
      %dma_wait3A_626 = tpu.memref_slice %arg14[%dma_wait3A_616, %dma_wait3A_624, %dma_wait3A_625] : memref<16x32x128xf32, #tpu.memory_space<vmem>> -> memref<1x32x128xf32, #tpu.memory_space<vmem>>
      %dma_wait3A_627 = tpu.memref_squeeze %dma_wait3A_626 : memref<1x32x128xf32, #tpu.memory_space<vmem>> -> memref<32x128xf32, #tpu.memory_space<vmem>>
      %dma_wait3A_628 = arith.constant 0 : i32
      %dma_wait3A_629 = arith.constant 0 : i32
      %dma_wait3A_630 = tpu.memref_slice %arg4[%dma_wait3A_628, %dma_wait3A_629] : memref<32x1000000xf32, #tpu.memory_space<hbm>> -> memref<32x128xf32, #tpu.memory_space<hbm>>
      tpu.wait_dma2 semaphore(%arg19 : memref<!tpu.dma_semaphore, #tpu.memory_space<semaphore_mem>>) src(%dma_wait3A_630 : memref<32x128xf32, #tpu.memory_space<hbm>>) dst(%dma_wait3A_627 : memref<32x128xf32, #tpu.memory_space<vmem>>)
      %dma_wait3A_631 = arith.constant 9 : i32
      %dma_wait3A_632 = arith.constant 0 : i32
      %dma_wait3A_633 = arith.constant 0 : i32
      %dma_wait3A_634 = tpu.memref_slice %arg14[%dma_wait3A_631, %dma_wait3A_632, %dma_wait3A_633] : memref<16x32x128xf32, #tpu.memory_space<vmem>> -> memref<1x32x128xf32, #tpu.memory_space<vmem>>
      %dma_wait3A_635 = tpu.memref_squeeze %dma_wait3A_634 : memref<1x32x128xf32, #tpu.memory_space<vmem>> -> memref<32x128xf32, #tpu.memory_space<vmem>>
      %dma_wait3A_636 = arith.constant 0 : i32
      %dma_wait3A_637 = arith.constant 0 : i32
      %dma_wait3A_638 = tpu.memref_slice %arg4[%dma_wait3A_636, %dma_wait3A_637] : memref<32x1000000xf32, #tpu.memory_space<hbm>> -> memref<32x128xf32, #tpu.memory_space<hbm>>
      %dma_wait3A_639 = arith.constant 0 : i32
      %dma_wait3A_640 = arith.constant 0 : i32
      %dma_wait3A_641 = tpu.memref_slice %arg14[%dma_wait3A_631, %dma_wait3A_639, %dma_wait3A_640] : memref<16x32x128xf32, #tpu.memory_space<vmem>> -> memref<1x32x128xf32, #tpu.memory_space<vmem>>
      %dma_wait3A_642 = tpu.memref_squeeze %dma_wait3A_641 : memref<1x32x128xf32, #tpu.memory_space<vmem>> -> memref<32x128xf32, #tpu.memory_space<vmem>>
      %dma_wait3A_643 = arith.constant 0 : i32
      %dma_wait3A_644 = arith.constant 0 : i32
      %dma_wait3A_645 = tpu.memref_slice %arg4[%dma_wait3A_643, %dma_wait3A_644] : memref<32x1000000xf32, #tpu.memory_space<hbm>> -> memref<32x128xf32, #tpu.memory_space<hbm>>
      tpu.wait_dma2 semaphore(%arg19 : memref<!tpu.dma_semaphore, #tpu.memory_space<semaphore_mem>>) src(%dma_wait3A_645 : memref<32x128xf32, #tpu.memory_space<hbm>>) dst(%dma_wait3A_642 : memref<32x128xf32, #tpu.memory_space<vmem>>)
      %dma_wait3A_646 = arith.constant 10 : i32
      %dma_wait3A_647 = arith.constant 0 : i32
      %dma_wait3A_648 = arith.constant 0 : i32
      %dma_wait3A_649 = tpu.memref_slice %arg14[%dma_wait3A_646, %dma_wait3A_647, %dma_wait3A_648] : memref<16x32x128xf32, #tpu.memory_space<vmem>> -> memref<1x32x128xf32, #tpu.memory_space<vmem>>
      %dma_wait3A_650 = tpu.memref_squeeze %dma_wait3A_649 : memref<1x32x128xf32, #tpu.memory_space<vmem>> -> memref<32x128xf32, #tpu.memory_space<vmem>>
      %dma_wait3A_651 = arith.constant 0 : i32
      %dma_wait3A_652 = arith.constant 0 : i32
      %dma_wait3A_653 = tpu.memref_slice %arg4[%dma_wait3A_651, %dma_wait3A_652] : memref<32x1000000xf32, #tpu.memory_space<hbm>> -> memref<32x128xf32, #tpu.memory_space<hbm>>
      %dma_wait3A_654 = arith.constant 0 : i32
      %dma_wait3A_655 = arith.constant 0 : i32
      %dma_wait3A_656 = tpu.memref_slice %arg14[%dma_wait3A_646, %dma_wait3A_654, %dma_wait3A_655] : memref<16x32x128xf32, #tpu.memory_space<vmem>> -> memref<1x32x128xf32, #tpu.memory_space<vmem>>
      %dma_wait3A_657 = tpu.memref_squeeze %dma_wait3A_656 : memref<1x32x128xf32, #tpu.memory_space<vmem>> -> memref<32x128xf32, #tpu.memory_space<vmem>>
      %dma_wait3A_658 = arith.constant 0 : i32
      %dma_wait3A_659 = arith.constant 0 : i32
      %dma_wait3A_660 = tpu.memref_slice %arg4[%dma_wait3A_658, %dma_wait3A_659] : memref<32x1000000xf32, #tpu.memory_space<hbm>> -> memref<32x128xf32, #tpu.memory_space<hbm>>
      tpu.wait_dma2 semaphore(%arg19 : memref<!tpu.dma_semaphore, #tpu.memory_space<semaphore_mem>>) src(%dma_wait3A_660 : memref<32x128xf32, #tpu.memory_space<hbm>>) dst(%dma_wait3A_657 : memref<32x128xf32, #tpu.memory_space<vmem>>)
      %dma_wait3A_661 = arith.constant 11 : i32
      %dma_wait3A_662 = arith.constant 0 : i32
      %dma_wait3A_663 = arith.constant 0 : i32
      %dma_wait3A_664 = tpu.memref_slice %arg14[%dma_wait3A_661, %dma_wait3A_662, %dma_wait3A_663] : memref<16x32x128xf32, #tpu.memory_space<vmem>> -> memref<1x32x128xf32, #tpu.memory_space<vmem>>
      %dma_wait3A_665 = tpu.memref_squeeze %dma_wait3A_664 : memref<1x32x128xf32, #tpu.memory_space<vmem>> -> memref<32x128xf32, #tpu.memory_space<vmem>>
      %dma_wait3A_666 = arith.constant 0 : i32
      %dma_wait3A_667 = arith.constant 0 : i32
      %dma_wait3A_668 = tpu.memref_slice %arg4[%dma_wait3A_666, %dma_wait3A_667] : memref<32x1000000xf32, #tpu.memory_space<hbm>> -> memref<32x128xf32, #tpu.memory_space<hbm>>
      %dma_wait3A_669 = arith.constant 0 : i32
      %dma_wait3A_670 = arith.constant 0 : i32
      %dma_wait3A_671 = tpu.memref_slice %arg14[%dma_wait3A_661, %dma_wait3A_669, %dma_wait3A_670] : memref<16x32x128xf32, #tpu.memory_space<vmem>> -> memref<1x32x128xf32, #tpu.memory_space<vmem>>
      %dma_wait3A_672 = tpu.memref_squeeze %dma_wait3A_671 : memref<1x32x128xf32, #tpu.memory_space<vmem>> -> memref<32x128xf32, #tpu.memory_space<vmem>>
      %dma_wait3A_673 = arith.constant 0 : i32
      %dma_wait3A_674 = arith.constant 0 : i32
      %dma_wait3A_675 = tpu.memref_slice %arg4[%dma_wait3A_673, %dma_wait3A_674] : memref<32x1000000xf32, #tpu.memory_space<hbm>> -> memref<32x128xf32, #tpu.memory_space<hbm>>
      tpu.wait_dma2 semaphore(%arg19 : memref<!tpu.dma_semaphore, #tpu.memory_space<semaphore_mem>>) src(%dma_wait3A_675 : memref<32x128xf32, #tpu.memory_space<hbm>>) dst(%dma_wait3A_672 : memref<32x128xf32, #tpu.memory_space<vmem>>)
      %dma_wait3A_676 = arith.constant 12 : i32
      %dma_wait3A_677 = arith.constant 0 : i32
      %dma_wait3A_678 = arith.constant 0 : i32
      %dma_wait3A_679 = tpu.memref_slice %arg14[%dma_wait3A_676, %dma_wait3A_677, %dma_wait3A_678] : memref<16x32x128xf32, #tpu.memory_space<vmem>> -> memref<1x32x128xf32, #tpu.memory_space<vmem>>
      %dma_wait3A_680 = tpu.memref_squeeze %dma_wait3A_679 : memref<1x32x128xf32, #tpu.memory_space<vmem>> -> memref<32x128xf32, #tpu.memory_space<vmem>>
      %dma_wait3A_681 = arith.constant 0 : i32
      %dma_wait3A_682 = arith.constant 0 : i32
      %dma_wait3A_683 = tpu.memref_slice %arg4[%dma_wait3A_681, %dma_wait3A_682] : memref<32x1000000xf32, #tpu.memory_space<hbm>> -> memref<32x128xf32, #tpu.memory_space<hbm>>
      %dma_wait3A_684 = arith.constant 0 : i32
      %dma_wait3A_685 = arith.constant 0 : i32
      %dma_wait3A_686 = tpu.memref_slice %arg14[%dma_wait3A_676, %dma_wait3A_684, %dma_wait3A_685] : memref<16x32x128xf32, #tpu.memory_space<vmem>> -> memref<1x32x128xf32, #tpu.memory_space<vmem>>
      %dma_wait3A_687 = tpu.memref_squeeze %dma_wait3A_686 : memref<1x32x128xf32, #tpu.memory_space<vmem>> -> memref<32x128xf32, #tpu.memory_space<vmem>>
      %dma_wait3A_688 = arith.constant 0 : i32
      %dma_wait3A_689 = arith.constant 0 : i32
      %dma_wait3A_690 = tpu.memref_slice %arg4[%dma_wait3A_688, %dma_wait3A_689] : memref<32x1000000xf32, #tpu.memory_space<hbm>> -> memref<32x128xf32, #tpu.memory_space<hbm>>
      tpu.wait_dma2 semaphore(%arg19 : memref<!tpu.dma_semaphore, #tpu.memory_space<semaphore_mem>>) src(%dma_wait3A_690 : memref<32x128xf32, #tpu.memory_space<hbm>>) dst(%dma_wait3A_687 : memref<32x128xf32, #tpu.memory_space<vmem>>)
      %dma_wait3A_691 = arith.constant 13 : i32
      %dma_wait3A_692 = arith.constant 0 : i32
      %dma_wait3A_693 = arith.constant 0 : i32
      %dma_wait3A_694 = tpu.memref_slice %arg14[%dma_wait3A_691, %dma_wait3A_692, %dma_wait3A_693] : memref<16x32x128xf32, #tpu.memory_space<vmem>> -> memref<1x32x128xf32, #tpu.memory_space<vmem>>
      %dma_wait3A_695 = tpu.memref_squeeze %dma_wait3A_694 : memref<1x32x128xf32, #tpu.memory_space<vmem>> -> memref<32x128xf32, #tpu.memory_space<vmem>>
      %dma_wait3A_696 = arith.constant 0 : i32
      %dma_wait3A_697 = arith.constant 0 : i32
      %dma_wait3A_698 = tpu.memref_slice %arg4[%dma_wait3A_696, %dma_wait3A_697] : memref<32x1000000xf32, #tpu.memory_space<hbm>> -> memref<32x128xf32, #tpu.memory_space<hbm>>
      %dma_wait3A_699 = arith.constant 0 : i32
      %dma_wait3A_700 = arith.constant 0 : i32
      %dma_wait3A_701 = tpu.memref_slice %arg14[%dma_wait3A_691, %dma_wait3A_699, %dma_wait3A_700] : memref<16x32x128xf32, #tpu.memory_space<vmem>> -> memref<1x32x128xf32, #tpu.memory_space<vmem>>
      %dma_wait3A_702 = tpu.memref_squeeze %dma_wait3A_701 : memref<1x32x128xf32, #tpu.memory_space<vmem>> -> memref<32x128xf32, #tpu.memory_space<vmem>>
      %dma_wait3A_703 = arith.constant 0 : i32
      %dma_wait3A_704 = arith.constant 0 : i32
      %dma_wait3A_705 = tpu.memref_slice %arg4[%dma_wait3A_703, %dma_wait3A_704] : memref<32x1000000xf32, #tpu.memory_space<hbm>> -> memref<32x128xf32, #tpu.memory_space<hbm>>
      tpu.wait_dma2 semaphore(%arg19 : memref<!tpu.dma_semaphore, #tpu.memory_space<semaphore_mem>>) src(%dma_wait3A_705 : memref<32x128xf32, #tpu.memory_space<hbm>>) dst(%dma_wait3A_702 : memref<32x128xf32, #tpu.memory_space<vmem>>)
      %dma_wait3A_706 = arith.constant 14 : i32
      %dma_wait3A_707 = arith.constant 0 : i32
      %dma_wait3A_708 = arith.constant 0 : i32
      %dma_wait3A_709 = tpu.memref_slice %arg14[%dma_wait3A_706, %dma_wait3A_707, %dma_wait3A_708] : memref<16x32x128xf32, #tpu.memory_space<vmem>> -> memref<1x32x128xf32, #tpu.memory_space<vmem>>
      %dma_wait3A_710 = tpu.memref_squeeze %dma_wait3A_709 : memref<1x32x128xf32, #tpu.memory_space<vmem>> -> memref<32x128xf32, #tpu.memory_space<vmem>>
      %dma_wait3A_711 = arith.constant 0 : i32
      %dma_wait3A_712 = arith.constant 0 : i32
      %dma_wait3A_713 = tpu.memref_slice %arg4[%dma_wait3A_711, %dma_wait3A_712] : memref<32x1000000xf32, #tpu.memory_space<hbm>> -> memref<32x128xf32, #tpu.memory_space<hbm>>
      %dma_wait3A_714 = arith.constant 0 : i32
      %dma_wait3A_715 = arith.constant 0 : i32
      %dma_wait3A_716 = tpu.memref_slice %arg14[%dma_wait3A_706, %dma_wait3A_714, %dma_wait3A_715] : memref<16x32x128xf32, #tpu.memory_space<vmem>> -> memref<1x32x128xf32, #tpu.memory_space<vmem>>
      %dma_wait3A_717 = tpu.memref_squeeze %dma_wait3A_716 : memref<1x32x128xf32, #tpu.memory_space<vmem>> -> memref<32x128xf32, #tpu.memory_space<vmem>>
      %dma_wait3A_718 = arith.constant 0 : i32
      %dma_wait3A_719 = arith.constant 0 : i32
      %dma_wait3A_720 = tpu.memref_slice %arg4[%dma_wait3A_718, %dma_wait3A_719] : memref<32x1000000xf32, #tpu.memory_space<hbm>> -> memref<32x128xf32, #tpu.memory_space<hbm>>
      tpu.wait_dma2 semaphore(%arg19 : memref<!tpu.dma_semaphore, #tpu.memory_space<semaphore_mem>>) src(%dma_wait3A_720 : memref<32x128xf32, #tpu.memory_space<hbm>>) dst(%dma_wait3A_717 : memref<32x128xf32, #tpu.memory_space<vmem>>)
      %dma_wait3A_721 = arith.constant 15 : i32
      %dma_wait3A_722 = arith.constant 0 : i32
      %dma_wait3A_723 = arith.constant 0 : i32
      %dma_wait3A_724 = tpu.memref_slice %arg14[%dma_wait3A_721, %dma_wait3A_722, %dma_wait3A_723] : memref<16x32x128xf32, #tpu.memory_space<vmem>> -> memref<1x32x128xf32, #tpu.memory_space<vmem>>
      %dma_wait3A_725 = tpu.memref_squeeze %dma_wait3A_724 : memref<1x32x128xf32, #tpu.memory_space<vmem>> -> memref<32x128xf32, #tpu.memory_space<vmem>>
      %dma_wait3A_726 = arith.constant 0 : i32
      %dma_wait3A_727 = arith.constant 0 : i32
      %dma_wait3A_728 = tpu.memref_slice %arg4[%dma_wait3A_726, %dma_wait3A_727] : memref<32x1000000xf32, #tpu.memory_space<hbm>> -> memref<32x128xf32, #tpu.memory_space<hbm>>
      %dma_wait3A_729 = arith.constant 0 : i32
      %dma_wait3A_730 = arith.constant 0 : i32
      %dma_wait3A_731 = tpu.memref_slice %arg14[%dma_wait3A_721, %dma_wait3A_729, %dma_wait3A_730] : memref<16x32x128xf32, #tpu.memory_space<vmem>> -> memref<1x32x128xf32, #tpu.memory_space<vmem>>
      %dma_wait3A_732 = tpu.memref_squeeze %dma_wait3A_731 : memref<1x32x128xf32, #tpu.memory_space<vmem>> -> memref<32x128xf32, #tpu.memory_space<vmem>>
      %dma_wait3A_733 = arith.constant 0 : i32
      %dma_wait3A_734 = arith.constant 0 : i32
      %dma_wait3A_735 = tpu.memref_slice %arg4[%dma_wait3A_733, %dma_wait3A_734] : memref<32x1000000xf32, #tpu.memory_space<hbm>> -> memref<32x128xf32, #tpu.memory_space<hbm>>
      tpu.wait_dma2 semaphore(%arg19 : memref<!tpu.dma_semaphore, #tpu.memory_space<semaphore_mem>>) src(%dma_wait3A_735 : memref<32x128xf32, #tpu.memory_space<hbm>>) dst(%dma_wait3A_732 : memref<32x128xf32, #tpu.memory_space<vmem>>)
      %and3A = arith.constant 127 : i32
      %and3A_736 = vector.broadcast %and3A : i32 to vector<16xi32>
      %and3A_737 = arith.andi %gather3A, %and3A_736 : vector<16xi32>
      %add3A_738 = vector.broadcast %mul3A_17 : i32 to vector<16xi32>
      %add3A_739 = arith.addi %add3A_738, %iota3A : vector<16xi32>
      %broadcast_in_dim3A_740 = arith.constant 0 : i32
      %broadcast_in_dim3A_741 = vector.broadcast %broadcast_in_dim3A_740 : i32 to vector<16xi32>
      %gather3A_742 = tpu.vector_load_idx %arg14[%iota3A, %broadcast_in_dim3A_741, %and3A_737] : memref<16x32x128xf32, #tpu.memory_space<vmem>>[vector<16xi32>, vector<16xi32>, vector<16xi32>], vector<16xf32>,
      tpu.vector_store_idx %arg15[%broadcast_in_dim3A_741, %add3A_739], %gather3A_742 : memref<32x512xf32, #tpu.memory_space<vmem>>[vector<16xi32>, vector<16xi32>], vector<16xf32>,
      %broadcast_in_dim3A_743 = arith.constant 1 : i32
      %broadcast_in_dim3A_744 = vector.broadcast %broadcast_in_dim3A_743 : i32 to vector<16xi32>
      %gather3A_745 = tpu.vector_load_idx %arg14[%iota3A, %broadcast_in_dim3A_744, %and3A_737] : memref<16x32x128xf32, #tpu.memory_space<vmem>>[vector<16xi32>, vector<16xi32>, vector<16xi32>], vector<16xf32>,
      tpu.vector_store_idx %arg15[%broadcast_in_dim3A_744, %add3A_739], %gather3A_745 : memref<32x512xf32, #tpu.memory_space<vmem>>[vector<16xi32>, vector<16xi32>], vector<16xf32>,
      %broadcast_in_dim3A_746 = arith.constant 2 : i32
      %broadcast_in_dim3A_747 = vector.broadcast %broadcast_in_dim3A_746 : i32 to vector<16xi32>
      %gather3A_748 = tpu.vector_load_idx %arg14[%iota3A, %broadcast_in_dim3A_747, %and3A_737] : memref<16x32x128xf32, #tpu.memory_space<vmem>>[vector<16xi32>, vector<16xi32>, vector<16xi32>], vector<16xf32>,
      tpu.vector_store_idx %arg15[%broadcast_in_dim3A_747, %add3A_739], %gather3A_748 : memref<32x512xf32, #tpu.memory_space<vmem>>[vector<16xi32>, vector<16xi32>], vector<16xf32>,
      %broadcast_in_dim3A_749 = arith.constant 3 : i32
      %broadcast_in_dim3A_750 = vector.broadcast %broadcast_in_dim3A_749 : i32 to vector<16xi32>
      %gather3A_751 = tpu.vector_load_idx %arg14[%iota3A, %broadcast_in_dim3A_750, %and3A_737] : memref<16x32x128xf32, #tpu.memory_space<vmem>>[vector<16xi32>, vector<16xi32>, vector<16xi32>], vector<16xf32>,
      tpu.vector_store_idx %arg15[%broadcast_in_dim3A_750, %add3A_739], %gather3A_751 : memref<32x512xf32, #tpu.memory_space<vmem>>[vector<16xi32>, vector<16xi32>], vector<16xf32>,
      %broadcast_in_dim3A_752 = arith.constant 4 : i32
      %broadcast_in_dim3A_753 = vector.broadcast %broadcast_in_dim3A_752 : i32 to vector<16xi32>
      %gather3A_754 = tpu.vector_load_idx %arg14[%iota3A, %broadcast_in_dim3A_753, %and3A_737] : memref<16x32x128xf32, #tpu.memory_space<vmem>>[vector<16xi32>, vector<16xi32>, vector<16xi32>], vector<16xf32>,
      tpu.vector_store_idx %arg15[%broadcast_in_dim3A_753, %add3A_739], %gather3A_754 : memref<32x512xf32, #tpu.memory_space<vmem>>[vector<16xi32>, vector<16xi32>], vector<16xf32>,
      %broadcast_in_dim3A_755 = arith.constant 5 : i32
      %broadcast_in_dim3A_756 = vector.broadcast %broadcast_in_dim3A_755 : i32 to vector<16xi32>
      %gather3A_757 = tpu.vector_load_idx %arg14[%iota3A, %broadcast_in_dim3A_756, %and3A_737] : memref<16x32x128xf32, #tpu.memory_space<vmem>>[vector<16xi32>, vector<16xi32>, vector<16xi32>], vector<16xf32>,
      tpu.vector_store_idx %arg15[%broadcast_in_dim3A_756, %add3A_739], %gather3A_757 : memref<32x512xf32, #tpu.memory_space<vmem>>[vector<16xi32>, vector<16xi32>], vector<16xf32>,
      %broadcast_in_dim3A_758 = arith.constant 6 : i32
      %broadcast_in_dim3A_759 = vector.broadcast %broadcast_in_dim3A_758 : i32 to vector<16xi32>
      %gather3A_760 = tpu.vector_load_idx %arg14[%iota3A, %broadcast_in_dim3A_759, %and3A_737] : memref<16x32x128xf32, #tpu.memory_space<vmem>>[vector<16xi32>, vector<16xi32>, vector<16xi32>], vector<16xf32>,
      tpu.vector_store_idx %arg15[%broadcast_in_dim3A_759, %add3A_739], %gather3A_760 : memref<32x512xf32, #tpu.memory_space<vmem>>[vector<16xi32>, vector<16xi32>], vector<16xf32>,
      %broadcast_in_dim3A_761 = arith.constant 7 : i32
      %broadcast_in_dim3A_762 = vector.broadcast %broadcast_in_dim3A_761 : i32 to vector<16xi32>
      %gather3A_763 = tpu.vector_load_idx %arg14[%iota3A, %broadcast_in_dim3A_762, %and3A_737] : memref<16x32x128xf32, #tpu.memory_space<vmem>>[vector<16xi32>, vector<16xi32>, vector<16xi32>], vector<16xf32>,
      tpu.vector_store_idx %arg15[%broadcast_in_dim3A_762, %add3A_739], %gather3A_763 : memref<32x512xf32, #tpu.memory_space<vmem>>[vector<16xi32>, vector<16xi32>], vector<16xf32>,
      %broadcast_in_dim3A_764 = arith.constant 8 : i32
      %broadcast_in_dim3A_765 = vector.broadcast %broadcast_in_dim3A_764 : i32 to vector<16xi32>
      %gather3A_766 = tpu.vector_load_idx %arg14[%iota3A, %broadcast_in_dim3A_765, %and3A_737] : memref<16x32x128xf32, #tpu.memory_space<vmem>>[vector<16xi32>, vector<16xi32>, vector<16xi32>], vector<16xf32>,
      tpu.vector_store_idx %arg15[%broadcast_in_dim3A_765, %add3A_739], %gather3A_766 : memref<32x512xf32, #tpu.memory_space<vmem>>[vector<16xi32>, vector<16xi32>], vector<16xf32>,
      %broadcast_in_dim3A_767 = arith.constant 9 : i32
      %broadcast_in_dim3A_768 = vector.broadcast %broadcast_in_dim3A_767 : i32 to vector<16xi32>
      %gather3A_769 = tpu.vector_load_idx %arg14[%iota3A, %broadcast_in_dim3A_768, %and3A_737] : memref<16x32x128xf32, #tpu.memory_space<vmem>>[vector<16xi32>, vector<16xi32>, vector<16xi32>], vector<16xf32>,
      tpu.vector_store_idx %arg15[%broadcast_in_dim3A_768, %add3A_739], %gather3A_769 : memref<32x512xf32, #tpu.memory_space<vmem>>[vector<16xi32>, vector<16xi32>], vector<16xf32>,
      %broadcast_in_dim3A_770 = arith.constant 10 : i32
      %broadcast_in_dim3A_771 = vector.broadcast %broadcast_in_dim3A_770 : i32 to vector<16xi32>
      %gather3A_772 = tpu.vector_load_idx %arg14[%iota3A, %broadcast_in_dim3A_771, %and3A_737] : memref<16x32x128xf32, #tpu.memory_space<vmem>>[vector<16xi32>, vector<16xi32>, vector<16xi32>], vector<16xf32>,
      tpu.vector_store_idx %arg15[%broadcast_in_dim3A_771, %add3A_739], %gather3A_772 : memref<32x512xf32, #tpu.memory_space<vmem>>[vector<16xi32>, vector<16xi32>], vector<16xf32>,
      %broadcast_in_dim3A_773 = arith.constant 11 : i32
      %broadcast_in_dim3A_774 = vector.broadcast %broadcast_in_dim3A_773 : i32 to vector<16xi32>
      %gather3A_775 = tpu.vector_load_idx %arg14[%iota3A, %broadcast_in_dim3A_774, %and3A_737] : memref<16x32x128xf32, #tpu.memory_space<vmem>>[vector<16xi32>, vector<16xi32>, vector<16xi32>], vector<16xf32>,
      tpu.vector_store_idx %arg15[%broadcast_in_dim3A_774, %add3A_739], %gather3A_775 : memref<32x512xf32, #tpu.memory_space<vmem>>[vector<16xi32>, vector<16xi32>], vector<16xf32>,
      %broadcast_in_dim3A_776 = arith.constant 12 : i32
      %broadcast_in_dim3A_777 = vector.broadcast %broadcast_in_dim3A_776 : i32 to vector<16xi32>
      %gather3A_778 = tpu.vector_load_idx %arg14[%iota3A, %broadcast_in_dim3A_777, %and3A_737] : memref<16x32x128xf32, #tpu.memory_space<vmem>>[vector<16xi32>, vector<16xi32>, vector<16xi32>], vector<16xf32>,
      tpu.vector_store_idx %arg15[%broadcast_in_dim3A_777, %add3A_739], %gather3A_778 : memref<32x512xf32, #tpu.memory_space<vmem>>[vector<16xi32>, vector<16xi32>], vector<16xf32>,
      %broadcast_in_dim3A_779 = arith.constant 13 : i32
      %broadcast_in_dim3A_780 = vector.broadcast %broadcast_in_dim3A_779 : i32 to vector<16xi32>
      %gather3A_781 = tpu.vector_load_idx %arg14[%iota3A, %broadcast_in_dim3A_780, %and3A_737] : memref<16x32x128xf32, #tpu.memory_space<vmem>>[vector<16xi32>, vector<16xi32>, vector<16xi32>], vector<16xf32>,
      tpu.vector_store_idx %arg15[%broadcast_in_dim3A_780, %add3A_739], %gather3A_781 : memref<32x512xf32, #tpu.memory_space<vmem>>[vector<16xi32>, vector<16xi32>], vector<16xf32>,
      %broadcast_in_dim3A_782 = arith.constant 14 : i32
      %broadcast_in_dim3A_783 = vector.broadcast %broadcast_in_dim3A_782 : i32 to vector<16xi32>
      %gather3A_784 = tpu.vector_load_idx %arg14[%iota3A, %broadcast_in_dim3A_783, %and3A_737] : memref<16x32x128xf32, #tpu.memory_space<vmem>>[vector<16xi32>, vector<16xi32>, vector<16xi32>], vector<16xf32>,
      tpu.vector_store_idx %arg15[%broadcast_in_dim3A_783, %add3A_739], %gather3A_784 : memref<32x512xf32, #tpu.memory_space<vmem>>[vector<16xi32>, vector<16xi32>], vector<16xf32>,
      %broadcast_in_dim3A_785 = arith.constant 15 : i32
      %broadcast_in_dim3A_786 = vector.broadcast %broadcast_in_dim3A_785 : i32 to vector<16xi32>
      %gather3A_787 = tpu.vector_load_idx %arg14[%iota3A, %broadcast_in_dim3A_786, %and3A_737] : memref<16x32x128xf32, #tpu.memory_space<vmem>>[vector<16xi32>, vector<16xi32>, vector<16xi32>], vector<16xf32>,
      tpu.vector_store_idx %arg15[%broadcast_in_dim3A_786, %add3A_739], %gather3A_787 : memref<32x512xf32, #tpu.memory_space<vmem>>[vector<16xi32>, vector<16xi32>], vector<16xf32>,
      %broadcast_in_dim3A_788 = arith.constant 16 : i32
      %broadcast_in_dim3A_789 = vector.broadcast %broadcast_in_dim3A_788 : i32 to vector<16xi32>
      %gather3A_790 = tpu.vector_load_idx %arg14[%iota3A, %broadcast_in_dim3A_789, %and3A_737] : memref<16x32x128xf32, #tpu.memory_space<vmem>>[vector<16xi32>, vector<16xi32>, vector<16xi32>], vector<16xf32>,
      tpu.vector_store_idx %arg15[%broadcast_in_dim3A_789, %add3A_739], %gather3A_790 : memref<32x512xf32, #tpu.memory_space<vmem>>[vector<16xi32>, vector<16xi32>], vector<16xf32>,
      %broadcast_in_dim3A_791 = arith.constant 17 : i32
      %broadcast_in_dim3A_792 = vector.broadcast %broadcast_in_dim3A_791 : i32 to vector<16xi32>
      %gather3A_793 = tpu.vector_load_idx %arg14[%iota3A, %broadcast_in_dim3A_792, %and3A_737] : memref<16x32x128xf32, #tpu.memory_space<vmem>>[vector<16xi32>, vector<16xi32>, vector<16xi32>], vector<16xf32>,
      tpu.vector_store_idx %arg15[%broadcast_in_dim3A_792, %add3A_739], %gather3A_793 : memref<32x512xf32, #tpu.memory_space<vmem>>[vector<16xi32>, vector<16xi32>], vector<16xf32>,
      %broadcast_in_dim3A_794 = arith.constant 18 : i32
      %broadcast_in_dim3A_795 = vector.broadcast %broadcast_in_dim3A_794 : i32 to vector<16xi32>
      %gather3A_796 = tpu.vector_load_idx %arg14[%iota3A, %broadcast_in_dim3A_795, %and3A_737] : memref<16x32x128xf32, #tpu.memory_space<vmem>>[vector<16xi32>, vector<16xi32>, vector<16xi32>], vector<16xf32>,
      tpu.vector_store_idx %arg15[%broadcast_in_dim3A_795, %add3A_739], %gather3A_796 : memref<32x512xf32, #tpu.memory_space<vmem>>[vector<16xi32>, vector<16xi32>], vector<16xf32>,
      %broadcast_in_dim3A_797 = arith.constant 19 : i32
      %broadcast_in_dim3A_798 = vector.broadcast %broadcast_in_dim3A_797 : i32 to vector<16xi32>
      %gather3A_799 = tpu.vector_load_idx %arg14[%iota3A, %broadcast_in_dim3A_798, %and3A_737] : memref<16x32x128xf32, #tpu.memory_space<vmem>>[vector<16xi32>, vector<16xi32>, vector<16xi32>], vector<16xf32>,
      tpu.vector_store_idx %arg15[%broadcast_in_dim3A_798, %add3A_739], %gather3A_799 : memref<32x512xf32, #tpu.memory_space<vmem>>[vector<16xi32>, vector<16xi32>], vector<16xf32>,
      %broadcast_in_dim3A_800 = arith.constant 20 : i32
      %broadcast_in_dim3A_801 = vector.broadcast %broadcast_in_dim3A_800 : i32 to vector<16xi32>
      %gather3A_802 = tpu.vector_load_idx %arg14[%iota3A, %broadcast_in_dim3A_801, %and3A_737] : memref<16x32x128xf32, #tpu.memory_space<vmem>>[vector<16xi32>, vector<16xi32>, vector<16xi32>], vector<16xf32>,
      tpu.vector_store_idx %arg15[%broadcast_in_dim3A_801, %add3A_739], %gather3A_802 : memref<32x512xf32, #tpu.memory_space<vmem>>[vector<16xi32>, vector<16xi32>], vector<16xf32>,
      %broadcast_in_dim3A_803 = arith.constant 21 : i32
      %broadcast_in_dim3A_804 = vector.broadcast %broadcast_in_dim3A_803 : i32 to vector<16xi32>
      %gather3A_805 = tpu.vector_load_idx %arg14[%iota3A, %broadcast_in_dim3A_804, %and3A_737] : memref<16x32x128xf32, #tpu.memory_space<vmem>>[vector<16xi32>, vector<16xi32>, vector<16xi32>], vector<16xf32>,
      tpu.vector_store_idx %arg15[%broadcast_in_dim3A_804, %add3A_739], %gather3A_805 : memref<32x512xf32, #tpu.memory_space<vmem>>[vector<16xi32>, vector<16xi32>], vector<16xf32>,
      %broadcast_in_dim3A_806 = arith.constant 22 : i32
      %broadcast_in_dim3A_807 = vector.broadcast %broadcast_in_dim3A_806 : i32 to vector<16xi32>
      %gather3A_808 = tpu.vector_load_idx %arg14[%iota3A, %broadcast_in_dim3A_807, %and3A_737] : memref<16x32x128xf32, #tpu.memory_space<vmem>>[vector<16xi32>, vector<16xi32>, vector<16xi32>], vector<16xf32>,
      tpu.vector_store_idx %arg15[%broadcast_in_dim3A_807, %add3A_739], %gather3A_808 : memref<32x512xf32, #tpu.memory_space<vmem>>[vector<16xi32>, vector<16xi32>], vector<16xf32>,
      %broadcast_in_dim3A_809 = arith.constant 23 : i32
      %broadcast_in_dim3A_810 = vector.broadcast %broadcast_in_dim3A_809 : i32 to vector<16xi32>
      %gather3A_811 = tpu.vector_load_idx %arg14[%iota3A, %broadcast_in_dim3A_810, %and3A_737] : memref<16x32x128xf32, #tpu.memory_space<vmem>>[vector<16xi32>, vector<16xi32>, vector<16xi32>], vector<16xf32>,
      tpu.vector_store_idx %arg15[%broadcast_in_dim3A_810, %add3A_739], %gather3A_811 : memref<32x512xf32, #tpu.memory_space<vmem>>[vector<16xi32>, vector<16xi32>], vector<16xf32>,
      %broadcast_in_dim3A_812 = arith.constant 24 : i32
      %broadcast_in_dim3A_813 = vector.broadcast %broadcast_in_dim3A_812 : i32 to vector<16xi32>
      %gather3A_814 = tpu.vector_load_idx %arg14[%iota3A, %broadcast_in_dim3A_813, %and3A_737] : memref<16x32x128xf32, #tpu.memory_space<vmem>>[vector<16xi32>, vector<16xi32>, vector<16xi32>], vector<16xf32>,
      tpu.vector_store_idx %arg15[%broadcast_in_dim3A_813, %add3A_739], %gather3A_814 : memref<32x512xf32, #tpu.memory_space<vmem>>[vector<16xi32>, vector<16xi32>], vector<16xf32>,
      %broadcast_in_dim3A_815 = arith.constant 25 : i32
      %broadcast_in_dim3A_816 = vector.broadcast %broadcast_in_dim3A_815 : i32 to vector<16xi32>
      %gather3A_817 = tpu.vector_load_idx %arg14[%iota3A, %broadcast_in_dim3A_816, %and3A_737] : memref<16x32x128xf32, #tpu.memory_space<vmem>>[vector<16xi32>, vector<16xi32>, vector<16xi32>], vector<16xf32>,
      tpu.vector_store_idx %arg15[%broadcast_in_dim3A_816, %add3A_739], %gather3A_817 : memref<32x512xf32, #tpu.memory_space<vmem>>[vector<16xi32>, vector<16xi32>], vector<16xf32>,
      %broadcast_in_dim3A_818 = arith.constant 26 : i32
      %broadcast_in_dim3A_819 = vector.broadcast %broadcast_in_dim3A_818 : i32 to vector<16xi32>
      %gather3A_820 = tpu.vector_load_idx %arg14[%iota3A, %broadcast_in_dim3A_819, %and3A_737] : memref<16x32x128xf32, #tpu.memory_space<vmem>>[vector<16xi32>, vector<16xi32>, vector<16xi32>], vector<16xf32>,
      tpu.vector_store_idx %arg15[%broadcast_in_dim3A_819, %add3A_739], %gather3A_820 : memref<32x512xf32, #tpu.memory_space<vmem>>[vector<16xi32>, vector<16xi32>], vector<16xf32>,
      %broadcast_in_dim3A_821 = arith.constant 27 : i32
      %broadcast_in_dim3A_822 = vector.broadcast %broadcast_in_dim3A_821 : i32 to vector<16xi32>
      %gather3A_823 = tpu.vector_load_idx %arg14[%iota3A, %broadcast_in_dim3A_822, %and3A_737] : memref<16x32x128xf32, #tpu.memory_space<vmem>>[vector<16xi32>, vector<16xi32>, vector<16xi32>], vector<16xf32>,
      tpu.vector_store_idx %arg15[%broadcast_in_dim3A_822, %add3A_739], %gather3A_823 : memref<32x512xf32, #tpu.memory_space<vmem>>[vector<16xi32>, vector<16xi32>], vector<16xf32>,
      %broadcast_in_dim3A_824 = arith.constant 28 : i32
      %broadcast_in_dim3A_825 = vector.broadcast %broadcast_in_dim3A_824 : i32 to vector<16xi32>
      %gather3A_826 = tpu.vector_load_idx %arg14[%iota3A, %broadcast_in_dim3A_825, %and3A_737] : memref<16x32x128xf32, #tpu.memory_space<vmem>>[vector<16xi32>, vector<16xi32>, vector<16xi32>], vector<16xf32>,
      tpu.vector_store_idx %arg15[%broadcast_in_dim3A_825, %add3A_739], %gather3A_826 : memref<32x512xf32, #tpu.memory_space<vmem>>[vector<16xi32>, vector<16xi32>], vector<16xf32>,
      %broadcast_in_dim3A_827 = arith.constant 29 : i32
      %broadcast_in_dim3A_828 = vector.broadcast %broadcast_in_dim3A_827 : i32 to vector<16xi32>
      %gather3A_829 = tpu.vector_load_idx %arg14[%iota3A, %broadcast_in_dim3A_828, %and3A_737] : memref<16x32x128xf32, #tpu.memory_space<vmem>>[vector<16xi32>, vector<16xi32>, vector<16xi32>], vector<16xf32>,
      tpu.vector_store_idx %arg15[%broadcast_in_dim3A_828, %add3A_739], %gather3A_829 : memref<32x512xf32, #tpu.memory_space<vmem>>[vector<16xi32>, vector<16xi32>], vector<16xf32>,
      %broadcast_in_dim3A_830 = arith.constant 30 : i32
      %broadcast_in_dim3A_831 = vector.broadcast %broadcast_in_dim3A_830 : i32 to vector<16xi32>
      %gather3A_832 = tpu.vector_load_idx %arg14[%iota3A, %broadcast_in_dim3A_831, %and3A_737] : memref<16x32x128xf32, #tpu.memory_space<vmem>>[vector<16xi32>, vector<16xi32>, vector<16xi32>], vector<16xf32>,
      tpu.vector_store_idx %arg15[%broadcast_in_dim3A_831, %add3A_739], %gather3A_832 : memref<32x512xf32, #tpu.memory_space<vmem>>[vector<16xi32>, vector<16xi32>], vector<16xf32>,
      %broadcast_in_dim3A_833 = arith.constant 31 : i32
      %broadcast_in_dim3A_834 = vector.broadcast %broadcast_in_dim3A_833 : i32 to vector<16xi32>
      %gather3A_835 = tpu.vector_load_idx %arg14[%iota3A, %broadcast_in_dim3A_834, %and3A_737] : memref<16x32x128xf32, #tpu.memory_space<vmem>>[vector<16xi32>, vector<16xi32>, vector<16xi32>], vector<16xf32>,
      tpu.vector_store_idx %arg15[%broadcast_in_dim3A_834, %add3A_739], %gather3A_835 : memref<32x512xf32, #tpu.memory_space<vmem>>[vector<16xi32>, vector<16xi32>], vector<16xf32>,
      %add3A_836 = vector.broadcast %mul3A_17 : i32 to vector<16xi32>
      %add3A_837 = arith.addi %add3A_836, %iota3A : vector<16xi32>
      %gather3A_838 = tpu.vector_load_idx %arg13[%add3A_837] : memref<512xi32, #tpu.memory_space<vmem>>[vector<16xi32>], vector<16xi32>,
      %shift_right_arithmetic3A_839 = arith.constant 7 : i32
      %shift_right_arithmetic3A_840 = vector.broadcast %shift_right_arithmetic3A_839 : i32 to vector<16xi32>
      %shift_right_arithmetic3A_841 = arith.shrsi %gather3A_838, %shift_right_arithmetic3A_840 : vector<16xi32>
      %eq3A_842 = arith.constant 0 : i32
      %eq3A_843 = vector.broadcast %eq3A_842 : i32 to vector<16xi32>
      %eq3A_844 = arith.cmpi eq, %iota3A, %eq3A_843 : vector<16xi32>
      %jit3A_845 = arith.constant 0 : i32
      %broadcast_in_dim3A_846 = vector.broadcast %jit3A_845 : i32 to vector<16xi32>
      %select_n3A_847 = arith.select %eq3A_844, %shift_right_arithmetic3A_841, %broadcast_in_dim3A_846 : vector<16xi1>, vector<16xi32>
      %reduce_max3A_848 = arith.constant true
      %reduce_max3A_849 = vector.broadcast %reduce_max3A_848 : i1 to vector<16xi1>
      %reduce_max3A_850 = arith.constant -2147483648 : i32
      %reduce_max3A_851 = vector.broadcast %reduce_max3A_850 : i32 to vector<16xi32>
      %reduce_max3A_852 = arith.xori %select_n3A_847, %reduce_max3A_851 : vector<16xi32>
      %reduce_max3A_853 = tpu.scan <max>, %reduce_max3A_852 masked %reduce_max3A_849 : vector<16xi32>, vector<16xi1> -> vector<16xi32>
      %reduce_max3A_854 = arith.xori %reduce_max3A_853, %reduce_max3A_851 : vector<16xi32>
      %reduce_max3A_855 = vector.extract %reduce_max3A_854[15] : i32 from vector<16xi32>
      %mul3A_856 = arith.constant 128 : i32
      %mul3A_857 = arith.muli %reduce_max3A_855, %mul3A_856 : i32
      %multiple_of3A_858 = tpu.assume_multiple %mul3A_857, 128 : i32
      %dma_start3A_859 = arith.constant 0 : i32
      %dma_start3A_860 = arith.constant 0 : i32
      %dma_start3A_861 = arith.constant 0 : i32
      %dma_start3A_862 = tpu.memref_slice %arg14[%dma_start3A_859, %dma_start3A_860, %dma_start3A_861] : memref<16x32x128xf32, #tpu.memory_space<vmem>> -> memref<1x32x128xf32, #tpu.memory_space<vmem>>
      %dma_start3A_863 = tpu.memref_squeeze %dma_start3A_862 : memref<1x32x128xf32, #tpu.memory_space<vmem>> -> memref<32x128xf32, #tpu.memory_space<vmem>>
      %dma_start3A_864 = arith.constant 0 : i32
      %dma_start3A_865 = tpu.memref_slice %arg5[%dma_start3A_864, %multiple_of3A_858] : memref<32x1000000xf32, #tpu.memory_space<hbm>> -> memref<32x128xf32, #tpu.memory_space<hbm>>
      %dma_start3A_866 = arith.constant 0 : i32
      %dma_start3A_867 = arith.constant 0 : i32
      %dma_start3A_868 = tpu.memref_slice %arg14[%dma_start3A_859, %dma_start3A_866, %dma_start3A_867] : memref<16x32x128xf32, #tpu.memory_space<vmem>> -> memref<1x32x128xf32, #tpu.memory_space<vmem>>
      %dma_start3A_869 = tpu.memref_squeeze %dma_start3A_868 : memref<1x32x128xf32, #tpu.memory_space<vmem>> -> memref<32x128xf32, #tpu.memory_space<vmem>>
      %dma_start3A_870 = arith.constant 0 : i32
      %dma_start3A_871 = tpu.memref_slice %arg5[%dma_start3A_870, %multiple_of3A_858] : memref<32x1000000xf32, #tpu.memory_space<hbm>> -> memref<32x128xf32, #tpu.memory_space<hbm>>
      tpu.enqueue_dma source(%dma_start3A_871 : memref<32x128xf32, #tpu.memory_space<hbm>>) target(%dma_start3A_869 : memref<32x128xf32, #tpu.memory_space<vmem>>) target_semaphore(%arg19 : memref<!tpu.dma_semaphore, #tpu.memory_space<semaphore_mem>>)
      %eq3A_872 = arith.constant 1 : i32
      %eq3A_873 = vector.broadcast %eq3A_872 : i32 to vector<16xi32>
      %eq3A_874 = arith.cmpi eq, %iota3A, %eq3A_873 : vector<16xi32>
      %jit3A_875 = arith.constant 0 : i32
      %broadcast_in_dim3A_876 = vector.broadcast %jit3A_875 : i32 to vector<16xi32>
      %select_n3A_877 = arith.select %eq3A_874, %shift_right_arithmetic3A_841, %broadcast_in_dim3A_876 : vector<16xi1>, vector<16xi32>
      %reduce_max3A_878 = arith.constant true
      %reduce_max3A_879 = vector.broadcast %reduce_max3A_878 : i1 to vector<16xi1>
      %reduce_max3A_880 = arith.constant -2147483648 : i32
      %reduce_max3A_881 = vector.broadcast %reduce_max3A_880 : i32 to vector<16xi32>
      %reduce_max3A_882 = arith.xori %select_n3A_877, %reduce_max3A_881 : vector<16xi32>
      %reduce_max3A_883 = tpu.scan <max>, %reduce_max3A_882 masked %reduce_max3A_879 : vector<16xi32>, vector<16xi1> -> vector<16xi32>
      %reduce_max3A_884 = arith.xori %reduce_max3A_883, %reduce_max3A_881 : vector<16xi32>
      %reduce_max3A_885 = vector.extract %reduce_max3A_884[15] : i32 from vector<16xi32>
      %mul3A_886 = arith.constant 128 : i32
      %mul3A_887 = arith.muli %reduce_max3A_885, %mul3A_886 : i32
      %multiple_of3A_888 = tpu.assume_multiple %mul3A_887, 128 : i32
      %dma_start3A_889 = arith.constant 1 : i32
      %dma_start3A_890 = arith.constant 0 : i32
      %dma_start3A_891 = arith.constant 0 : i32
      %dma_start3A_892 = tpu.memref_slice %arg14[%dma_start3A_889, %dma_start3A_890, %dma_start3A_891] : memref<16x32x128xf32, #tpu.memory_space<vmem>> -> memref<1x32x128xf32, #tpu.memory_space<vmem>>
      %dma_start3A_893 = tpu.memref_squeeze %dma_start3A_892 : memref<1x32x128xf32, #tpu.memory_space<vmem>> -> memref<32x128xf32, #tpu.memory_space<vmem>>
      %dma_start3A_894 = arith.constant 0 : i32
      %dma_start3A_895 = tpu.memref_slice %arg5[%dma_start3A_894, %multiple_of3A_888] : memref<32x1000000xf32, #tpu.memory_space<hbm>> -> memref<32x128xf32, #tpu.memory_space<hbm>>
      %dma_start3A_896 = arith.constant 0 : i32
      %dma_start3A_897 = arith.constant 0 : i32
      %dma_start3A_898 = tpu.memref_slice %arg14[%dma_start3A_889, %dma_start3A_896, %dma_start3A_897] : memref<16x32x128xf32, #tpu.memory_space<vmem>> -> memref<1x32x128xf32, #tpu.memory_space<vmem>>
      %dma_start3A_899 = tpu.memref_squeeze %dma_start3A_898 : memref<1x32x128xf32, #tpu.memory_space<vmem>> -> memref<32x128xf32, #tpu.memory_space<vmem>>
      %dma_start3A_900 = arith.constant 0 : i32
      %dma_start3A_901 = tpu.memref_slice %arg5[%dma_start3A_900, %multiple_of3A_888] : memref<32x1000000xf32, #tpu.memory_space<hbm>> -> memref<32x128xf32, #tpu.memory_space<hbm>>
      tpu.enqueue_dma source(%dma_start3A_901 : memref<32x128xf32, #tpu.memory_space<hbm>>) target(%dma_start3A_899 : memref<32x128xf32, #tpu.memory_space<vmem>>) target_semaphore(%arg19 : memref<!tpu.dma_semaphore, #tpu.memory_space<semaphore_mem>>)
      %eq3A_902 = arith.constant 2 : i32
      %eq3A_903 = vector.broadcast %eq3A_902 : i32 to vector<16xi32>
      %eq3A_904 = arith.cmpi eq, %iota3A, %eq3A_903 : vector<16xi32>
      %jit3A_905 = arith.constant 0 : i32
      %broadcast_in_dim3A_906 = vector.broadcast %jit3A_905 : i32 to vector<16xi32>
      %select_n3A_907 = arith.select %eq3A_904, %shift_right_arithmetic3A_841, %broadcast_in_dim3A_906 : vector<16xi1>, vector<16xi32>
      %reduce_max3A_908 = arith.constant true
      %reduce_max3A_909 = vector.broadcast %reduce_max3A_908 : i1 to vector<16xi1>
      %reduce_max3A_910 = arith.constant -2147483648 : i32
      %reduce_max3A_911 = vector.broadcast %reduce_max3A_910 : i32 to vector<16xi32>
      %reduce_max3A_912 = arith.xori %select_n3A_907, %reduce_max3A_911 : vector<16xi32>
      %reduce_max3A_913 = tpu.scan <max>, %reduce_max3A_912 masked %reduce_max3A_909 : vector<16xi32>, vector<16xi1> -> vector<16xi32>
      %reduce_max3A_914 = arith.xori %reduce_max3A_913, %reduce_max3A_911 : vector<16xi32>
      %reduce_max3A_915 = vector.extract %reduce_max3A_914[15] : i32 from vector<16xi32>
      %mul3A_916 = arith.constant 128 : i32
      %mul3A_917 = arith.muli %reduce_max3A_915, %mul3A_916 : i32
      %multiple_of3A_918 = tpu.assume_multiple %mul3A_917, 128 : i32
      %dma_start3A_919 = arith.constant 2 : i32
      %dma_start3A_920 = arith.constant 0 : i32
      %dma_start3A_921 = arith.constant 0 : i32
      %dma_start3A_922 = tpu.memref_slice %arg14[%dma_start3A_919, %dma_start3A_920, %dma_start3A_921] : memref<16x32x128xf32, #tpu.memory_space<vmem>> -> memref<1x32x128xf32, #tpu.memory_space<vmem>>
      %dma_start3A_923 = tpu.memref_squeeze %dma_start3A_922 : memref<1x32x128xf32, #tpu.memory_space<vmem>> -> memref<32x128xf32, #tpu.memory_space<vmem>>
      %dma_start3A_924 = arith.constant 0 : i32
      %dma_start3A_925 = tpu.memref_slice %arg5[%dma_start3A_924, %multiple_of3A_918] : memref<32x1000000xf32, #tpu.memory_space<hbm>> -> memref<32x128xf32, #tpu.memory_space<hbm>>
      %dma_start3A_926 = arith.constant 0 : i32
      %dma_start3A_927 = arith.constant 0 : i32
      %dma_start3A_928 = tpu.memref_slice %arg14[%dma_start3A_919, %dma_start3A_926, %dma_start3A_927] : memref<16x32x128xf32, #tpu.memory_space<vmem>> -> memref<1x32x128xf32, #tpu.memory_space<vmem>>
      %dma_start3A_929 = tpu.memref_squeeze %dma_start3A_928 : memref<1x32x128xf32, #tpu.memory_space<vmem>> -> memref<32x128xf32, #tpu.memory_space<vmem>>
      %dma_start3A_930 = arith.constant 0 : i32
      %dma_start3A_931 = tpu.memref_slice %arg5[%dma_start3A_930, %multiple_of3A_918] : memref<32x1000000xf32, #tpu.memory_space<hbm>> -> memref<32x128xf32, #tpu.memory_space<hbm>>
      tpu.enqueue_dma source(%dma_start3A_931 : memref<32x128xf32, #tpu.memory_space<hbm>>) target(%dma_start3A_929 : memref<32x128xf32, #tpu.memory_space<vmem>>) target_semaphore(%arg19 : memref<!tpu.dma_semaphore, #tpu.memory_space<semaphore_mem>>)
      %eq3A_932 = arith.constant 3 : i32
      %eq3A_933 = vector.broadcast %eq3A_932 : i32 to vector<16xi32>
      %eq3A_934 = arith.cmpi eq, %iota3A, %eq3A_933 : vector<16xi32>
      %jit3A_935 = arith.constant 0 : i32
      %broadcast_in_dim3A_936 = vector.broadcast %jit3A_935 : i32 to vector<16xi32>
      %select_n3A_937 = arith.select %eq3A_934, %shift_right_arithmetic3A_841, %broadcast_in_dim3A_936 : vector<16xi1>, vector<16xi32>
      %reduce_max3A_938 = arith.constant true
      %reduce_max3A_939 = vector.broadcast %reduce_max3A_938 : i1 to vector<16xi1>
      %reduce_max3A_940 = arith.constant -2147483648 : i32
      %reduce_max3A_941 = vector.broadcast %reduce_max3A_940 : i32 to vector<16xi32>
      %reduce_max3A_942 = arith.xori %select_n3A_937, %reduce_max3A_941 : vector<16xi32>
      %reduce_max3A_943 = tpu.scan <max>, %reduce_max3A_942 masked %reduce_max3A_939 : vector<16xi32>, vector<16xi1> -> vector<16xi32>
      %reduce_max3A_944 = arith.xori %reduce_max3A_943, %reduce_max3A_941 : vector<16xi32>
      %reduce_max3A_945 = vector.extract %reduce_max3A_944[15] : i32 from vector<16xi32>
      %mul3A_946 = arith.constant 128 : i32
      %mul3A_947 = arith.muli %reduce_max3A_945, %mul3A_946 : i32
      %multiple_of3A_948 = tpu.assume_multiple %mul3A_947, 128 : i32
      %dma_start3A_949 = arith.constant 3 : i32
      %dma_start3A_950 = arith.constant 0 : i32
      %dma_start3A_951 = arith.constant 0 : i32
      %dma_start3A_952 = tpu.memref_slice %arg14[%dma_start3A_949, %dma_start3A_950, %dma_start3A_951] : memref<16x32x128xf32, #tpu.memory_space<vmem>> -> memref<1x32x128xf32, #tpu.memory_space<vmem>>
      %dma_start3A_953 = tpu.memref_squeeze %dma_start3A_952 : memref<1x32x128xf32, #tpu.memory_space<vmem>> -> memref<32x128xf32, #tpu.memory_space<vmem>>
      %dma_start3A_954 = arith.constant 0 : i32
      %dma_start3A_955 = tpu.memref_slice %arg5[%dma_start3A_954, %multiple_of3A_948] : memref<32x1000000xf32, #tpu.memory_space<hbm>> -> memref<32x128xf32, #tpu.memory_space<hbm>>
      %dma_start3A_956 = arith.constant 0 : i32
      %dma_start3A_957 = arith.constant 0 : i32
      %dma_start3A_958 = tpu.memref_slice %arg14[%dma_start3A_949, %dma_start3A_956, %dma_start3A_957] : memref<16x32x128xf32, #tpu.memory_space<vmem>> -> memref<1x32x128xf32, #tpu.memory_space<vmem>>
      %dma_start3A_959 = tpu.memref_squeeze %dma_start3A_958 : memref<1x32x128xf32, #tpu.memory_space<vmem>> -> memref<32x128xf32, #tpu.memory_space<vmem>>
      %dma_start3A_960 = arith.constant 0 : i32
      %dma_start3A_961 = tpu.memref_slice %arg5[%dma_start3A_960, %multiple_of3A_948] : memref<32x1000000xf32, #tpu.memory_space<hbm>> -> memref<32x128xf32, #tpu.memory_space<hbm>>
      tpu.enqueue_dma source(%dma_start3A_961 : memref<32x128xf32, #tpu.memory_space<hbm>>) target(%dma_start3A_959 : memref<32x128xf32, #tpu.memory_space<vmem>>) target_semaphore(%arg19 : memref<!tpu.dma_semaphore, #tpu.memory_space<semaphore_mem>>)
      %eq3A_962 = arith.constant 4 : i32
      %eq3A_963 = vector.broadcast %eq3A_962 : i32 to vector<16xi32>
      %eq3A_964 = arith.cmpi eq, %iota3A, %eq3A_963 : vector<16xi32>
      %jit3A_965 = arith.constant 0 : i32
      %broadcast_in_dim3A_966 = vector.broadcast %jit3A_965 : i32 to vector<16xi32>
      %select_n3A_967 = arith.select %eq3A_964, %shift_right_arithmetic3A_841, %broadcast_in_dim3A_966 : vector<16xi1>, vector<16xi32>
      %reduce_max3A_968 = arith.constant true
      %reduce_max3A_969 = vector.broadcast %reduce_max3A_968 : i1 to vector<16xi1>
      %reduce_max3A_970 = arith.constant -2147483648 : i32
      %reduce_max3A_971 = vector.broadcast %reduce_max3A_970 : i32 to vector<16xi32>
      %reduce_max3A_972 = arith.xori %select_n3A_967, %reduce_max3A_971 : vector<16xi32>
      %reduce_max3A_973 = tpu.scan <max>, %reduce_max3A_972 masked %reduce_max3A_969 : vector<16xi32>, vector<16xi1> -> vector<16xi32>
      %reduce_max3A_974 = arith.xori %reduce_max3A_973, %reduce_max3A_971 : vector<16xi32>
      %reduce_max3A_975 = vector.extract %reduce_max3A_974[15] : i32 from vector<16xi32>
      %mul3A_976 = arith.constant 128 : i32
      %mul3A_977 = arith.muli %reduce_max3A_975, %mul3A_976 : i32
      %multiple_of3A_978 = tpu.assume_multiple %mul3A_977, 128 : i32
      %dma_start3A_979 = arith.constant 4 : i32
      %dma_start3A_980 = arith.constant 0 : i32
      %dma_start3A_981 = arith.constant 0 : i32
      %dma_start3A_982 = tpu.memref_slice %arg14[%dma_start3A_979, %dma_start3A_980, %dma_start3A_981] : memref<16x32x128xf32, #tpu.memory_space<vmem>> -> memref<1x32x128xf32, #tpu.memory_space<vmem>>
      %dma_start3A_983 = tpu.memref_squeeze %dma_start3A_982 : memref<1x32x128xf32, #tpu.memory_space<vmem>> -> memref<32x128xf32, #tpu.memory_space<vmem>>
      %dma_start3A_984 = arith.constant 0 : i32
      %dma_start3A_985 = tpu.memref_slice %arg5[%dma_start3A_984, %multiple_of3A_978] : memref<32x1000000xf32, #tpu.memory_space<hbm>> -> memref<32x128xf32, #tpu.memory_space<hbm>>
      %dma_start3A_986 = arith.constant 0 : i32
      %dma_start3A_987 = arith.constant 0 : i32
      %dma_start3A_988 = tpu.memref_slice %arg14[%dma_start3A_979, %dma_start3A_986, %dma_start3A_987] : memref<16x32x128xf32, #tpu.memory_space<vmem>> -> memref<1x32x128xf32, #tpu.memory_space<vmem>>
      %dma_start3A_989 = tpu.memref_squeeze %dma_start3A_988 : memref<1x32x128xf32, #tpu.memory_space<vmem>> -> memref<32x128xf32, #tpu.memory_space<vmem>>
      %dma_start3A_990 = arith.constant 0 : i32
      %dma_start3A_991 = tpu.memref_slice %arg5[%dma_start3A_990, %multiple_of3A_978] : memref<32x1000000xf32, #tpu.memory_space<hbm>> -> memref<32x128xf32, #tpu.memory_space<hbm>>
      tpu.enqueue_dma source(%dma_start3A_991 : memref<32x128xf32, #tpu.memory_space<hbm>>) target(%dma_start3A_989 : memref<32x128xf32, #tpu.memory_space<vmem>>) target_semaphore(%arg19 : memref<!tpu.dma_semaphore, #tpu.memory_space<semaphore_mem>>)
      %eq3A_992 = arith.constant 5 : i32
      %eq3A_993 = vector.broadcast %eq3A_992 : i32 to vector<16xi32>
      %eq3A_994 = arith.cmpi eq, %iota3A, %eq3A_993 : vector<16xi32>
      %jit3A_995 = arith.constant 0 : i32
      %broadcast_in_dim3A_996 = vector.broadcast %jit3A_995 : i32 to vector<16xi32>
      %select_n3A_997 = arith.select %eq3A_994, %shift_right_arithmetic3A_841, %broadcast_in_dim3A_996 : vector<16xi1>, vector<16xi32>
      %reduce_max3A_998 = arith.constant true
      %reduce_max3A_999 = vector.broadcast %reduce_max3A_998 : i1 to vector<16xi1>
      %reduce_max3A_1000 = arith.constant -2147483648 : i32
      %reduce_max3A_1001 = vector.broadcast %reduce_max3A_1000 : i32 to vector<16xi32>
      %reduce_max3A_1002 = arith.xori %select_n3A_997, %reduce_max3A_1001 : vector<16xi32>
      %reduce_max3A_1003 = tpu.scan <max>, %reduce_max3A_1002 masked %reduce_max3A_999 : vector<16xi32>, vector<16xi1> -> vector<16xi32>
      %reduce_max3A_1004 = arith.xori %reduce_max3A_1003, %reduce_max3A_1001 : vector<16xi32>
      %reduce_max3A_1005 = vector.extract %reduce_max3A_1004[15] : i32 from vector<16xi32>
      %mul3A_1006 = arith.constant 128 : i32
      %mul3A_1007 = arith.muli %reduce_max3A_1005, %mul3A_1006 : i32
      %multiple_of3A_1008 = tpu.assume_multiple %mul3A_1007, 128 : i32
      %dma_start3A_1009 = arith.constant 5 : i32
      %dma_start3A_1010 = arith.constant 0 : i32
      %dma_start3A_1011 = arith.constant 0 : i32
      %dma_start3A_1012 = tpu.memref_slice %arg14[%dma_start3A_1009, %dma_start3A_1010, %dma_start3A_1011] : memref<16x32x128xf32, #tpu.memory_space<vmem>> -> memref<1x32x128xf32, #tpu.memory_space<vmem>>
      %dma_start3A_1013 = tpu.memref_squeeze %dma_start3A_1012 : memref<1x32x128xf32, #tpu.memory_space<vmem>> -> memref<32x128xf32, #tpu.memory_space<vmem>>
      %dma_start3A_1014 = arith.constant 0 : i32
      %dma_start3A_1015 = tpu.memref_slice %arg5[%dma_start3A_1014, %multiple_of3A_1008] : memref<32x1000000xf32, #tpu.memory_space<hbm>> -> memref<32x128xf32, #tpu.memory_space<hbm>>
      %dma_start3A_1016 = arith.constant 0 : i32
      %dma_start3A_1017 = arith.constant 0 : i32
      %dma_start3A_1018 = tpu.memref_slice %arg14[%dma_start3A_1009, %dma_start3A_1016, %dma_start3A_1017] : memref<16x32x128xf32, #tpu.memory_space<vmem>> -> memref<1x32x128xf32, #tpu.memory_space<vmem>>
      %dma_start3A_1019 = tpu.memref_squeeze %dma_start3A_1018 : memref<1x32x128xf32, #tpu.memory_space<vmem>> -> memref<32x128xf32, #tpu.memory_space<vmem>>
      %dma_start3A_1020 = arith.constant 0 : i32
      %dma_start3A_1021 = tpu.memref_slice %arg5[%dma_start3A_1020, %multiple_of3A_1008] : memref<32x1000000xf32, #tpu.memory_space<hbm>> -> memref<32x128xf32, #tpu.memory_space<hbm>>
      tpu.enqueue_dma source(%dma_start3A_1021 : memref<32x128xf32, #tpu.memory_space<hbm>>) target(%dma_start3A_1019 : memref<32x128xf32, #tpu.memory_space<vmem>>) target_semaphore(%arg19 : memref<!tpu.dma_semaphore, #tpu.memory_space<semaphore_mem>>)
      %eq3A_1022 = arith.constant 6 : i32
      %eq3A_1023 = vector.broadcast %eq3A_1022 : i32 to vector<16xi32>
      %eq3A_1024 = arith.cmpi eq, %iota3A, %eq3A_1023 : vector<16xi32>
      %jit3A_1025 = arith.constant 0 : i32
      %broadcast_in_dim3A_1026 = vector.broadcast %jit3A_1025 : i32 to vector<16xi32>
      %select_n3A_1027 = arith.select %eq3A_1024, %shift_right_arithmetic3A_841, %broadcast_in_dim3A_1026 : vector<16xi1>, vector<16xi32>
      %reduce_max3A_1028 = arith.constant true
      %reduce_max3A_1029 = vector.broadcast %reduce_max3A_1028 : i1 to vector<16xi1>
      %reduce_max3A_1030 = arith.constant -2147483648 : i32
      %reduce_max3A_1031 = vector.broadcast %reduce_max3A_1030 : i32 to vector<16xi32>
      %reduce_max3A_1032 = arith.xori %select_n3A_1027, %reduce_max3A_1031 : vector<16xi32>
      %reduce_max3A_1033 = tpu.scan <max>, %reduce_max3A_1032 masked %reduce_max3A_1029 : vector<16xi32>, vector<16xi1> -> vector<16xi32>
      %reduce_max3A_1034 = arith.xori %reduce_max3A_1033, %reduce_max3A_1031 : vector<16xi32>
      %reduce_max3A_1035 = vector.extract %reduce_max3A_1034[15] : i32 from vector<16xi32>
      %mul3A_1036 = arith.constant 128 : i32
      %mul3A_1037 = arith.muli %reduce_max3A_1035, %mul3A_1036 : i32
      %multiple_of3A_1038 = tpu.assume_multiple %mul3A_1037, 128 : i32
      %dma_start3A_1039 = arith.constant 6 : i32
      %dma_start3A_1040 = arith.constant 0 : i32
      %dma_start3A_1041 = arith.constant 0 : i32
      %dma_start3A_1042 = tpu.memref_slice %arg14[%dma_start3A_1039, %dma_start3A_1040, %dma_start3A_1041] : memref<16x32x128xf32, #tpu.memory_space<vmem>> -> memref<1x32x128xf32, #tpu.memory_space<vmem>>
      %dma_start3A_1043 = tpu.memref_squeeze %dma_start3A_1042 : memref<1x32x128xf32, #tpu.memory_space<vmem>> -> memref<32x128xf32, #tpu.memory_space<vmem>>
      %dma_start3A_1044 = arith.constant 0 : i32
      %dma_start3A_1045 = tpu.memref_slice %arg5[%dma_start3A_1044, %multiple_of3A_1038] : memref<32x1000000xf32, #tpu.memory_space<hbm>> -> memref<32x128xf32, #tpu.memory_space<hbm>>
      %dma_start3A_1046 = arith.constant 0 : i32
      %dma_start3A_1047 = arith.constant 0 : i32
      %dma_start3A_1048 = tpu.memref_slice %arg14[%dma_start3A_1039, %dma_start3A_1046, %dma_start3A_1047] : memref<16x32x128xf32, #tpu.memory_space<vmem>> -> memref<1x32x128xf32, #tpu.memory_space<vmem>>
      %dma_start3A_1049 = tpu.memref_squeeze %dma_start3A_1048 : memref<1x32x128xf32, #tpu.memory_space<vmem>> -> memref<32x128xf32, #tpu.memory_space<vmem>>
      %dma_start3A_1050 = arith.constant 0 : i32
      %dma_start3A_1051 = tpu.memref_slice %arg5[%dma_start3A_1050, %multiple_of3A_1038] : memref<32x1000000xf32, #tpu.memory_space<hbm>> -> memref<32x128xf32, #tpu.memory_space<hbm>>
      tpu.enqueue_dma source(%dma_start3A_1051 : memref<32x128xf32, #tpu.memory_space<hbm>>) target(%dma_start3A_1049 : memref<32x128xf32, #tpu.memory_space<vmem>>) target_semaphore(%arg19 : memref<!tpu.dma_semaphore, #tpu.memory_space<semaphore_mem>>)
      %eq3A_1052 = arith.constant 7 : i32
      %eq3A_1053 = vector.broadcast %eq3A_1052 : i32 to vector<16xi32>
      %eq3A_1054 = arith.cmpi eq, %iota3A, %eq3A_1053 : vector<16xi32>
      %jit3A_1055 = arith.constant 0 : i32
      %broadcast_in_dim3A_1056 = vector.broadcast %jit3A_1055 : i32 to vector<16xi32>
      %select_n3A_1057 = arith.select %eq3A_1054, %shift_right_arithmetic3A_841, %broadcast_in_dim3A_1056 : vector<16xi1>, vector<16xi32>
      %reduce_max3A_1058 = arith.constant true
      %reduce_max3A_1059 = vector.broadcast %reduce_max3A_1058 : i1 to vector<16xi1>
      %reduce_max3A_1060 = arith.constant -2147483648 : i32
      %reduce_max3A_1061 = vector.broadcast %reduce_max3A_1060 : i32 to vector<16xi32>
      %reduce_max3A_1062 = arith.xori %select_n3A_1057, %reduce_max3A_1061 : vector<16xi32>
      %reduce_max3A_1063 = tpu.scan <max>, %reduce_max3A_1062 masked %reduce_max3A_1059 : vector<16xi32>, vector<16xi1> -> vector<16xi32>
      %reduce_max3A_1064 = arith.xori %reduce_max3A_1063, %reduce_max3A_1061 : vector<16xi32>
      %reduce_max3A_1065 = vector.extract %reduce_max3A_1064[15] : i32 from vector<16xi32>
      %mul3A_1066 = arith.constant 128 : i32
      %mul3A_1067 = arith.muli %reduce_max3A_1065, %mul3A_1066 : i32
      %multiple_of3A_1068 = tpu.assume_multiple %mul3A_1067, 128 : i32
      %dma_start3A_1069 = arith.constant 7 : i32
      %dma_start3A_1070 = arith.constant 0 : i32
      %dma_start3A_1071 = arith.constant 0 : i32
      %dma_start3A_1072 = tpu.memref_slice %arg14[%dma_start3A_1069, %dma_start3A_1070, %dma_start3A_1071] : memref<16x32x128xf32, #tpu.memory_space<vmem>> -> memref<1x32x128xf32, #tpu.memory_space<vmem>>
      %dma_start3A_1073 = tpu.memref_squeeze %dma_start3A_1072 : memref<1x32x128xf32, #tpu.memory_space<vmem>> -> memref<32x128xf32, #tpu.memory_space<vmem>>
      %dma_start3A_1074 = arith.constant 0 : i32
      %dma_start3A_1075 = tpu.memref_slice %arg5[%dma_start3A_1074, %multiple_of3A_1068] : memref<32x1000000xf32, #tpu.memory_space<hbm>> -> memref<32x128xf32, #tpu.memory_space<hbm>>
      %dma_start3A_1076 = arith.constant 0 : i32
      %dma_start3A_1077 = arith.constant 0 : i32
      %dma_start3A_1078 = tpu.memref_slice %arg14[%dma_start3A_1069, %dma_start3A_1076, %dma_start3A_1077] : memref<16x32x128xf32, #tpu.memory_space<vmem>> -> memref<1x32x128xf32, #tpu.memory_space<vmem>>
      %dma_start3A_1079 = tpu.memref_squeeze %dma_start3A_1078 : memref<1x32x128xf32, #tpu.memory_space<vmem>> -> memref<32x128xf32, #tpu.memory_space<vmem>>
      %dma_start3A_1080 = arith.constant 0 : i32
      %dma_start3A_1081 = tpu.memref_slice %arg5[%dma_start3A_1080, %multiple_of3A_1068] : memref<32x1000000xf32, #tpu.memory_space<hbm>> -> memref<32x128xf32, #tpu.memory_space<hbm>>
      tpu.enqueue_dma source(%dma_start3A_1081 : memref<32x128xf32, #tpu.memory_space<hbm>>) target(%dma_start3A_1079 : memref<32x128xf32, #tpu.memory_space<vmem>>) target_semaphore(%arg19 : memref<!tpu.dma_semaphore, #tpu.memory_space<semaphore_mem>>)
      %eq3A_1082 = arith.constant 8 : i32
      %eq3A_1083 = vector.broadcast %eq3A_1082 : i32 to vector<16xi32>
      %eq3A_1084 = arith.cmpi eq, %iota3A, %eq3A_1083 : vector<16xi32>
      %jit3A_1085 = arith.constant 0 : i32
      %broadcast_in_dim3A_1086 = vector.broadcast %jit3A_1085 : i32 to vector<16xi32>
      %select_n3A_1087 = arith.select %eq3A_1084, %shift_right_arithmetic3A_841, %broadcast_in_dim3A_1086 : vector<16xi1>, vector<16xi32>
      %reduce_max3A_1088 = arith.constant true
      %reduce_max3A_1089 = vector.broadcast %reduce_max3A_1088 : i1 to vector<16xi1>
      %reduce_max3A_1090 = arith.constant -2147483648 : i32
      %reduce_max3A_1091 = vector.broadcast %reduce_max3A_1090 : i32 to vector<16xi32>
      %reduce_max3A_1092 = arith.xori %select_n3A_1087, %reduce_max3A_1091 : vector<16xi32>
      %reduce_max3A_1093 = tpu.scan <max>, %reduce_max3A_1092 masked %reduce_max3A_1089 : vector<16xi32>, vector<16xi1> -> vector<16xi32>
      %reduce_max3A_1094 = arith.xori %reduce_max3A_1093, %reduce_max3A_1091 : vector<16xi32>
      %reduce_max3A_1095 = vector.extract %reduce_max3A_1094[15] : i32 from vector<16xi32>
      %mul3A_1096 = arith.constant 128 : i32
      %mul3A_1097 = arith.muli %reduce_max3A_1095, %mul3A_1096 : i32
      %multiple_of3A_1098 = tpu.assume_multiple %mul3A_1097, 128 : i32
      %dma_start3A_1099 = arith.constant 8 : i32
      %dma_start3A_1100 = arith.constant 0 : i32
      %dma_start3A_1101 = arith.constant 0 : i32
      %dma_start3A_1102 = tpu.memref_slice %arg14[%dma_start3A_1099, %dma_start3A_1100, %dma_start3A_1101] : memref<16x32x128xf32, #tpu.memory_space<vmem>> -> memref<1x32x128xf32, #tpu.memory_space<vmem>>
      %dma_start3A_1103 = tpu.memref_squeeze %dma_start3A_1102 : memref<1x32x128xf32, #tpu.memory_space<vmem>> -> memref<32x128xf32, #tpu.memory_space<vmem>>
      %dma_start3A_1104 = arith.constant 0 : i32
      %dma_start3A_1105 = tpu.memref_slice %arg5[%dma_start3A_1104, %multiple_of3A_1098] : memref<32x1000000xf32, #tpu.memory_space<hbm>> -> memref<32x128xf32, #tpu.memory_space<hbm>>
      %dma_start3A_1106 = arith.constant 0 : i32
      %dma_start3A_1107 = arith.constant 0 : i32
      %dma_start3A_1108 = tpu.memref_slice %arg14[%dma_start3A_1099, %dma_start3A_1106, %dma_start3A_1107] : memref<16x32x128xf32, #tpu.memory_space<vmem>> -> memref<1x32x128xf32, #tpu.memory_space<vmem>>
      %dma_start3A_1109 = tpu.memref_squeeze %dma_start3A_1108 : memref<1x32x128xf32, #tpu.memory_space<vmem>> -> memref<32x128xf32, #tpu.memory_space<vmem>>
      %dma_start3A_1110 = arith.constant 0 : i32
      %dma_start3A_1111 = tpu.memref_slice %arg5[%dma_start3A_1110, %multiple_of3A_1098] : memref<32x1000000xf32, #tpu.memory_space<hbm>> -> memref<32x128xf32, #tpu.memory_space<hbm>>
      tpu.enqueue_dma source(%dma_start3A_1111 : memref<32x128xf32, #tpu.memory_space<hbm>>) target(%dma_start3A_1109 : memref<32x128xf32, #tpu.memory_space<vmem>>) target_semaphore(%arg19 : memref<!tpu.dma_semaphore, #tpu.memory_space<semaphore_mem>>)
      %eq3A_1112 = arith.constant 9 : i32
      %eq3A_1113 = vector.broadcast %eq3A_1112 : i32 to vector<16xi32>
      %eq3A_1114 = arith.cmpi eq, %iota3A, %eq3A_1113 : vector<16xi32>
      %jit3A_1115 = arith.constant 0 : i32
      %broadcast_in_dim3A_1116 = vector.broadcast %jit3A_1115 : i32 to vector<16xi32>
      %select_n3A_1117 = arith.select %eq3A_1114, %shift_right_arithmetic3A_841, %broadcast_in_dim3A_1116 : vector<16xi1>, vector<16xi32>
      %reduce_max3A_1118 = arith.constant true
      %reduce_max3A_1119 = vector.broadcast %reduce_max3A_1118 : i1 to vector<16xi1>
      %reduce_max3A_1120 = arith.constant -2147483648 : i32
      %reduce_max3A_1121 = vector.broadcast %reduce_max3A_1120 : i32 to vector<16xi32>
      %reduce_max3A_1122 = arith.xori %select_n3A_1117, %reduce_max3A_1121 : vector<16xi32>
      %reduce_max3A_1123 = tpu.scan <max>, %reduce_max3A_1122 masked %reduce_max3A_1119 : vector<16xi32>, vector<16xi1> -> vector<16xi32>
      %reduce_max3A_1124 = arith.xori %reduce_max3A_1123, %reduce_max3A_1121 : vector<16xi32>
      %reduce_max3A_1125 = vector.extract %reduce_max3A_1124[15] : i32 from vector<16xi32>
      %mul3A_1126 = arith.constant 128 : i32
      %mul3A_1127 = arith.muli %reduce_max3A_1125, %mul3A_1126 : i32
      %multiple_of3A_1128 = tpu.assume_multiple %mul3A_1127, 128 : i32
      %dma_start3A_1129 = arith.constant 9 : i32
      %dma_start3A_1130 = arith.constant 0 : i32
      %dma_start3A_1131 = arith.constant 0 : i32
      %dma_start3A_1132 = tpu.memref_slice %arg14[%dma_start3A_1129, %dma_start3A_1130, %dma_start3A_1131] : memref<16x32x128xf32, #tpu.memory_space<vmem>> -> memref<1x32x128xf32, #tpu.memory_space<vmem>>
      %dma_start3A_1133 = tpu.memref_squeeze %dma_start3A_1132 : memref<1x32x128xf32, #tpu.memory_space<vmem>> -> memref<32x128xf32, #tpu.memory_space<vmem>>
      %dma_start3A_1134 = arith.constant 0 : i32
      %dma_start3A_1135 = tpu.memref_slice %arg5[%dma_start3A_1134, %multiple_of3A_1128] : memref<32x1000000xf32, #tpu.memory_space<hbm>> -> memref<32x128xf32, #tpu.memory_space<hbm>>
      %dma_start3A_1136 = arith.constant 0 : i32
      %dma_start3A_1137 = arith.constant 0 : i32
      %dma_start3A_1138 = tpu.memref_slice %arg14[%dma_start3A_1129, %dma_start3A_1136, %dma_start3A_1137] : memref<16x32x128xf32, #tpu.memory_space<vmem>> -> memref<1x32x128xf32, #tpu.memory_space<vmem>>
      %dma_start3A_1139 = tpu.memref_squeeze %dma_start3A_1138 : memref<1x32x128xf32, #tpu.memory_space<vmem>> -> memref<32x128xf32, #tpu.memory_space<vmem>>
      %dma_start3A_1140 = arith.constant 0 : i32
      %dma_start3A_1141 = tpu.memref_slice %arg5[%dma_start3A_1140, %multiple_of3A_1128] : memref<32x1000000xf32, #tpu.memory_space<hbm>> -> memref<32x128xf32, #tpu.memory_space<hbm>>
      tpu.enqueue_dma source(%dma_start3A_1141 : memref<32x128xf32, #tpu.memory_space<hbm>>) target(%dma_start3A_1139 : memref<32x128xf32, #tpu.memory_space<vmem>>) target_semaphore(%arg19 : memref<!tpu.dma_semaphore, #tpu.memory_space<semaphore_mem>>)
      %eq3A_1142 = arith.constant 10 : i32
      %eq3A_1143 = vector.broadcast %eq3A_1142 : i32 to vector<16xi32>
      %eq3A_1144 = arith.cmpi eq, %iota3A, %eq3A_1143 : vector<16xi32>
      %jit3A_1145 = arith.constant 0 : i32
      %broadcast_in_dim3A_1146 = vector.broadcast %jit3A_1145 : i32 to vector<16xi32>
      %select_n3A_1147 = arith.select %eq3A_1144, %shift_right_arithmetic3A_841, %broadcast_in_dim3A_1146 : vector<16xi1>, vector<16xi32>
      %reduce_max3A_1148 = arith.constant true
      %reduce_max3A_1149 = vector.broadcast %reduce_max3A_1148 : i1 to vector<16xi1>
      %reduce_max3A_1150 = arith.constant -2147483648 : i32
      %reduce_max3A_1151 = vector.broadcast %reduce_max3A_1150 : i32 to vector<16xi32>
      %reduce_max3A_1152 = arith.xori %select_n3A_1147, %reduce_max3A_1151 : vector<16xi32>
      %reduce_max3A_1153 = tpu.scan <max>, %reduce_max3A_1152 masked %reduce_max3A_1149 : vector<16xi32>, vector<16xi1> -> vector<16xi32>
      %reduce_max3A_1154 = arith.xori %reduce_max3A_1153, %reduce_max3A_1151 : vector<16xi32>
      %reduce_max3A_1155 = vector.extract %reduce_max3A_1154[15] : i32 from vector<16xi32>
      %mul3A_1156 = arith.constant 128 : i32
      %mul3A_1157 = arith.muli %reduce_max3A_1155, %mul3A_1156 : i32
      %multiple_of3A_1158 = tpu.assume_multiple %mul3A_1157, 128 : i32
      %dma_start3A_1159 = arith.constant 10 : i32
      %dma_start3A_1160 = arith.constant 0 : i32
      %dma_start3A_1161 = arith.constant 0 : i32
      %dma_start3A_1162 = tpu.memref_slice %arg14[%dma_start3A_1159, %dma_start3A_1160, %dma_start3A_1161] : memref<16x32x128xf32, #tpu.memory_space<vmem>> -> memref<1x32x128xf32, #tpu.memory_space<vmem>>
      %dma_start3A_1163 = tpu.memref_squeeze %dma_start3A_1162 : memref<1x32x128xf32, #tpu.memory_space<vmem>> -> memref<32x128xf32, #tpu.memory_space<vmem>>
      %dma_start3A_1164 = arith.constant 0 : i32
      %dma_start3A_1165 = tpu.memref_slice %arg5[%dma_start3A_1164, %multiple_of3A_1158] : memref<32x1000000xf32, #tpu.memory_space<hbm>> -> memref<32x128xf32, #tpu.memory_space<hbm>>
      %dma_start3A_1166 = arith.constant 0 : i32
      %dma_start3A_1167 = arith.constant 0 : i32
      %dma_start3A_1168 = tpu.memref_slice %arg14[%dma_start3A_1159, %dma_start3A_1166, %dma_start3A_1167] : memref<16x32x128xf32, #tpu.memory_space<vmem>> -> memref<1x32x128xf32, #tpu.memory_space<vmem>>
      %dma_start3A_1169 = tpu.memref_squeeze %dma_start3A_1168 : memref<1x32x128xf32, #tpu.memory_space<vmem>> -> memref<32x128xf32, #tpu.memory_space<vmem>>
      %dma_start3A_1170 = arith.constant 0 : i32
      %dma_start3A_1171 = tpu.memref_slice %arg5[%dma_start3A_1170, %multiple_of3A_1158] : memref<32x1000000xf32, #tpu.memory_space<hbm>> -> memref<32x128xf32, #tpu.memory_space<hbm>>
      tpu.enqueue_dma source(%dma_start3A_1171 : memref<32x128xf32, #tpu.memory_space<hbm>>) target(%dma_start3A_1169 : memref<32x128xf32, #tpu.memory_space<vmem>>) target_semaphore(%arg19 : memref<!tpu.dma_semaphore, #tpu.memory_space<semaphore_mem>>)
      %eq3A_1172 = arith.constant 11 : i32
      %eq3A_1173 = vector.broadcast %eq3A_1172 : i32 to vector<16xi32>
      %eq3A_1174 = arith.cmpi eq, %iota3A, %eq3A_1173 : vector<16xi32>
      %jit3A_1175 = arith.constant 0 : i32
      %broadcast_in_dim3A_1176 = vector.broadcast %jit3A_1175 : i32 to vector<16xi32>
      %select_n3A_1177 = arith.select %eq3A_1174, %shift_right_arithmetic3A_841, %broadcast_in_dim3A_1176 : vector<16xi1>, vector<16xi32>
      %reduce_max3A_1178 = arith.constant true
      %reduce_max3A_1179 = vector.broadcast %reduce_max3A_1178 : i1 to vector<16xi1>
      %reduce_max3A_1180 = arith.constant -2147483648 : i32
      %reduce_max3A_1181 = vector.broadcast %reduce_max3A_1180 : i32 to vector<16xi32>
      %reduce_max3A_1182 = arith.xori %select_n3A_1177, %reduce_max3A_1181 : vector<16xi32>
      %reduce_max3A_1183 = tpu.scan <max>, %reduce_max3A_1182 masked %reduce_max3A_1179 : vector<16xi32>, vector<16xi1> -> vector<16xi32>
      %reduce_max3A_1184 = arith.xori %reduce_max3A_1183, %reduce_max3A_1181 : vector<16xi32>
      %reduce_max3A_1185 = vector.extract %reduce_max3A_1184[15] : i32 from vector<16xi32>
      %mul3A_1186 = arith.constant 128 : i32
      %mul3A_1187 = arith.muli %reduce_max3A_1185, %mul3A_1186 : i32
      %multiple_of3A_1188 = tpu.assume_multiple %mul3A_1187, 128 : i32
      %dma_start3A_1189 = arith.constant 11 : i32
      %dma_start3A_1190 = arith.constant 0 : i32
      %dma_start3A_1191 = arith.constant 0 : i32
      %dma_start3A_1192 = tpu.memref_slice %arg14[%dma_start3A_1189, %dma_start3A_1190, %dma_start3A_1191] : memref<16x32x128xf32, #tpu.memory_space<vmem>> -> memref<1x32x128xf32, #tpu.memory_space<vmem>>
      %dma_start3A_1193 = tpu.memref_squeeze %dma_start3A_1192 : memref<1x32x128xf32, #tpu.memory_space<vmem>> -> memref<32x128xf32, #tpu.memory_space<vmem>>
      %dma_start3A_1194 = arith.constant 0 : i32
      %dma_start3A_1195 = tpu.memref_slice %arg5[%dma_start3A_1194, %multiple_of3A_1188] : memref<32x1000000xf32, #tpu.memory_space<hbm>> -> memref<32x128xf32, #tpu.memory_space<hbm>>
      %dma_start3A_1196 = arith.constant 0 : i32
      %dma_start3A_1197 = arith.constant 0 : i32
      %dma_start3A_1198 = tpu.memref_slice %arg14[%dma_start3A_1189, %dma_start3A_1196, %dma_start3A_1197] : memref<16x32x128xf32, #tpu.memory_space<vmem>> -> memref<1x32x128xf32, #tpu.memory_space<vmem>>
      %dma_start3A_1199 = tpu.memref_squeeze %dma_start3A_1198 : memref<1x32x128xf32, #tpu.memory_space<vmem>> -> memref<32x128xf32, #tpu.memory_space<vmem>>
      %dma_start3A_1200 = arith.constant 0 : i32
      %dma_start3A_1201 = tpu.memref_slice %arg5[%dma_start3A_1200, %multiple_of3A_1188] : memref<32x1000000xf32, #tpu.memory_space<hbm>> -> memref<32x128xf32, #tpu.memory_space<hbm>>
      tpu.enqueue_dma source(%dma_start3A_1201 : memref<32x128xf32, #tpu.memory_space<hbm>>) target(%dma_start3A_1199 : memref<32x128xf32, #tpu.memory_space<vmem>>) target_semaphore(%arg19 : memref<!tpu.dma_semaphore, #tpu.memory_space<semaphore_mem>>)
      %eq3A_1202 = arith.constant 12 : i32
      %eq3A_1203 = vector.broadcast %eq3A_1202 : i32 to vector<16xi32>
      %eq3A_1204 = arith.cmpi eq, %iota3A, %eq3A_1203 : vector<16xi32>
      %jit3A_1205 = arith.constant 0 : i32
      %broadcast_in_dim3A_1206 = vector.broadcast %jit3A_1205 : i32 to vector<16xi32>
      %select_n3A_1207 = arith.select %eq3A_1204, %shift_right_arithmetic3A_841, %broadcast_in_dim3A_1206 : vector<16xi1>, vector<16xi32>
      %reduce_max3A_1208 = arith.constant true
      %reduce_max3A_1209 = vector.broadcast %reduce_max3A_1208 : i1 to vector<16xi1>
      %reduce_max3A_1210 = arith.constant -2147483648 : i32
      %reduce_max3A_1211 = vector.broadcast %reduce_max3A_1210 : i32 to vector<16xi32>
      %reduce_max3A_1212 = arith.xori %select_n3A_1207, %reduce_max3A_1211 : vector<16xi32>
      %reduce_max3A_1213 = tpu.scan <max>, %reduce_max3A_1212 masked %reduce_max3A_1209 : vector<16xi32>, vector<16xi1> -> vector<16xi32>
      %reduce_max3A_1214 = arith.xori %reduce_max3A_1213, %reduce_max3A_1211 : vector<16xi32>
      %reduce_max3A_1215 = vector.extract %reduce_max3A_1214[15] : i32 from vector<16xi32>
      %mul3A_1216 = arith.constant 128 : i32
      %mul3A_1217 = arith.muli %reduce_max3A_1215, %mul3A_1216 : i32
      %multiple_of3A_1218 = tpu.assume_multiple %mul3A_1217, 128 : i32
      %dma_start3A_1219 = arith.constant 12 : i32
      %dma_start3A_1220 = arith.constant 0 : i32
      %dma_start3A_1221 = arith.constant 0 : i32
      %dma_start3A_1222 = tpu.memref_slice %arg14[%dma_start3A_1219, %dma_start3A_1220, %dma_start3A_1221] : memref<16x32x128xf32, #tpu.memory_space<vmem>> -> memref<1x32x128xf32, #tpu.memory_space<vmem>>
      %dma_start3A_1223 = tpu.memref_squeeze %dma_start3A_1222 : memref<1x32x128xf32, #tpu.memory_space<vmem>> -> memref<32x128xf32, #tpu.memory_space<vmem>>
      %dma_start3A_1224 = arith.constant 0 : i32
      %dma_start3A_1225 = tpu.memref_slice %arg5[%dma_start3A_1224, %multiple_of3A_1218] : memref<32x1000000xf32, #tpu.memory_space<hbm>> -> memref<32x128xf32, #tpu.memory_space<hbm>>
      %dma_start3A_1226 = arith.constant 0 : i32
      %dma_start3A_1227 = arith.constant 0 : i32
      %dma_start3A_1228 = tpu.memref_slice %arg14[%dma_start3A_1219, %dma_start3A_1226, %dma_start3A_1227] : memref<16x32x128xf32, #tpu.memory_space<vmem>> -> memref<1x32x128xf32, #tpu.memory_space<vmem>>
      %dma_start3A_1229 = tpu.memref_squeeze %dma_start3A_1228 : memref<1x32x128xf32, #tpu.memory_space<vmem>> -> memref<32x128xf32, #tpu.memory_space<vmem>>
      %dma_start3A_1230 = arith.constant 0 : i32
      %dma_start3A_1231 = tpu.memref_slice %arg5[%dma_start3A_1230, %multiple_of3A_1218] : memref<32x1000000xf32, #tpu.memory_space<hbm>> -> memref<32x128xf32, #tpu.memory_space<hbm>>
      tpu.enqueue_dma source(%dma_start3A_1231 : memref<32x128xf32, #tpu.memory_space<hbm>>) target(%dma_start3A_1229 : memref<32x128xf32, #tpu.memory_space<vmem>>) target_semaphore(%arg19 : memref<!tpu.dma_semaphore, #tpu.memory_space<semaphore_mem>>)
      %eq3A_1232 = arith.constant 13 : i32
      %eq3A_1233 = vector.broadcast %eq3A_1232 : i32 to vector<16xi32>
      %eq3A_1234 = arith.cmpi eq, %iota3A, %eq3A_1233 : vector<16xi32>
      %jit3A_1235 = arith.constant 0 : i32
      %broadcast_in_dim3A_1236 = vector.broadcast %jit3A_1235 : i32 to vector<16xi32>
      %select_n3A_1237 = arith.select %eq3A_1234, %shift_right_arithmetic3A_841, %broadcast_in_dim3A_1236 : vector<16xi1>, vector<16xi32>
      %reduce_max3A_1238 = arith.constant true
      %reduce_max3A_1239 = vector.broadcast %reduce_max3A_1238 : i1 to vector<16xi1>
      %reduce_max3A_1240 = arith.constant -2147483648 : i32
      %reduce_max3A_1241 = vector.broadcast %reduce_max3A_1240 : i32 to vector<16xi32>
      %reduce_max3A_1242 = arith.xori %select_n3A_1237, %reduce_max3A_1241 : vector<16xi32>
      %reduce_max3A_1243 = tpu.scan <max>, %reduce_max3A_1242 masked %reduce_max3A_1239 : vector<16xi32>, vector<16xi1> -> vector<16xi32>
      %reduce_max3A_1244 = arith.xori %reduce_max3A_1243, %reduce_max3A_1241 : vector<16xi32>
      %reduce_max3A_1245 = vector.extract %reduce_max3A_1244[15] : i32 from vector<16xi32>
      %mul3A_1246 = arith.constant 128 : i32
      %mul3A_1247 = arith.muli %reduce_max3A_1245, %mul3A_1246 : i32
      %multiple_of3A_1248 = tpu.assume_multiple %mul3A_1247, 128 : i32
      %dma_start3A_1249 = arith.constant 13 : i32
      %dma_start3A_1250 = arith.constant 0 : i32
      %dma_start3A_1251 = arith.constant 0 : i32
      %dma_start3A_1252 = tpu.memref_slice %arg14[%dma_start3A_1249, %dma_start3A_1250, %dma_start3A_1251] : memref<16x32x128xf32, #tpu.memory_space<vmem>> -> memref<1x32x128xf32, #tpu.memory_space<vmem>>
      %dma_start3A_1253 = tpu.memref_squeeze %dma_start3A_1252 : memref<1x32x128xf32, #tpu.memory_space<vmem>> -> memref<32x128xf32, #tpu.memory_space<vmem>>
      %dma_start3A_1254 = arith.constant 0 : i32
      %dma_start3A_1255 = tpu.memref_slice %arg5[%dma_start3A_1254, %multiple_of3A_1248] : memref<32x1000000xf32, #tpu.memory_space<hbm>> -> memref<32x128xf32, #tpu.memory_space<hbm>>
      %dma_start3A_1256 = arith.constant 0 : i32
      %dma_start3A_1257 = arith.constant 0 : i32
      %dma_start3A_1258 = tpu.memref_slice %arg14[%dma_start3A_1249, %dma_start3A_1256, %dma_start3A_1257] : memref<16x32x128xf32, #tpu.memory_space<vmem>> -> memref<1x32x128xf32, #tpu.memory_space<vmem>>
      %dma_start3A_1259 = tpu.memref_squeeze %dma_start3A_1258 : memref<1x32x128xf32, #tpu.memory_space<vmem>> -> memref<32x128xf32, #tpu.memory_space<vmem>>
      %dma_start3A_1260 = arith.constant 0 : i32
      %dma_start3A_1261 = tpu.memref_slice %arg5[%dma_start3A_1260, %multiple_of3A_1248] : memref<32x1000000xf32, #tpu.memory_space<hbm>> -> memref<32x128xf32, #tpu.memory_space<hbm>>
      tpu.enqueue_dma source(%dma_start3A_1261 : memref<32x128xf32, #tpu.memory_space<hbm>>) target(%dma_start3A_1259 : memref<32x128xf32, #tpu.memory_space<vmem>>) target_semaphore(%arg19 : memref<!tpu.dma_semaphore, #tpu.memory_space<semaphore_mem>>)
      %eq3A_1262 = arith.constant 14 : i32
      %eq3A_1263 = vector.broadcast %eq3A_1262 : i32 to vector<16xi32>
      %eq3A_1264 = arith.cmpi eq, %iota3A, %eq3A_1263 : vector<16xi32>
      %jit3A_1265 = arith.constant 0 : i32
      %broadcast_in_dim3A_1266 = vector.broadcast %jit3A_1265 : i32 to vector<16xi32>
      %select_n3A_1267 = arith.select %eq3A_1264, %shift_right_arithmetic3A_841, %broadcast_in_dim3A_1266 : vector<16xi1>, vector<16xi32>
      %reduce_max3A_1268 = arith.constant true
      %reduce_max3A_1269 = vector.broadcast %reduce_max3A_1268 : i1 to vector<16xi1>
      %reduce_max3A_1270 = arith.constant -2147483648 : i32
      %reduce_max3A_1271 = vector.broadcast %reduce_max3A_1270 : i32 to vector<16xi32>
      %reduce_max3A_1272 = arith.xori %select_n3A_1267, %reduce_max3A_1271 : vector<16xi32>
      %reduce_max3A_1273 = tpu.scan <max>, %reduce_max3A_1272 masked %reduce_max3A_1269 : vector<16xi32>, vector<16xi1> -> vector<16xi32>
      %reduce_max3A_1274 = arith.xori %reduce_max3A_1273, %reduce_max3A_1271 : vector<16xi32>
      %reduce_max3A_1275 = vector.extract %reduce_max3A_1274[15] : i32 from vector<16xi32>
      %mul3A_1276 = arith.constant 128 : i32
      %mul3A_1277 = arith.muli %reduce_max3A_1275, %mul3A_1276 : i32
      %multiple_of3A_1278 = tpu.assume_multiple %mul3A_1277, 128 : i32
      %dma_start3A_1279 = arith.constant 14 : i32
      %dma_start3A_1280 = arith.constant 0 : i32
      %dma_start3A_1281 = arith.constant 0 : i32
      %dma_start3A_1282 = tpu.memref_slice %arg14[%dma_start3A_1279, %dma_start3A_1280, %dma_start3A_1281] : memref<16x32x128xf32, #tpu.memory_space<vmem>> -> memref<1x32x128xf32, #tpu.memory_space<vmem>>
      %dma_start3A_1283 = tpu.memref_squeeze %dma_start3A_1282 : memref<1x32x128xf32, #tpu.memory_space<vmem>> -> memref<32x128xf32, #tpu.memory_space<vmem>>
      %dma_start3A_1284 = arith.constant 0 : i32
      %dma_start3A_1285 = tpu.memref_slice %arg5[%dma_start3A_1284, %multiple_of3A_1278] : memref<32x1000000xf32, #tpu.memory_space<hbm>> -> memref<32x128xf32, #tpu.memory_space<hbm>>
      %dma_start3A_1286 = arith.constant 0 : i32
      %dma_start3A_1287 = arith.constant 0 : i32
      %dma_start3A_1288 = tpu.memref_slice %arg14[%dma_start3A_1279, %dma_start3A_1286, %dma_start3A_1287] : memref<16x32x128xf32, #tpu.memory_space<vmem>> -> memref<1x32x128xf32, #tpu.memory_space<vmem>>
      %dma_start3A_1289 = tpu.memref_squeeze %dma_start3A_1288 : memref<1x32x128xf32, #tpu.memory_space<vmem>> -> memref<32x128xf32, #tpu.memory_space<vmem>>
      %dma_start3A_1290 = arith.constant 0 : i32
      %dma_start3A_1291 = tpu.memref_slice %arg5[%dma_start3A_1290, %multiple_of3A_1278] : memref<32x1000000xf32, #tpu.memory_space<hbm>> -> memref<32x128xf32, #tpu.memory_space<hbm>>
      tpu.enqueue_dma source(%dma_start3A_1291 : memref<32x128xf32, #tpu.memory_space<hbm>>) target(%dma_start3A_1289 : memref<32x128xf32, #tpu.memory_space<vmem>>) target_semaphore(%arg19 : memref<!tpu.dma_semaphore, #tpu.memory_space<semaphore_mem>>)
      %eq3A_1292 = arith.constant 15 : i32
      %eq3A_1293 = vector.broadcast %eq3A_1292 : i32 to vector<16xi32>
      %eq3A_1294 = arith.cmpi eq, %iota3A, %eq3A_1293 : vector<16xi32>
      %jit3A_1295 = arith.constant 0 : i32
      %broadcast_in_dim3A_1296 = vector.broadcast %jit3A_1295 : i32 to vector<16xi32>
      %select_n3A_1297 = arith.select %eq3A_1294, %shift_right_arithmetic3A_841, %broadcast_in_dim3A_1296 : vector<16xi1>, vector<16xi32>
      %reduce_max3A_1298 = arith.constant true
      %reduce_max3A_1299 = vector.broadcast %reduce_max3A_1298 : i1 to vector<16xi1>
      %reduce_max3A_1300 = arith.constant -2147483648 : i32
      %reduce_max3A_1301 = vector.broadcast %reduce_max3A_1300 : i32 to vector<16xi32>
      %reduce_max3A_1302 = arith.xori %select_n3A_1297, %reduce_max3A_1301 : vector<16xi32>
      %reduce_max3A_1303 = tpu.scan <max>, %reduce_max3A_1302 masked %reduce_max3A_1299 : vector<16xi32>, vector<16xi1> -> vector<16xi32>
      %reduce_max3A_1304 = arith.xori %reduce_max3A_1303, %reduce_max3A_1301 : vector<16xi32>
      %reduce_max3A_1305 = vector.extract %reduce_max3A_1304[15] : i32 from vector<16xi32>
      %mul3A_1306 = arith.constant 128 : i32
      %mul3A_1307 = arith.muli %reduce_max3A_1305, %mul3A_1306 : i32
      %multiple_of3A_1308 = tpu.assume_multiple %mul3A_1307, 128 : i32
      %dma_start3A_1309 = arith.constant 15 : i32
      %dma_start3A_1310 = arith.constant 0 : i32
      %dma_start3A_1311 = arith.constant 0 : i32
      %dma_start3A_1312 = tpu.memref_slice %arg14[%dma_start3A_1309, %dma_start3A_1310, %dma_start3A_1311] : memref<16x32x128xf32, #tpu.memory_space<vmem>> -> memref<1x32x128xf32, #tpu.memory_space<vmem>>
      %dma_start3A_1313 = tpu.memref_squeeze %dma_start3A_1312 : memref<1x32x128xf32, #tpu.memory_space<vmem>> -> memref<32x128xf32, #tpu.memory_space<vmem>>
      %dma_start3A_1314 = arith.constant 0 : i32
      %dma_start3A_1315 = tpu.memref_slice %arg5[%dma_start3A_1314, %multiple_of3A_1308] : memref<32x1000000xf32, #tpu.memory_space<hbm>> -> memref<32x128xf32, #tpu.memory_space<hbm>>
      %dma_start3A_1316 = arith.constant 0 : i32
      %dma_start3A_1317 = arith.constant 0 : i32
      %dma_start3A_1318 = tpu.memref_slice %arg14[%dma_start3A_1309, %dma_start3A_1316, %dma_start3A_1317] : memref<16x32x128xf32, #tpu.memory_space<vmem>> -> memref<1x32x128xf32, #tpu.memory_space<vmem>>
      %dma_start3A_1319 = tpu.memref_squeeze %dma_start3A_1318 : memref<1x32x128xf32, #tpu.memory_space<vmem>> -> memref<32x128xf32, #tpu.memory_space<vmem>>
      %dma_start3A_1320 = arith.constant 0 : i32
      %dma_start3A_1321 = tpu.memref_slice %arg5[%dma_start3A_1320, %multiple_of3A_1308] : memref<32x1000000xf32, #tpu.memory_space<hbm>> -> memref<32x128xf32, #tpu.memory_space<hbm>>
      tpu.enqueue_dma source(%dma_start3A_1321 : memref<32x128xf32, #tpu.memory_space<hbm>>) target(%dma_start3A_1319 : memref<32x128xf32, #tpu.memory_space<vmem>>) target_semaphore(%arg19 : memref<!tpu.dma_semaphore, #tpu.memory_space<semaphore_mem>>)
      %dma_wait3A_1322 = arith.constant 0 : i32
      %dma_wait3A_1323 = arith.constant 0 : i32
      %dma_wait3A_1324 = arith.constant 0 : i32
      %dma_wait3A_1325 = tpu.memref_slice %arg14[%dma_wait3A_1322, %dma_wait3A_1323, %dma_wait3A_1324] : memref<16x32x128xf32, #tpu.memory_space<vmem>> -> memref<1x32x128xf32, #tpu.memory_space<vmem>>
      %dma_wait3A_1326 = tpu.memref_squeeze %dma_wait3A_1325 : memref<1x32x128xf32, #tpu.memory_space<vmem>> -> memref<32x128xf32, #tpu.memory_space<vmem>>
      %dma_wait3A_1327 = arith.constant 0 : i32
      %dma_wait3A_1328 = arith.constant 0 : i32
      %dma_wait3A_1329 = tpu.memref_slice %arg5[%dma_wait3A_1327, %dma_wait3A_1328] : memref<32x1000000xf32, #tpu.memory_space<hbm>> -> memref<32x128xf32, #tpu.memory_space<hbm>>
      %dma_wait3A_1330 = arith.constant 0 : i32
      %dma_wait3A_1331 = arith.constant 0 : i32
      %dma_wait3A_1332 = tpu.memref_slice %arg14[%dma_wait3A_1322, %dma_wait3A_1330, %dma_wait3A_1331] : memref<16x32x128xf32, #tpu.memory_space<vmem>> -> memref<1x32x128xf32, #tpu.memory_space<vmem>>
      %dma_wait3A_1333 = tpu.memref_squeeze %dma_wait3A_1332 : memref<1x32x128xf32, #tpu.memory_space<vmem>> -> memref<32x128xf32, #tpu.memory_space<vmem>>
      %dma_wait3A_1334 = arith.constant 0 : i32
      %dma_wait3A_1335 = arith.constant 0 : i32
      %dma_wait3A_1336 = tpu.memref_slice %arg5[%dma_wait3A_1334, %dma_wait3A_1335] : memref<32x1000000xf32, #tpu.memory_space<hbm>> -> memref<32x128xf32, #tpu.memory_space<hbm>>
      tpu.wait_dma2 semaphore(%arg19 : memref<!tpu.dma_semaphore, #tpu.memory_space<semaphore_mem>>) src(%dma_wait3A_1336 : memref<32x128xf32, #tpu.memory_space<hbm>>) dst(%dma_wait3A_1333 : memref<32x128xf32, #tpu.memory_space<vmem>>)
      %dma_wait3A_1337 = arith.constant 1 : i32
      %dma_wait3A_1338 = arith.constant 0 : i32
      %dma_wait3A_1339 = arith.constant 0 : i32
      %dma_wait3A_1340 = tpu.memref_slice %arg14[%dma_wait3A_1337, %dma_wait3A_1338, %dma_wait3A_1339] : memref<16x32x128xf32, #tpu.memory_space<vmem>> -> memref<1x32x128xf32, #tpu.memory_space<vmem>>
      %dma_wait3A_1341 = tpu.memref_squeeze %dma_wait3A_1340 : memref<1x32x128xf32, #tpu.memory_space<vmem>> -> memref<32x128xf32, #tpu.memory_space<vmem>>
      %dma_wait3A_1342 = arith.constant 0 : i32
      %dma_wait3A_1343 = arith.constant 0 : i32
      %dma_wait3A_1344 = tpu.memref_slice %arg5[%dma_wait3A_1342, %dma_wait3A_1343] : memref<32x1000000xf32, #tpu.memory_space<hbm>> -> memref<32x128xf32, #tpu.memory_space<hbm>>
      %dma_wait3A_1345 = arith.constant 0 : i32
      %dma_wait3A_1346 = arith.constant 0 : i32
      %dma_wait3A_1347 = tpu.memref_slice %arg14[%dma_wait3A_1337, %dma_wait3A_1345, %dma_wait3A_1346] : memref<16x32x128xf32, #tpu.memory_space<vmem>> -> memref<1x32x128xf32, #tpu.memory_space<vmem>>
      %dma_wait3A_1348 = tpu.memref_squeeze %dma_wait3A_1347 : memref<1x32x128xf32, #tpu.memory_space<vmem>> -> memref<32x128xf32, #tpu.memory_space<vmem>>
      %dma_wait3A_1349 = arith.constant 0 : i32
      %dma_wait3A_1350 = arith.constant 0 : i32
      %dma_wait3A_1351 = tpu.memref_slice %arg5[%dma_wait3A_1349, %dma_wait3A_1350] : memref<32x1000000xf32, #tpu.memory_space<hbm>> -> memref<32x128xf32, #tpu.memory_space<hbm>>
      tpu.wait_dma2 semaphore(%arg19 : memref<!tpu.dma_semaphore, #tpu.memory_space<semaphore_mem>>) src(%dma_wait3A_1351 : memref<32x128xf32, #tpu.memory_space<hbm>>) dst(%dma_wait3A_1348 : memref<32x128xf32, #tpu.memory_space<vmem>>)
      %dma_wait3A_1352 = arith.constant 2 : i32
      %dma_wait3A_1353 = arith.constant 0 : i32
      %dma_wait3A_1354 = arith.constant 0 : i32
      %dma_wait3A_1355 = tpu.memref_slice %arg14[%dma_wait3A_1352, %dma_wait3A_1353, %dma_wait3A_1354] : memref<16x32x128xf32, #tpu.memory_space<vmem>> -> memref<1x32x128xf32, #tpu.memory_space<vmem>>
      %dma_wait3A_1356 = tpu.memref_squeeze %dma_wait3A_1355 : memref<1x32x128xf32, #tpu.memory_space<vmem>> -> memref<32x128xf32, #tpu.memory_space<vmem>>
      %dma_wait3A_1357 = arith.constant 0 : i32
      %dma_wait3A_1358 = arith.constant 0 : i32
      %dma_wait3A_1359 = tpu.memref_slice %arg5[%dma_wait3A_1357, %dma_wait3A_1358] : memref<32x1000000xf32, #tpu.memory_space<hbm>> -> memref<32x128xf32, #tpu.memory_space<hbm>>
      %dma_wait3A_1360 = arith.constant 0 : i32
      %dma_wait3A_1361 = arith.constant 0 : i32
      %dma_wait3A_1362 = tpu.memref_slice %arg14[%dma_wait3A_1352, %dma_wait3A_1360, %dma_wait3A_1361] : memref<16x32x128xf32, #tpu.memory_space<vmem>> -> memref<1x32x128xf32, #tpu.memory_space<vmem>>
      %dma_wait3A_1363 = tpu.memref_squeeze %dma_wait3A_1362 : memref<1x32x128xf32, #tpu.memory_space<vmem>> -> memref<32x128xf32, #tpu.memory_space<vmem>>
      %dma_wait3A_1364 = arith.constant 0 : i32
      %dma_wait3A_1365 = arith.constant 0 : i32
      %dma_wait3A_1366 = tpu.memref_slice %arg5[%dma_wait3A_1364, %dma_wait3A_1365] : memref<32x1000000xf32, #tpu.memory_space<hbm>> -> memref<32x128xf32, #tpu.memory_space<hbm>>
      tpu.wait_dma2 semaphore(%arg19 : memref<!tpu.dma_semaphore, #tpu.memory_space<semaphore_mem>>) src(%dma_wait3A_1366 : memref<32x128xf32, #tpu.memory_space<hbm>>) dst(%dma_wait3A_1363 : memref<32x128xf32, #tpu.memory_space<vmem>>)
      %dma_wait3A_1367 = arith.constant 3 : i32
      %dma_wait3A_1368 = arith.constant 0 : i32
      %dma_wait3A_1369 = arith.constant 0 : i32
      %dma_wait3A_1370 = tpu.memref_slice %arg14[%dma_wait3A_1367, %dma_wait3A_1368, %dma_wait3A_1369] : memref<16x32x128xf32, #tpu.memory_space<vmem>> -> memref<1x32x128xf32, #tpu.memory_space<vmem>>
      %dma_wait3A_1371 = tpu.memref_squeeze %dma_wait3A_1370 : memref<1x32x128xf32, #tpu.memory_space<vmem>> -> memref<32x128xf32, #tpu.memory_space<vmem>>
      %dma_wait3A_1372 = arith.constant 0 : i32
      %dma_wait3A_1373 = arith.constant 0 : i32
      %dma_wait3A_1374 = tpu.memref_slice %arg5[%dma_wait3A_1372, %dma_wait3A_1373] : memref<32x1000000xf32, #tpu.memory_space<hbm>> -> memref<32x128xf32, #tpu.memory_space<hbm>>
      %dma_wait3A_1375 = arith.constant 0 : i32
      %dma_wait3A_1376 = arith.constant 0 : i32
      %dma_wait3A_1377 = tpu.memref_slice %arg14[%dma_wait3A_1367, %dma_wait3A_1375, %dma_wait3A_1376] : memref<16x32x128xf32, #tpu.memory_space<vmem>> -> memref<1x32x128xf32, #tpu.memory_space<vmem>>
      %dma_wait3A_1378 = tpu.memref_squeeze %dma_wait3A_1377 : memref<1x32x128xf32, #tpu.memory_space<vmem>> -> memref<32x128xf32, #tpu.memory_space<vmem>>
      %dma_wait3A_1379 = arith.constant 0 : i32
      %dma_wait3A_1380 = arith.constant 0 : i32
      %dma_wait3A_1381 = tpu.memref_slice %arg5[%dma_wait3A_1379, %dma_wait3A_1380] : memref<32x1000000xf32, #tpu.memory_space<hbm>> -> memref<32x128xf32, #tpu.memory_space<hbm>>
      tpu.wait_dma2 semaphore(%arg19 : memref<!tpu.dma_semaphore, #tpu.memory_space<semaphore_mem>>) src(%dma_wait3A_1381 : memref<32x128xf32, #tpu.memory_space<hbm>>) dst(%dma_wait3A_1378 : memref<32x128xf32, #tpu.memory_space<vmem>>)
      %dma_wait3A_1382 = arith.constant 4 : i32
      %dma_wait3A_1383 = arith.constant 0 : i32
      %dma_wait3A_1384 = arith.constant 0 : i32
      %dma_wait3A_1385 = tpu.memref_slice %arg14[%dma_wait3A_1382, %dma_wait3A_1383, %dma_wait3A_1384] : memref<16x32x128xf32, #tpu.memory_space<vmem>> -> memref<1x32x128xf32, #tpu.memory_space<vmem>>
      %dma_wait3A_1386 = tpu.memref_squeeze %dma_wait3A_1385 : memref<1x32x128xf32, #tpu.memory_space<vmem>> -> memref<32x128xf32, #tpu.memory_space<vmem>>
      %dma_wait3A_1387 = arith.constant 0 : i32
      %dma_wait3A_1388 = arith.constant 0 : i32
      %dma_wait3A_1389 = tpu.memref_slice %arg5[%dma_wait3A_1387, %dma_wait3A_1388] : memref<32x1000000xf32, #tpu.memory_space<hbm>> -> memref<32x128xf32, #tpu.memory_space<hbm>>
      %dma_wait3A_1390 = arith.constant 0 : i32
      %dma_wait3A_1391 = arith.constant 0 : i32
      %dma_wait3A_1392 = tpu.memref_slice %arg14[%dma_wait3A_1382, %dma_wait3A_1390, %dma_wait3A_1391] : memref<16x32x128xf32, #tpu.memory_space<vmem>> -> memref<1x32x128xf32, #tpu.memory_space<vmem>>
      %dma_wait3A_1393 = tpu.memref_squeeze %dma_wait3A_1392 : memref<1x32x128xf32, #tpu.memory_space<vmem>> -> memref<32x128xf32, #tpu.memory_space<vmem>>
      %dma_wait3A_1394 = arith.constant 0 : i32
      %dma_wait3A_1395 = arith.constant 0 : i32
      %dma_wait3A_1396 = tpu.memref_slice %arg5[%dma_wait3A_1394, %dma_wait3A_1395] : memref<32x1000000xf32, #tpu.memory_space<hbm>> -> memref<32x128xf32, #tpu.memory_space<hbm>>
      tpu.wait_dma2 semaphore(%arg19 : memref<!tpu.dma_semaphore, #tpu.memory_space<semaphore_mem>>) src(%dma_wait3A_1396 : memref<32x128xf32, #tpu.memory_space<hbm>>) dst(%dma_wait3A_1393 : memref<32x128xf32, #tpu.memory_space<vmem>>)
      %dma_wait3A_1397 = arith.constant 5 : i32
      %dma_wait3A_1398 = arith.constant 0 : i32
      %dma_wait3A_1399 = arith.constant 0 : i32
      %dma_wait3A_1400 = tpu.memref_slice %arg14[%dma_wait3A_1397, %dma_wait3A_1398, %dma_wait3A_1399] : memref<16x32x128xf32, #tpu.memory_space<vmem>> -> memref<1x32x128xf32, #tpu.memory_space<vmem>>
      %dma_wait3A_1401 = tpu.memref_squeeze %dma_wait3A_1400 : memref<1x32x128xf32, #tpu.memory_space<vmem>> -> memref<32x128xf32, #tpu.memory_space<vmem>>
      %dma_wait3A_1402 = arith.constant 0 : i32
      %dma_wait3A_1403 = arith.constant 0 : i32
      %dma_wait3A_1404 = tpu.memref_slice %arg5[%dma_wait3A_1402, %dma_wait3A_1403] : memref<32x1000000xf32, #tpu.memory_space<hbm>> -> memref<32x128xf32, #tpu.memory_space<hbm>>
      %dma_wait3A_1405 = arith.constant 0 : i32
      %dma_wait3A_1406 = arith.constant 0 : i32
      %dma_wait3A_1407 = tpu.memref_slice %arg14[%dma_wait3A_1397, %dma_wait3A_1405, %dma_wait3A_1406] : memref<16x32x128xf32, #tpu.memory_space<vmem>> -> memref<1x32x128xf32, #tpu.memory_space<vmem>>
      %dma_wait3A_1408 = tpu.memref_squeeze %dma_wait3A_1407 : memref<1x32x128xf32, #tpu.memory_space<vmem>> -> memref<32x128xf32, #tpu.memory_space<vmem>>
      %dma_wait3A_1409 = arith.constant 0 : i32
      %dma_wait3A_1410 = arith.constant 0 : i32
      %dma_wait3A_1411 = tpu.memref_slice %arg5[%dma_wait3A_1409, %dma_wait3A_1410] : memref<32x1000000xf32, #tpu.memory_space<hbm>> -> memref<32x128xf32, #tpu.memory_space<hbm>>
      tpu.wait_dma2 semaphore(%arg19 : memref<!tpu.dma_semaphore, #tpu.memory_space<semaphore_mem>>) src(%dma_wait3A_1411 : memref<32x128xf32, #tpu.memory_space<hbm>>) dst(%dma_wait3A_1408 : memref<32x128xf32, #tpu.memory_space<vmem>>)
      %dma_wait3A_1412 = arith.constant 6 : i32
      %dma_wait3A_1413 = arith.constant 0 : i32
      %dma_wait3A_1414 = arith.constant 0 : i32
      %dma_wait3A_1415 = tpu.memref_slice %arg14[%dma_wait3A_1412, %dma_wait3A_1413, %dma_wait3A_1414] : memref<16x32x128xf32, #tpu.memory_space<vmem>> -> memref<1x32x128xf32, #tpu.memory_space<vmem>>
      %dma_wait3A_1416 = tpu.memref_squeeze %dma_wait3A_1415 : memref<1x32x128xf32, #tpu.memory_space<vmem>> -> memref<32x128xf32, #tpu.memory_space<vmem>>
      %dma_wait3A_1417 = arith.constant 0 : i32
      %dma_wait3A_1418 = arith.constant 0 : i32
      %dma_wait3A_1419 = tpu.memref_slice %arg5[%dma_wait3A_1417, %dma_wait3A_1418] : memref<32x1000000xf32, #tpu.memory_space<hbm>> -> memref<32x128xf32, #tpu.memory_space<hbm>>
      %dma_wait3A_1420 = arith.constant 0 : i32
      %dma_wait3A_1421 = arith.constant 0 : i32
      %dma_wait3A_1422 = tpu.memref_slice %arg14[%dma_wait3A_1412, %dma_wait3A_1420, %dma_wait3A_1421] : memref<16x32x128xf32, #tpu.memory_space<vmem>> -> memref<1x32x128xf32, #tpu.memory_space<vmem>>
      %dma_wait3A_1423 = tpu.memref_squeeze %dma_wait3A_1422 : memref<1x32x128xf32, #tpu.memory_space<vmem>> -> memref<32x128xf32, #tpu.memory_space<vmem>>
      %dma_wait3A_1424 = arith.constant 0 : i32
      %dma_wait3A_1425 = arith.constant 0 : i32
      %dma_wait3A_1426 = tpu.memref_slice %arg5[%dma_wait3A_1424, %dma_wait3A_1425] : memref<32x1000000xf32, #tpu.memory_space<hbm>> -> memref<32x128xf32, #tpu.memory_space<hbm>>
      tpu.wait_dma2 semaphore(%arg19 : memref<!tpu.dma_semaphore, #tpu.memory_space<semaphore_mem>>) src(%dma_wait3A_1426 : memref<32x128xf32, #tpu.memory_space<hbm>>) dst(%dma_wait3A_1423 : memref<32x128xf32, #tpu.memory_space<vmem>>)
      %dma_wait3A_1427 = arith.constant 7 : i32
      %dma_wait3A_1428 = arith.constant 0 : i32
      %dma_wait3A_1429 = arith.constant 0 : i32
      %dma_wait3A_1430 = tpu.memref_slice %arg14[%dma_wait3A_1427, %dma_wait3A_1428, %dma_wait3A_1429] : memref<16x32x128xf32, #tpu.memory_space<vmem>> -> memref<1x32x128xf32, #tpu.memory_space<vmem>>
      %dma_wait3A_1431 = tpu.memref_squeeze %dma_wait3A_1430 : memref<1x32x128xf32, #tpu.memory_space<vmem>> -> memref<32x128xf32, #tpu.memory_space<vmem>>
      %dma_wait3A_1432 = arith.constant 0 : i32
      %dma_wait3A_1433 = arith.constant 0 : i32
      %dma_wait3A_1434 = tpu.memref_slice %arg5[%dma_wait3A_1432, %dma_wait3A_1433] : memref<32x1000000xf32, #tpu.memory_space<hbm>> -> memref<32x128xf32, #tpu.memory_space<hbm>>
      %dma_wait3A_1435 = arith.constant 0 : i32
      %dma_wait3A_1436 = arith.constant 0 : i32
      %dma_wait3A_1437 = tpu.memref_slice %arg14[%dma_wait3A_1427, %dma_wait3A_1435, %dma_wait3A_1436] : memref<16x32x128xf32, #tpu.memory_space<vmem>> -> memref<1x32x128xf32, #tpu.memory_space<vmem>>
      %dma_wait3A_1438 = tpu.memref_squeeze %dma_wait3A_1437 : memref<1x32x128xf32, #tpu.memory_space<vmem>> -> memref<32x128xf32, #tpu.memory_space<vmem>>
      %dma_wait3A_1439 = arith.constant 0 : i32
      %dma_wait3A_1440 = arith.constant 0 : i32
      %dma_wait3A_1441 = tpu.memref_slice %arg5[%dma_wait3A_1439, %dma_wait3A_1440] : memref<32x1000000xf32, #tpu.memory_space<hbm>> -> memref<32x128xf32, #tpu.memory_space<hbm>>
      tpu.wait_dma2 semaphore(%arg19 : memref<!tpu.dma_semaphore, #tpu.memory_space<semaphore_mem>>) src(%dma_wait3A_1441 : memref<32x128xf32, #tpu.memory_space<hbm>>) dst(%dma_wait3A_1438 : memref<32x128xf32, #tpu.memory_space<vmem>>)
      %dma_wait3A_1442 = arith.constant 8 : i32
      %dma_wait3A_1443 = arith.constant 0 : i32
      %dma_wait3A_1444 = arith.constant 0 : i32
      %dma_wait3A_1445 = tpu.memref_slice %arg14[%dma_wait3A_1442, %dma_wait3A_1443, %dma_wait3A_1444] : memref<16x32x128xf32, #tpu.memory_space<vmem>> -> memref<1x32x128xf32, #tpu.memory_space<vmem>>
      %dma_wait3A_1446 = tpu.memref_squeeze %dma_wait3A_1445 : memref<1x32x128xf32, #tpu.memory_space<vmem>> -> memref<32x128xf32, #tpu.memory_space<vmem>>
      %dma_wait3A_1447 = arith.constant 0 : i32
      %dma_wait3A_1448 = arith.constant 0 : i32
      %dma_wait3A_1449 = tpu.memref_slice %arg5[%dma_wait3A_1447, %dma_wait3A_1448] : memref<32x1000000xf32, #tpu.memory_space<hbm>> -> memref<32x128xf32, #tpu.memory_space<hbm>>
      %dma_wait3A_1450 = arith.constant 0 : i32
      %dma_wait3A_1451 = arith.constant 0 : i32
      %dma_wait3A_1452 = tpu.memref_slice %arg14[%dma_wait3A_1442, %dma_wait3A_1450, %dma_wait3A_1451] : memref<16x32x128xf32, #tpu.memory_space<vmem>> -> memref<1x32x128xf32, #tpu.memory_space<vmem>>
      %dma_wait3A_1453 = tpu.memref_squeeze %dma_wait3A_1452 : memref<1x32x128xf32, #tpu.memory_space<vmem>> -> memref<32x128xf32, #tpu.memory_space<vmem>>
      %dma_wait3A_1454 = arith.constant 0 : i32
      %dma_wait3A_1455 = arith.constant 0 : i32
      %dma_wait3A_1456 = tpu.memref_slice %arg5[%dma_wait3A_1454, %dma_wait3A_1455] : memref<32x1000000xf32, #tpu.memory_space<hbm>> -> memref<32x128xf32, #tpu.memory_space<hbm>>
      tpu.wait_dma2 semaphore(%arg19 : memref<!tpu.dma_semaphore, #tpu.memory_space<semaphore_mem>>) src(%dma_wait3A_1456 : memref<32x128xf32, #tpu.memory_space<hbm>>) dst(%dma_wait3A_1453 : memref<32x128xf32, #tpu.memory_space<vmem>>)
      %dma_wait3A_1457 = arith.constant 9 : i32
      %dma_wait3A_1458 = arith.constant 0 : i32
      %dma_wait3A_1459 = arith.constant 0 : i32
      %dma_wait3A_1460 = tpu.memref_slice %arg14[%dma_wait3A_1457, %dma_wait3A_1458, %dma_wait3A_1459] : memref<16x32x128xf32, #tpu.memory_space<vmem>> -> memref<1x32x128xf32, #tpu.memory_space<vmem>>
      %dma_wait3A_1461 = tpu.memref_squeeze %dma_wait3A_1460 : memref<1x32x128xf32, #tpu.memory_space<vmem>> -> memref<32x128xf32, #tpu.memory_space<vmem>>
      %dma_wait3A_1462 = arith.constant 0 : i32
      %dma_wait3A_1463 = arith.constant 0 : i32
      %dma_wait3A_1464 = tpu.memref_slice %arg5[%dma_wait3A_1462, %dma_wait3A_1463] : memref<32x1000000xf32, #tpu.memory_space<hbm>> -> memref<32x128xf32, #tpu.memory_space<hbm>>
      %dma_wait3A_1465 = arith.constant 0 : i32
      %dma_wait3A_1466 = arith.constant 0 : i32
      %dma_wait3A_1467 = tpu.memref_slice %arg14[%dma_wait3A_1457, %dma_wait3A_1465, %dma_wait3A_1466] : memref<16x32x128xf32, #tpu.memory_space<vmem>> -> memref<1x32x128xf32, #tpu.memory_space<vmem>>
      %dma_wait3A_1468 = tpu.memref_squeeze %dma_wait3A_1467 : memref<1x32x128xf32, #tpu.memory_space<vmem>> -> memref<32x128xf32, #tpu.memory_space<vmem>>
      %dma_wait3A_1469 = arith.constant 0 : i32
      %dma_wait3A_1470 = arith.constant 0 : i32
      %dma_wait3A_1471 = tpu.memref_slice %arg5[%dma_wait3A_1469, %dma_wait3A_1470] : memref<32x1000000xf32, #tpu.memory_space<hbm>> -> memref<32x128xf32, #tpu.memory_space<hbm>>
      tpu.wait_dma2 semaphore(%arg19 : memref<!tpu.dma_semaphore, #tpu.memory_space<semaphore_mem>>) src(%dma_wait3A_1471 : memref<32x128xf32, #tpu.memory_space<hbm>>) dst(%dma_wait3A_1468 : memref<32x128xf32, #tpu.memory_space<vmem>>)
      %dma_wait3A_1472 = arith.constant 10 : i32
      %dma_wait3A_1473 = arith.constant 0 : i32
      %dma_wait3A_1474 = arith.constant 0 : i32
      %dma_wait3A_1475 = tpu.memref_slice %arg14[%dma_wait3A_1472, %dma_wait3A_1473, %dma_wait3A_1474] : memref<16x32x128xf32, #tpu.memory_space<vmem>> -> memref<1x32x128xf32, #tpu.memory_space<vmem>>
      %dma_wait3A_1476 = tpu.memref_squeeze %dma_wait3A_1475 : memref<1x32x128xf32, #tpu.memory_space<vmem>> -> memref<32x128xf32, #tpu.memory_space<vmem>>
      %dma_wait3A_1477 = arith.constant 0 : i32
      %dma_wait3A_1478 = arith.constant 0 : i32
      %dma_wait3A_1479 = tpu.memref_slice %arg5[%dma_wait3A_1477, %dma_wait3A_1478] : memref<32x1000000xf32, #tpu.memory_space<hbm>> -> memref<32x128xf32, #tpu.memory_space<hbm>>
      %dma_wait3A_1480 = arith.constant 0 : i32
      %dma_wait3A_1481 = arith.constant 0 : i32
      %dma_wait3A_1482 = tpu.memref_slice %arg14[%dma_wait3A_1472, %dma_wait3A_1480, %dma_wait3A_1481] : memref<16x32x128xf32, #tpu.memory_space<vmem>> -> memref<1x32x128xf32, #tpu.memory_space<vmem>>
      %dma_wait3A_1483 = tpu.memref_squeeze %dma_wait3A_1482 : memref<1x32x128xf32, #tpu.memory_space<vmem>> -> memref<32x128xf32, #tpu.memory_space<vmem>>
      %dma_wait3A_1484 = arith.constant 0 : i32
      %dma_wait3A_1485 = arith.constant 0 : i32
      %dma_wait3A_1486 = tpu.memref_slice %arg5[%dma_wait3A_1484, %dma_wait3A_1485] : memref<32x1000000xf32, #tpu.memory_space<hbm>> -> memref<32x128xf32, #tpu.memory_space<hbm>>
      tpu.wait_dma2 semaphore(%arg19 : memref<!tpu.dma_semaphore, #tpu.memory_space<semaphore_mem>>) src(%dma_wait3A_1486 : memref<32x128xf32, #tpu.memory_space<hbm>>) dst(%dma_wait3A_1483 : memref<32x128xf32, #tpu.memory_space<vmem>>)
      %dma_wait3A_1487 = arith.constant 11 : i32
      %dma_wait3A_1488 = arith.constant 0 : i32
      %dma_wait3A_1489 = arith.constant 0 : i32
      %dma_wait3A_1490 = tpu.memref_slice %arg14[%dma_wait3A_1487, %dma_wait3A_1488, %dma_wait3A_1489] : memref<16x32x128xf32, #tpu.memory_space<vmem>> -> memref<1x32x128xf32, #tpu.memory_space<vmem>>
      %dma_wait3A_1491 = tpu.memref_squeeze %dma_wait3A_1490 : memref<1x32x128xf32, #tpu.memory_space<vmem>> -> memref<32x128xf32, #tpu.memory_space<vmem>>
      %dma_wait3A_1492 = arith.constant 0 : i32
      %dma_wait3A_1493 = arith.constant 0 : i32
      %dma_wait3A_1494 = tpu.memref_slice %arg5[%dma_wait3A_1492, %dma_wait3A_1493] : memref<32x1000000xf32, #tpu.memory_space<hbm>> -> memref<32x128xf32, #tpu.memory_space<hbm>>
      %dma_wait3A_1495 = arith.constant 0 : i32
      %dma_wait3A_1496 = arith.constant 0 : i32
      %dma_wait3A_1497 = tpu.memref_slice %arg14[%dma_wait3A_1487, %dma_wait3A_1495, %dma_wait3A_1496] : memref<16x32x128xf32, #tpu.memory_space<vmem>> -> memref<1x32x128xf32, #tpu.memory_space<vmem>>
      %dma_wait3A_1498 = tpu.memref_squeeze %dma_wait3A_1497 : memref<1x32x128xf32, #tpu.memory_space<vmem>> -> memref<32x128xf32, #tpu.memory_space<vmem>>
      %dma_wait3A_1499 = arith.constant 0 : i32
      %dma_wait3A_1500 = arith.constant 0 : i32
      %dma_wait3A_1501 = tpu.memref_slice %arg5[%dma_wait3A_1499, %dma_wait3A_1500] : memref<32x1000000xf32, #tpu.memory_space<hbm>> -> memref<32x128xf32, #tpu.memory_space<hbm>>
      tpu.wait_dma2 semaphore(%arg19 : memref<!tpu.dma_semaphore, #tpu.memory_space<semaphore_mem>>) src(%dma_wait3A_1501 : memref<32x128xf32, #tpu.memory_space<hbm>>) dst(%dma_wait3A_1498 : memref<32x128xf32, #tpu.memory_space<vmem>>)
      %dma_wait3A_1502 = arith.constant 12 : i32
      %dma_wait3A_1503 = arith.constant 0 : i32
      %dma_wait3A_1504 = arith.constant 0 : i32
      %dma_wait3A_1505 = tpu.memref_slice %arg14[%dma_wait3A_1502, %dma_wait3A_1503, %dma_wait3A_1504] : memref<16x32x128xf32, #tpu.memory_space<vmem>> -> memref<1x32x128xf32, #tpu.memory_space<vmem>>
      %dma_wait3A_1506 = tpu.memref_squeeze %dma_wait3A_1505 : memref<1x32x128xf32, #tpu.memory_space<vmem>> -> memref<32x128xf32, #tpu.memory_space<vmem>>
      %dma_wait3A_1507 = arith.constant 0 : i32
      %dma_wait3A_1508 = arith.constant 0 : i32
      %dma_wait3A_1509 = tpu.memref_slice %arg5[%dma_wait3A_1507, %dma_wait3A_1508] : memref<32x1000000xf32, #tpu.memory_space<hbm>> -> memref<32x128xf32, #tpu.memory_space<hbm>>
      %dma_wait3A_1510 = arith.constant 0 : i32
      %dma_wait3A_1511 = arith.constant 0 : i32
      %dma_wait3A_1512 = tpu.memref_slice %arg14[%dma_wait3A_1502, %dma_wait3A_1510, %dma_wait3A_1511] : memref<16x32x128xf32, #tpu.memory_space<vmem>> -> memref<1x32x128xf32, #tpu.memory_space<vmem>>
      %dma_wait3A_1513 = tpu.memref_squeeze %dma_wait3A_1512 : memref<1x32x128xf32, #tpu.memory_space<vmem>> -> memref<32x128xf32, #tpu.memory_space<vmem>>
      %dma_wait3A_1514 = arith.constant 0 : i32
      %dma_wait3A_1515 = arith.constant 0 : i32
      %dma_wait3A_1516 = tpu.memref_slice %arg5[%dma_wait3A_1514, %dma_wait3A_1515] : memref<32x1000000xf32, #tpu.memory_space<hbm>> -> memref<32x128xf32, #tpu.memory_space<hbm>>
      tpu.wait_dma2 semaphore(%arg19 : memref<!tpu.dma_semaphore, #tpu.memory_space<semaphore_mem>>) src(%dma_wait3A_1516 : memref<32x128xf32, #tpu.memory_space<hbm>>) dst(%dma_wait3A_1513 : memref<32x128xf32, #tpu.memory_space<vmem>>)
      %dma_wait3A_1517 = arith.constant 13 : i32
      %dma_wait3A_1518 = arith.constant 0 : i32
      %dma_wait3A_1519 = arith.constant 0 : i32
      %dma_wait3A_1520 = tpu.memref_slice %arg14[%dma_wait3A_1517, %dma_wait3A_1518, %dma_wait3A_1519] : memref<16x32x128xf32, #tpu.memory_space<vmem>> -> memref<1x32x128xf32, #tpu.memory_space<vmem>>
      %dma_wait3A_1521 = tpu.memref_squeeze %dma_wait3A_1520 : memref<1x32x128xf32, #tpu.memory_space<vmem>> -> memref<32x128xf32, #tpu.memory_space<vmem>>
      %dma_wait3A_1522 = arith.constant 0 : i32
      %dma_wait3A_1523 = arith.constant 0 : i32
      %dma_wait3A_1524 = tpu.memref_slice %arg5[%dma_wait3A_1522, %dma_wait3A_1523] : memref<32x1000000xf32, #tpu.memory_space<hbm>> -> memref<32x128xf32, #tpu.memory_space<hbm>>
      %dma_wait3A_1525 = arith.constant 0 : i32
      %dma_wait3A_1526 = arith.constant 0 : i32
      %dma_wait3A_1527 = tpu.memref_slice %arg14[%dma_wait3A_1517, %dma_wait3A_1525, %dma_wait3A_1526] : memref<16x32x128xf32, #tpu.memory_space<vmem>> -> memref<1x32x128xf32, #tpu.memory_space<vmem>>
      %dma_wait3A_1528 = tpu.memref_squeeze %dma_wait3A_1527 : memref<1x32x128xf32, #tpu.memory_space<vmem>> -> memref<32x128xf32, #tpu.memory_space<vmem>>
      %dma_wait3A_1529 = arith.constant 0 : i32
      %dma_wait3A_1530 = arith.constant 0 : i32
      %dma_wait3A_1531 = tpu.memref_slice %arg5[%dma_wait3A_1529, %dma_wait3A_1530] : memref<32x1000000xf32, #tpu.memory_space<hbm>> -> memref<32x128xf32, #tpu.memory_space<hbm>>
      tpu.wait_dma2 semaphore(%arg19 : memref<!tpu.dma_semaphore, #tpu.memory_space<semaphore_mem>>) src(%dma_wait3A_1531 : memref<32x128xf32, #tpu.memory_space<hbm>>) dst(%dma_wait3A_1528 : memref<32x128xf32, #tpu.memory_space<vmem>>)
      %dma_wait3A_1532 = arith.constant 14 : i32
      %dma_wait3A_1533 = arith.constant 0 : i32
      %dma_wait3A_1534 = arith.constant 0 : i32
      %dma_wait3A_1535 = tpu.memref_slice %arg14[%dma_wait3A_1532, %dma_wait3A_1533, %dma_wait3A_1534] : memref<16x32x128xf32, #tpu.memory_space<vmem>> -> memref<1x32x128xf32, #tpu.memory_space<vmem>>
      %dma_wait3A_1536 = tpu.memref_squeeze %dma_wait3A_1535 : memref<1x32x128xf32, #tpu.memory_space<vmem>> -> memref<32x128xf32, #tpu.memory_space<vmem>>
      %dma_wait3A_1537 = arith.constant 0 : i32
      %dma_wait3A_1538 = arith.constant 0 : i32
      %dma_wait3A_1539 = tpu.memref_slice %arg5[%dma_wait3A_1537, %dma_wait3A_1538] : memref<32x1000000xf32, #tpu.memory_space<hbm>> -> memref<32x128xf32, #tpu.memory_space<hbm>>
      %dma_wait3A_1540 = arith.constant 0 : i32
      %dma_wait3A_1541 = arith.constant 0 : i32
      %dma_wait3A_1542 = tpu.memref_slice %arg14[%dma_wait3A_1532, %dma_wait3A_1540, %dma_wait3A_1541] : memref<16x32x128xf32, #tpu.memory_space<vmem>> -> memref<1x32x128xf32, #tpu.memory_space<vmem>>
      %dma_wait3A_1543 = tpu.memref_squeeze %dma_wait3A_1542 : memref<1x32x128xf32, #tpu.memory_space<vmem>> -> memref<32x128xf32, #tpu.memory_space<vmem>>
      %dma_wait3A_1544 = arith.constant 0 : i32
      %dma_wait3A_1545 = arith.constant 0 : i32
      %dma_wait3A_1546 = tpu.memref_slice %arg5[%dma_wait3A_1544, %dma_wait3A_1545] : memref<32x1000000xf32, #tpu.memory_space<hbm>> -> memref<32x128xf32, #tpu.memory_space<hbm>>
      tpu.wait_dma2 semaphore(%arg19 : memref<!tpu.dma_semaphore, #tpu.memory_space<semaphore_mem>>) src(%dma_wait3A_1546 : memref<32x128xf32, #tpu.memory_space<hbm>>) dst(%dma_wait3A_1543 : memref<32x128xf32, #tpu.memory_space<vmem>>)
      %dma_wait3A_1547 = arith.constant 15 : i32
      %dma_wait3A_1548 = arith.constant 0 : i32
      %dma_wait3A_1549 = arith.constant 0 : i32
      %dma_wait3A_1550 = tpu.memref_slice %arg14[%dma_wait3A_1547, %dma_wait3A_1548, %dma_wait3A_1549] : memref<16x32x128xf32, #tpu.memory_space<vmem>> -> memref<1x32x128xf32, #tpu.memory_space<vmem>>
      %dma_wait3A_1551 = tpu.memref_squeeze %dma_wait3A_1550 : memref<1x32x128xf32, #tpu.memory_space<vmem>> -> memref<32x128xf32, #tpu.memory_space<vmem>>
      %dma_wait3A_1552 = arith.constant 0 : i32
      %dma_wait3A_1553 = arith.constant 0 : i32
      %dma_wait3A_1554 = tpu.memref_slice %arg5[%dma_wait3A_1552, %dma_wait3A_1553] : memref<32x1000000xf32, #tpu.memory_space<hbm>> -> memref<32x128xf32, #tpu.memory_space<hbm>>
      %dma_wait3A_1555 = arith.constant 0 : i32
      %dma_wait3A_1556 = arith.constant 0 : i32
      %dma_wait3A_1557 = tpu.memref_slice %arg14[%dma_wait3A_1547, %dma_wait3A_1555, %dma_wait3A_1556] : memref<16x32x128xf32, #tpu.memory_space<vmem>> -> memref<1x32x128xf32, #tpu.memory_space<vmem>>
      %dma_wait3A_1558 = tpu.memref_squeeze %dma_wait3A_1557 : memref<1x32x128xf32, #tpu.memory_space<vmem>> -> memref<32x128xf32, #tpu.memory_space<vmem>>
      %dma_wait3A_1559 = arith.constant 0 : i32
      %dma_wait3A_1560 = arith.constant 0 : i32
      %dma_wait3A_1561 = tpu.memref_slice %arg5[%dma_wait3A_1559, %dma_wait3A_1560] : memref<32x1000000xf32, #tpu.memory_space<hbm>> -> memref<32x128xf32, #tpu.memory_space<hbm>>
      tpu.wait_dma2 semaphore(%arg19 : memref<!tpu.dma_semaphore, #tpu.memory_space<semaphore_mem>>) src(%dma_wait3A_1561 : memref<32x128xf32, #tpu.memory_space<hbm>>) dst(%dma_wait3A_1558 : memref<32x128xf32, #tpu.memory_space<vmem>>)
      %and3A_1562 = arith.constant 127 : i32
      %and3A_1563 = vector.broadcast %and3A_1562 : i32 to vector<16xi32>
      %and3A_1564 = arith.andi %gather3A_838, %and3A_1563 : vector<16xi32>
      %add3A_1565 = vector.broadcast %mul3A_17 : i32 to vector<16xi32>
      %add3A_1566 = arith.addi %add3A_1565, %iota3A : vector<16xi32>
      %broadcast_in_dim3A_1567 = arith.constant 0 : i32
      %broadcast_in_dim3A_1568 = vector.broadcast %broadcast_in_dim3A_1567 : i32 to vector<16xi32>
      %gather3A_1569 = tpu.vector_load_idx %arg14[%iota3A, %broadcast_in_dim3A_1568, %and3A_1564] : memref<16x32x128xf32, #tpu.memory_space<vmem>>[vector<16xi32>, vector<16xi32>, vector<16xi32>], vector<16xf32>,
      tpu.vector_store_idx %arg16[%broadcast_in_dim3A_1568, %add3A_1566], %gather3A_1569 : memref<32x512xf32, #tpu.memory_space<vmem>>[vector<16xi32>, vector<16xi32>], vector<16xf32>,
      %broadcast_in_dim3A_1570 = arith.constant 1 : i32
      %broadcast_in_dim3A_1571 = vector.broadcast %broadcast_in_dim3A_1570 : i32 to vector<16xi32>
      %gather3A_1572 = tpu.vector_load_idx %arg14[%iota3A, %broadcast_in_dim3A_1571, %and3A_1564] : memref<16x32x128xf32, #tpu.memory_space<vmem>>[vector<16xi32>, vector<16xi32>, vector<16xi32>], vector<16xf32>,
      tpu.vector_store_idx %arg16[%broadcast_in_dim3A_1571, %add3A_1566], %gather3A_1572 : memref<32x512xf32, #tpu.memory_space<vmem>>[vector<16xi32>, vector<16xi32>], vector<16xf32>,
      %broadcast_in_dim3A_1573 = arith.constant 2 : i32
      %broadcast_in_dim3A_1574 = vector.broadcast %broadcast_in_dim3A_1573 : i32 to vector<16xi32>
      %gather3A_1575 = tpu.vector_load_idx %arg14[%iota3A, %broadcast_in_dim3A_1574, %and3A_1564] : memref<16x32x128xf32, #tpu.memory_space<vmem>>[vector<16xi32>, vector<16xi32>, vector<16xi32>], vector<16xf32>,
      tpu.vector_store_idx %arg16[%broadcast_in_dim3A_1574, %add3A_1566], %gather3A_1575 : memref<32x512xf32, #tpu.memory_space<vmem>>[vector<16xi32>, vector<16xi32>], vector<16xf32>,
      %broadcast_in_dim3A_1576 = arith.constant 3 : i32
      %broadcast_in_dim3A_1577 = vector.broadcast %broadcast_in_dim3A_1576 : i32 to vector<16xi32>
      %gather3A_1578 = tpu.vector_load_idx %arg14[%iota3A, %broadcast_in_dim3A_1577, %and3A_1564] : memref<16x32x128xf32, #tpu.memory_space<vmem>>[vector<16xi32>, vector<16xi32>, vector<16xi32>], vector<16xf32>,
      tpu.vector_store_idx %arg16[%broadcast_in_dim3A_1577, %add3A_1566], %gather3A_1578 : memref<32x512xf32, #tpu.memory_space<vmem>>[vector<16xi32>, vector<16xi32>], vector<16xf32>,
      %broadcast_in_dim3A_1579 = arith.constant 4 : i32
      %broadcast_in_dim3A_1580 = vector.broadcast %broadcast_in_dim3A_1579 : i32 to vector<16xi32>
      %gather3A_1581 = tpu.vector_load_idx %arg14[%iota3A, %broadcast_in_dim3A_1580, %and3A_1564] : memref<16x32x128xf32, #tpu.memory_space<vmem>>[vector<16xi32>, vector<16xi32>, vector<16xi32>], vector<16xf32>,
      tpu.vector_store_idx %arg16[%broadcast_in_dim3A_1580, %add3A_1566], %gather3A_1581 : memref<32x512xf32, #tpu.memory_space<vmem>>[vector<16xi32>, vector<16xi32>], vector<16xf32>,
      %broadcast_in_dim3A_1582 = arith.constant 5 : i32
      %broadcast_in_dim3A_1583 = vector.broadcast %broadcast_in_dim3A_1582 : i32 to vector<16xi32>
      %gather3A_1584 = tpu.vector_load_idx %arg14[%iota3A, %broadcast_in_dim3A_1583, %and3A_1564] : memref<16x32x128xf32, #tpu.memory_space<vmem>>[vector<16xi32>, vector<16xi32>, vector<16xi32>], vector<16xf32>,
      tpu.vector_store_idx %arg16[%broadcast_in_dim3A_1583, %add3A_1566], %gather3A_1584 : memref<32x512xf32, #tpu.memory_space<vmem>>[vector<16xi32>, vector<16xi32>], vector<16xf32>,
      %broadcast_in_dim3A_1585 = arith.constant 6 : i32
      %broadcast_in_dim3A_1586 = vector.broadcast %broadcast_in_dim3A_1585 : i32 to vector<16xi32>
      %gather3A_1587 = tpu.vector_load_idx %arg14[%iota3A, %broadcast_in_dim3A_1586, %and3A_1564] : memref<16x32x128xf32, #tpu.memory_space<vmem>>[vector<16xi32>, vector<16xi32>, vector<16xi32>], vector<16xf32>,
      tpu.vector_store_idx %arg16[%broadcast_in_dim3A_1586, %add3A_1566], %gather3A_1587 : memref<32x512xf32, #tpu.memory_space<vmem>>[vector<16xi32>, vector<16xi32>], vector<16xf32>,
      %broadcast_in_dim3A_1588 = arith.constant 7 : i32
      %broadcast_in_dim3A_1589 = vector.broadcast %broadcast_in_dim3A_1588 : i32 to vector<16xi32>
      %gather3A_1590 = tpu.vector_load_idx %arg14[%iota3A, %broadcast_in_dim3A_1589, %and3A_1564] : memref<16x32x128xf32, #tpu.memory_space<vmem>>[vector<16xi32>, vector<16xi32>, vector<16xi32>], vector<16xf32>,
      tpu.vector_store_idx %arg16[%broadcast_in_dim3A_1589, %add3A_1566], %gather3A_1590 : memref<32x512xf32, #tpu.memory_space<vmem>>[vector<16xi32>, vector<16xi32>], vector<16xf32>,
      %broadcast_in_dim3A_1591 = arith.constant 8 : i32
      %broadcast_in_dim3A_1592 = vector.broadcast %broadcast_in_dim3A_1591 : i32 to vector<16xi32>
      %gather3A_1593 = tpu.vector_load_idx %arg14[%iota3A, %broadcast_in_dim3A_1592, %and3A_1564] : memref<16x32x128xf32, #tpu.memory_space<vmem>>[vector<16xi32>, vector<16xi32>, vector<16xi32>], vector<16xf32>,
      tpu.vector_store_idx %arg16[%broadcast_in_dim3A_1592, %add3A_1566], %gather3A_1593 : memref<32x512xf32, #tpu.memory_space<vmem>>[vector<16xi32>, vector<16xi32>], vector<16xf32>,
      %broadcast_in_dim3A_1594 = arith.constant 9 : i32
      %broadcast_in_dim3A_1595 = vector.broadcast %broadcast_in_dim3A_1594 : i32 to vector<16xi32>
      %gather3A_1596 = tpu.vector_load_idx %arg14[%iota3A, %broadcast_in_dim3A_1595, %and3A_1564] : memref<16x32x128xf32, #tpu.memory_space<vmem>>[vector<16xi32>, vector<16xi32>, vector<16xi32>], vector<16xf32>,
      tpu.vector_store_idx %arg16[%broadcast_in_dim3A_1595, %add3A_1566], %gather3A_1596 : memref<32x512xf32, #tpu.memory_space<vmem>>[vector<16xi32>, vector<16xi32>], vector<16xf32>,
      %broadcast_in_dim3A_1597 = arith.constant 10 : i32
      %broadcast_in_dim3A_1598 = vector.broadcast %broadcast_in_dim3A_1597 : i32 to vector<16xi32>
      %gather3A_1599 = tpu.vector_load_idx %arg14[%iota3A, %broadcast_in_dim3A_1598, %and3A_1564] : memref<16x32x128xf32, #tpu.memory_space<vmem>>[vector<16xi32>, vector<16xi32>, vector<16xi32>], vector<16xf32>,
      tpu.vector_store_idx %arg16[%broadcast_in_dim3A_1598, %add3A_1566], %gather3A_1599 : memref<32x512xf32, #tpu.memory_space<vmem>>[vector<16xi32>, vector<16xi32>], vector<16xf32>,
      %broadcast_in_dim3A_1600 = arith.constant 11 : i32
      %broadcast_in_dim3A_1601 = vector.broadcast %broadcast_in_dim3A_1600 : i32 to vector<16xi32>
      %gather3A_1602 = tpu.vector_load_idx %arg14[%iota3A, %broadcast_in_dim3A_1601, %and3A_1564] : memref<16x32x128xf32, #tpu.memory_space<vmem>>[vector<16xi32>, vector<16xi32>, vector<16xi32>], vector<16xf32>,
      tpu.vector_store_idx %arg16[%broadcast_in_dim3A_1601, %add3A_1566], %gather3A_1602 : memref<32x512xf32, #tpu.memory_space<vmem>>[vector<16xi32>, vector<16xi32>], vector<16xf32>,
      %broadcast_in_dim3A_1603 = arith.constant 12 : i32
      %broadcast_in_dim3A_1604 = vector.broadcast %broadcast_in_dim3A_1603 : i32 to vector<16xi32>
      %gather3A_1605 = tpu.vector_load_idx %arg14[%iota3A, %broadcast_in_dim3A_1604, %and3A_1564] : memref<16x32x128xf32, #tpu.memory_space<vmem>>[vector<16xi32>, vector<16xi32>, vector<16xi32>], vector<16xf32>,
      tpu.vector_store_idx %arg16[%broadcast_in_dim3A_1604, %add3A_1566], %gather3A_1605 : memref<32x512xf32, #tpu.memory_space<vmem>>[vector<16xi32>, vector<16xi32>], vector<16xf32>,
      %broadcast_in_dim3A_1606 = arith.constant 13 : i32
      %broadcast_in_dim3A_1607 = vector.broadcast %broadcast_in_dim3A_1606 : i32 to vector<16xi32>
      %gather3A_1608 = tpu.vector_load_idx %arg14[%iota3A, %broadcast_in_dim3A_1607, %and3A_1564] : memref<16x32x128xf32, #tpu.memory_space<vmem>>[vector<16xi32>, vector<16xi32>, vector<16xi32>], vector<16xf32>,
      tpu.vector_store_idx %arg16[%broadcast_in_dim3A_1607, %add3A_1566], %gather3A_1608 : memref<32x512xf32, #tpu.memory_space<vmem>>[vector<16xi32>, vector<16xi32>], vector<16xf32>,
      %broadcast_in_dim3A_1609 = arith.constant 14 : i32
      %broadcast_in_dim3A_1610 = vector.broadcast %broadcast_in_dim3A_1609 : i32 to vector<16xi32>
      %gather3A_1611 = tpu.vector_load_idx %arg14[%iota3A, %broadcast_in_dim3A_1610, %and3A_1564] : memref<16x32x128xf32, #tpu.memory_space<vmem>>[vector<16xi32>, vector<16xi32>, vector<16xi32>], vector<16xf32>,
      tpu.vector_store_idx %arg16[%broadcast_in_dim3A_1610, %add3A_1566], %gather3A_1611 : memref<32x512xf32, #tpu.memory_space<vmem>>[vector<16xi32>, vector<16xi32>], vector<16xf32>,
      %broadcast_in_dim3A_1612 = arith.constant 15 : i32
      %broadcast_in_dim3A_1613 = vector.broadcast %broadcast_in_dim3A_1612 : i32 to vector<16xi32>
      %gather3A_1614 = tpu.vector_load_idx %arg14[%iota3A, %broadcast_in_dim3A_1613, %and3A_1564] : memref<16x32x128xf32, #tpu.memory_space<vmem>>[vector<16xi32>, vector<16xi32>, vector<16xi32>], vector<16xf32>,
      tpu.vector_store_idx %arg16[%broadcast_in_dim3A_1613, %add3A_1566], %gather3A_1614 : memref<32x512xf32, #tpu.memory_space<vmem>>[vector<16xi32>, vector<16xi32>], vector<16xf32>,
      %broadcast_in_dim3A_1615 = arith.constant 16 : i32
      %broadcast_in_dim3A_1616 = vector.broadcast %broadcast_in_dim3A_1615 : i32 to vector<16xi32>
      %gather3A_1617 = tpu.vector_load_idx %arg14[%iota3A, %broadcast_in_dim3A_1616, %and3A_1564] : memref<16x32x128xf32, #tpu.memory_space<vmem>>[vector<16xi32>, vector<16xi32>, vector<16xi32>], vector<16xf32>,
      tpu.vector_store_idx %arg16[%broadcast_in_dim3A_1616, %add3A_1566], %gather3A_1617 : memref<32x512xf32, #tpu.memory_space<vmem>>[vector<16xi32>, vector<16xi32>], vector<16xf32>,
      %broadcast_in_dim3A_1618 = arith.constant 17 : i32
      %broadcast_in_dim3A_1619 = vector.broadcast %broadcast_in_dim3A_1618 : i32 to vector<16xi32>
      %gather3A_1620 = tpu.vector_load_idx %arg14[%iota3A, %broadcast_in_dim3A_1619, %and3A_1564] : memref<16x32x128xf32, #tpu.memory_space<vmem>>[vector<16xi32>, vector<16xi32>, vector<16xi32>], vector<16xf32>,
      tpu.vector_store_idx %arg16[%broadcast_in_dim3A_1619, %add3A_1566], %gather3A_1620 : memref<32x512xf32, #tpu.memory_space<vmem>>[vector<16xi32>, vector<16xi32>], vector<16xf32>,
      %broadcast_in_dim3A_1621 = arith.constant 18 : i32
      %broadcast_in_dim3A_1622 = vector.broadcast %broadcast_in_dim3A_1621 : i32 to vector<16xi32>
      %gather3A_1623 = tpu.vector_load_idx %arg14[%iota3A, %broadcast_in_dim3A_1622, %and3A_1564] : memref<16x32x128xf32, #tpu.memory_space<vmem>>[vector<16xi32>, vector<16xi32>, vector<16xi32>], vector<16xf32>,
      tpu.vector_store_idx %arg16[%broadcast_in_dim3A_1622, %add3A_1566], %gather3A_1623 : memref<32x512xf32, #tpu.memory_space<vmem>>[vector<16xi32>, vector<16xi32>], vector<16xf32>,
      %broadcast_in_dim3A_1624 = arith.constant 19 : i32
      %broadcast_in_dim3A_1625 = vector.broadcast %broadcast_in_dim3A_1624 : i32 to vector<16xi32>
      %gather3A_1626 = tpu.vector_load_idx %arg14[%iota3A, %broadcast_in_dim3A_1625, %and3A_1564] : memref<16x32x128xf32, #tpu.memory_space<vmem>>[vector<16xi32>, vector<16xi32>, vector<16xi32>], vector<16xf32>,
      tpu.vector_store_idx %arg16[%broadcast_in_dim3A_1625, %add3A_1566], %gather3A_1626 : memref<32x512xf32, #tpu.memory_space<vmem>>[vector<16xi32>, vector<16xi32>], vector<16xf32>,
      %broadcast_in_dim3A_1627 = arith.constant 20 : i32
      %broadcast_in_dim3A_1628 = vector.broadcast %broadcast_in_dim3A_1627 : i32 to vector<16xi32>
      %gather3A_1629 = tpu.vector_load_idx %arg14[%iota3A, %broadcast_in_dim3A_1628, %and3A_1564] : memref<16x32x128xf32, #tpu.memory_space<vmem>>[vector<16xi32>, vector<16xi32>, vector<16xi32>], vector<16xf32>,
      tpu.vector_store_idx %arg16[%broadcast_in_dim3A_1628, %add3A_1566], %gather3A_1629 : memref<32x512xf32, #tpu.memory_space<vmem>>[vector<16xi32>, vector<16xi32>], vector<16xf32>,
      %broadcast_in_dim3A_1630 = arith.constant 21 : i32
      %broadcast_in_dim3A_1631 = vector.broadcast %broadcast_in_dim3A_1630 : i32 to vector<16xi32>
      %gather3A_1632 = tpu.vector_load_idx %arg14[%iota3A, %broadcast_in_dim3A_1631, %and3A_1564] : memref<16x32x128xf32, #tpu.memory_space<vmem>>[vector<16xi32>, vector<16xi32>, vector<16xi32>], vector<16xf32>,
      tpu.vector_store_idx %arg16[%broadcast_in_dim3A_1631, %add3A_1566], %gather3A_1632 : memref<32x512xf32, #tpu.memory_space<vmem>>[vector<16xi32>, vector<16xi32>], vector<16xf32>,
      %broadcast_in_dim3A_1633 = arith.constant 22 : i32
      %broadcast_in_dim3A_1634 = vector.broadcast %broadcast_in_dim3A_1633 : i32 to vector<16xi32>
      %gather3A_1635 = tpu.vector_load_idx %arg14[%iota3A, %broadcast_in_dim3A_1634, %and3A_1564] : memref<16x32x128xf32, #tpu.memory_space<vmem>>[vector<16xi32>, vector<16xi32>, vector<16xi32>], vector<16xf32>,
      tpu.vector_store_idx %arg16[%broadcast_in_dim3A_1634, %add3A_1566], %gather3A_1635 : memref<32x512xf32, #tpu.memory_space<vmem>>[vector<16xi32>, vector<16xi32>], vector<16xf32>,
      %broadcast_in_dim3A_1636 = arith.constant 23 : i32
      %broadcast_in_dim3A_1637 = vector.broadcast %broadcast_in_dim3A_1636 : i32 to vector<16xi32>
      %gather3A_1638 = tpu.vector_load_idx %arg14[%iota3A, %broadcast_in_dim3A_1637, %and3A_1564] : memref<16x32x128xf32, #tpu.memory_space<vmem>>[vector<16xi32>, vector<16xi32>, vector<16xi32>], vector<16xf32>,
      tpu.vector_store_idx %arg16[%broadcast_in_dim3A_1637, %add3A_1566], %gather3A_1638 : memref<32x512xf32, #tpu.memory_space<vmem>>[vector<16xi32>, vector<16xi32>], vector<16xf32>,
      %broadcast_in_dim3A_1639 = arith.constant 24 : i32
      %broadcast_in_dim3A_1640 = vector.broadcast %broadcast_in_dim3A_1639 : i32 to vector<16xi32>
      %gather3A_1641 = tpu.vector_load_idx %arg14[%iota3A, %broadcast_in_dim3A_1640, %and3A_1564] : memref<16x32x128xf32, #tpu.memory_space<vmem>>[vector<16xi32>, vector<16xi32>, vector<16xi32>], vector<16xf32>,
      tpu.vector_store_idx %arg16[%broadcast_in_dim3A_1640, %add3A_1566], %gather3A_1641 : memref<32x512xf32, #tpu.memory_space<vmem>>[vector<16xi32>, vector<16xi32>], vector<16xf32>,
      %broadcast_in_dim3A_1642 = arith.constant 25 : i32
      %broadcast_in_dim3A_1643 = vector.broadcast %broadcast_in_dim3A_1642 : i32 to vector<16xi32>
      %gather3A_1644 = tpu.vector_load_idx %arg14[%iota3A, %broadcast_in_dim3A_1643, %and3A_1564] : memref<16x32x128xf32, #tpu.memory_space<vmem>>[vector<16xi32>, vector<16xi32>, vector<16xi32>], vector<16xf32>,
      tpu.vector_store_idx %arg16[%broadcast_in_dim3A_1643, %add3A_1566], %gather3A_1644 : memref<32x512xf32, #tpu.memory_space<vmem>>[vector<16xi32>, vector<16xi32>], vector<16xf32>,
      %broadcast_in_dim3A_1645 = arith.constant 26 : i32
      %broadcast_in_dim3A_1646 = vector.broadcast %broadcast_in_dim3A_1645 : i32 to vector<16xi32>
      %gather3A_1647 = tpu.vector_load_idx %arg14[%iota3A, %broadcast_in_dim3A_1646, %and3A_1564] : memref<16x32x128xf32, #tpu.memory_space<vmem>>[vector<16xi32>, vector<16xi32>, vector<16xi32>], vector<16xf32>,
      tpu.vector_store_idx %arg16[%broadcast_in_dim3A_1646, %add3A_1566], %gather3A_1647 : memref<32x512xf32, #tpu.memory_space<vmem>>[vector<16xi32>, vector<16xi32>], vector<16xf32>,
      %broadcast_in_dim3A_1648 = arith.constant 27 : i32
      %broadcast_in_dim3A_1649 = vector.broadcast %broadcast_in_dim3A_1648 : i32 to vector<16xi32>
      %gather3A_1650 = tpu.vector_load_idx %arg14[%iota3A, %broadcast_in_dim3A_1649, %and3A_1564] : memref<16x32x128xf32, #tpu.memory_space<vmem>>[vector<16xi32>, vector<16xi32>, vector<16xi32>], vector<16xf32>,
      tpu.vector_store_idx %arg16[%broadcast_in_dim3A_1649, %add3A_1566], %gather3A_1650 : memref<32x512xf32, #tpu.memory_space<vmem>>[vector<16xi32>, vector<16xi32>], vector<16xf32>,
      %broadcast_in_dim3A_1651 = arith.constant 28 : i32
      %broadcast_in_dim3A_1652 = vector.broadcast %broadcast_in_dim3A_1651 : i32 to vector<16xi32>
      %gather3A_1653 = tpu.vector_load_idx %arg14[%iota3A, %broadcast_in_dim3A_1652, %and3A_1564] : memref<16x32x128xf32, #tpu.memory_space<vmem>>[vector<16xi32>, vector<16xi32>, vector<16xi32>], vector<16xf32>,
      tpu.vector_store_idx %arg16[%broadcast_in_dim3A_1652, %add3A_1566], %gather3A_1653 : memref<32x512xf32, #tpu.memory_space<vmem>>[vector<16xi32>, vector<16xi32>], vector<16xf32>,
      %broadcast_in_dim3A_1654 = arith.constant 29 : i32
      %broadcast_in_dim3A_1655 = vector.broadcast %broadcast_in_dim3A_1654 : i32 to vector<16xi32>
      %gather3A_1656 = tpu.vector_load_idx %arg14[%iota3A, %broadcast_in_dim3A_1655, %and3A_1564] : memref<16x32x128xf32, #tpu.memory_space<vmem>>[vector<16xi32>, vector<16xi32>, vector<16xi32>], vector<16xf32>,
      tpu.vector_store_idx %arg16[%broadcast_in_dim3A_1655, %add3A_1566], %gather3A_1656 : memref<32x512xf32, #tpu.memory_space<vmem>>[vector<16xi32>, vector<16xi32>], vector<16xf32>,
      %broadcast_in_dim3A_1657 = arith.constant 30 : i32
      %broadcast_in_dim3A_1658 = vector.broadcast %broadcast_in_dim3A_1657 : i32 to vector<16xi32>
      %gather3A_1659 = tpu.vector_load_idx %arg14[%iota3A, %broadcast_in_dim3A_1658, %and3A_1564] : memref<16x32x128xf32, #tpu.memory_space<vmem>>[vector<16xi32>, vector<16xi32>, vector<16xi32>], vector<16xf32>,
      tpu.vector_store_idx %arg16[%broadcast_in_dim3A_1658, %add3A_1566], %gather3A_1659 : memref<32x512xf32, #tpu.memory_space<vmem>>[vector<16xi32>, vector<16xi32>], vector<16xf32>,
      %broadcast_in_dim3A_1660 = arith.constant 31 : i32
      %broadcast_in_dim3A_1661 = vector.broadcast %broadcast_in_dim3A_1660 : i32 to vector<16xi32>
      %gather3A_1662 = tpu.vector_load_idx %arg14[%iota3A, %broadcast_in_dim3A_1661, %and3A_1564] : memref<16x32x128xf32, #tpu.memory_space<vmem>>[vector<16xi32>, vector<16xi32>, vector<16xi32>], vector<16xf32>,
      tpu.vector_store_idx %arg16[%broadcast_in_dim3A_1661, %add3A_1566], %gather3A_1662 : memref<32x512xf32, #tpu.memory_space<vmem>>[vector<16xi32>, vector<16xi32>], vector<16xf32>,
    }
    %scan3A_10 = arith.constant 32 : i32
    "tpu.region"() ({
      %run_scoped3A_15 = tpu.sem_alloc : memref<!tpu.dma_semaphore, #tpu.memory_space<semaphore_mem>>
      %dma_start3A_16 = arith.constant 0 : i32
      %dma_start3A_17 = tpu.memref_slice %arg8[%dma_start3A_16, %mul3A_2] : memref<32x16384xf32, #tpu.memory_space<hbm>> -> memref<32x512xf32, #tpu.memory_space<hbm>>
      %dma_start3A_18 = arith.constant 0 : i32
      %dma_start3A_19 = tpu.memref_slice %arg8[%dma_start3A_18, %mul3A_2] : memref<32x16384xf32, #tpu.memory_space<hbm>> -> memref<32x512xf32, #tpu.memory_space<hbm>>
      tpu.enqueue_dma source(%arg15 : memref<32x512xf32, #tpu.memory_space<vmem>>) target(%dma_start3A_19 : memref<32x512xf32, #tpu.memory_space<hbm>>) target_semaphore(%run_scoped3A_15 : memref<!tpu.dma_semaphore, #tpu.memory_space<semaphore_mem>>)
      %dma_wait3A_20 = arith.constant 0 : i32
      %dma_wait3A_21 = tpu.memref_slice %arg8[%dma_wait3A_20, %mul3A_2] : memref<32x16384xf32, #tpu.memory_space<hbm>> -> memref<32x512xf32, #tpu.memory_space<hbm>>
      %dma_wait3A_22 = arith.constant 0 : i32
      %dma_wait3A_23 = tpu.memref_slice %arg8[%dma_wait3A_22, %mul3A_2] : memref<32x16384xf32, #tpu.memory_space<hbm>> -> memref<32x512xf32, #tpu.memory_space<hbm>>
      tpu.wait_dma2 semaphore(%run_scoped3A_15 : memref<!tpu.dma_semaphore, #tpu.memory_space<semaphore_mem>>) src(%arg15 : memref<32x512xf32, #tpu.memory_space<vmem>>) dst(%dma_wait3A_23 : memref<32x512xf32, #tpu.memory_space<hbm>>)
      tpu.yield
    }) : () -> ()
    "tpu.region"() ({
      %run_scoped3A_15 = tpu.sem_alloc : memref<!tpu.dma_semaphore, #tpu.memory_space<semaphore_mem>>
      %dma_start3A_16 = arith.constant 0 : i32
      %dma_start3A_17 = tpu.memref_slice %arg9[%dma_start3A_16, %mul3A_2] : memref<32x16384xf32, #tpu.memory_space<hbm>> -> memref<32x512xf32, #tpu.memory_space<hbm>>
      %dma_start3A_18 = arith.constant 0 : i32
      %dma_start3A_19 = tpu.memref_slice %arg9[%dma_start3A_18, %mul3A_2] : memref<32x16384xf32, #tpu.memory_space<hbm>> -> memref<32x512xf32, #tpu.memory_space<hbm>>
      tpu.enqueue_dma source(%arg16 : memref<32x512xf32, #tpu.memory_space<vmem>>) target(%dma_start3A_19 : memref<32x512xf32, #tpu.memory_space<hbm>>) target_semaphore(%run_scoped3A_15 : memref<!tpu.dma_semaphore, #tpu.memory_space<semaphore_mem>>)
      %dma_wait3A_20 = arith.constant 0 : i32
      %dma_wait3A_21 = tpu.memref_slice %arg9[%dma_wait3A_20, %mul3A_2] : memref<32x16384xf32, #tpu.memory_space<hbm>> -> memref<32x512xf32, #tpu.memory_space<hbm>>
      %dma_wait3A_22 = arith.constant 0 : i32
      %dma_wait3A_23 = tpu.memref_slice %arg9[%dma_wait3A_22, %mul3A_2] : memref<32x16384xf32, #tpu.memory_space<hbm>> -> memref<32x512xf32, #tpu.memory_space<hbm>>
      tpu.wait_dma2 semaphore(%run_scoped3A_15 : memref<!tpu.dma_semaphore, #tpu.memory_space<semaphore_mem>>) src(%arg16 : memref<32x512xf32, #tpu.memory_space<vmem>>) dst(%dma_wait3A_23 : memref<32x512xf32, #tpu.memory_space<hbm>>)
      tpu.yield
    }) : () -> ()
    %dma_wait3A = arith.constant 0 : i32
    %dma_wait3A_11 = tpu.memref_slice %arg6[%dma_wait3A] : memref<1000000xf32, #tpu.memory_space<hbm>> -> memref<1000000xf32, #tpu.memory_space<hbm>>
    tpu.wait_indirect_dma semaphore(%arg20 : memref<!tpu.dma_semaphore, #tpu.memory_space<semaphore_mem>>) src(%dma_wait3A_11 : memref<1000000xf32, #tpu.memory_space<hbm>>) dst(%arg17 : memref<512xf32, #tpu.memory_space<vmem>>)
    %run_scoped3A = arith.constant 0 : i32
    "tpu.region"() ({
      %run_scoped3A_15 = tpu.sem_alloc : memref<!tpu.dma_semaphore, #tpu.memory_space<semaphore_mem>>
      %dma_start3A_16 = tpu.memref_slice %arg10[%run_scoped3A, %mul3A_2] : memref<1x16384xf32, #tpu.memory_space<hbm>> -> memref<1x512xf32, #tpu.memory_space<hbm>>
      %dma_start3A_17 = tpu.memref_squeeze %dma_start3A_16 : memref<1x512xf32, #tpu.memory_space<hbm>> -> memref<512xf32, #tpu.memory_space<hbm>>
      %dma_start3A_18 = tpu.memref_slice %arg10[%run_scoped3A, %mul3A_2] : memref<1x16384xf32, #tpu.memory_space<hbm>> -> memref<1x512xf32, #tpu.memory_space<hbm>>
      %dma_start3A_19 = tpu.memref_squeeze %dma_start3A_18 : memref<1x512xf32, #tpu.memory_space<hbm>> -> memref<512xf32, #tpu.memory_space<hbm>>
      tpu.enqueue_dma source(%arg17 : memref<512xf32, #tpu.memory_space<vmem>>) target(%dma_start3A_19 : memref<512xf32, #tpu.memory_space<hbm>>) target_semaphore(%run_scoped3A_15 : memref<!tpu.dma_semaphore, #tpu.memory_space<semaphore_mem>>)
      %dma_wait3A_20 = tpu.memref_slice %arg10[%run_scoped3A, %mul3A_2] : memref<1x16384xf32, #tpu.memory_space<hbm>> -> memref<1x512xf32, #tpu.memory_space<hbm>>
      %dma_wait3A_21 = tpu.memref_squeeze %dma_wait3A_20 : memref<1x512xf32, #tpu.memory_space<hbm>> -> memref<512xf32, #tpu.memory_space<hbm>>
      %dma_wait3A_22 = tpu.memref_slice %arg10[%run_scoped3A, %mul3A_2] : memref<1x16384xf32, #tpu.memory_space<hbm>> -> memref<1x512xf32, #tpu.memory_space<hbm>>
      %dma_wait3A_23 = tpu.memref_squeeze %dma_wait3A_22 : memref<1x512xf32, #tpu.memory_space<hbm>> -> memref<512xf32, #tpu.memory_space<hbm>>
      tpu.wait_dma2 semaphore(%run_scoped3A_15 : memref<!tpu.dma_semaphore, #tpu.memory_space<semaphore_mem>>) src(%arg17 : memref<512xf32, #tpu.memory_space<vmem>>) dst(%dma_wait3A_23 : memref<512xf32, #tpu.memory_space<hbm>>)
      tpu.yield
    }) : () -> ()
    %dma_wait3A_12 = arith.constant 0 : i32
    %dma_wait3A_13 = tpu.memref_slice %arg7[%dma_wait3A_12] : memref<1000000xf32, #tpu.memory_space<hbm>> -> memref<1000000xf32, #tpu.memory_space<hbm>>
    tpu.wait_indirect_dma semaphore(%arg21 : memref<!tpu.dma_semaphore, #tpu.memory_space<semaphore_mem>>) src(%dma_wait3A_13 : memref<1000000xf32, #tpu.memory_space<hbm>>) dst(%arg18 : memref<512xf32, #tpu.memory_space<vmem>>)
    %run_scoped3A_14 = arith.constant 0 : i32
    "tpu.region"() ({
      %run_scoped3A_15 = tpu.sem_alloc : memref<!tpu.dma_semaphore, #tpu.memory_space<semaphore_mem>>
      %dma_start3A_16 = tpu.memref_slice %arg11[%run_scoped3A_14, %mul3A_2] : memref<1x16384xf32, #tpu.memory_space<hbm>> -> memref<1x512xf32, #tpu.memory_space<hbm>>
      %dma_start3A_17 = tpu.memref_squeeze %dma_start3A_16 : memref<1x512xf32, #tpu.memory_space<hbm>> -> memref<512xf32, #tpu.memory_space<hbm>>
      %dma_start3A_18 = tpu.memref_slice %arg11[%run_scoped3A_14, %mul3A_2] : memref<1x16384xf32, #tpu.memory_space<hbm>> -> memref<1x512xf32, #tpu.memory_space<hbm>>
      %dma_start3A_19 = tpu.memref_squeeze %dma_start3A_18 : memref<1x512xf32, #tpu.memory_space<hbm>> -> memref<512xf32, #tpu.memory_space<hbm>>
      tpu.enqueue_dma source(%arg18 : memref<512xf32, #tpu.memory_space<vmem>>) target(%dma_start3A_19 : memref<512xf32, #tpu.memory_space<hbm>>) target_semaphore(%run_scoped3A_15 : memref<!tpu.dma_semaphore, #tpu.memory_space<semaphore_mem>>)
      %dma_wait3A_20 = tpu.memref_slice %arg11[%run_scoped3A_14, %mul3A_2] : memref<1x16384xf32, #tpu.memory_space<hbm>> -> memref<1x512xf32, #tpu.memory_space<hbm>>
      %dma_wait3A_21 = tpu.memref_squeeze %dma_wait3A_20 : memref<1x512xf32, #tpu.memory_space<hbm>> -> memref<512xf32, #tpu.memory_space<hbm>>
      %dma_wait3A_22 = tpu.memref_slice %arg11[%run_scoped3A_14, %mul3A_2] : memref<1x16384xf32, #tpu.memory_space<hbm>> -> memref<1x512xf32, #tpu.memory_space<hbm>>
      %dma_wait3A_23 = tpu.memref_squeeze %dma_wait3A_22 : memref<1x512xf32, #tpu.memory_space<hbm>> -> memref<512xf32, #tpu.memory_space<hbm>>
      tpu.wait_dma2 semaphore(%run_scoped3A_15 : memref<!tpu.dma_semaphore, #tpu.memory_space<semaphore_mem>>) src(%arg18 : memref<512xf32, #tpu.memory_space<vmem>>) dst(%dma_wait3A_23 : memref<512xf32, #tpu.memory_space<hbm>>)
      tpu.yield
    }) : () -> ()
    return
  }
}

module attributes {stable_mosaic.version = 14 : i64} {
  func.func @_dense_body(%arg0: i32, %arg1: memref<32x2048xf32, #tpu.memory_space<vmem>>, %arg2: memref<32x2048xf32, #tpu.memory_space<vmem>>, %arg3: memref<1x2048xf32, #tpu.memory_space<vmem>>, %arg4: memref<1x2048xf32, #tpu.memory_space<vmem>>, %arg5: memref<18x2048xf32, #tpu.memory_space<vmem>>, %arg6: memref<18x32xf32, #tpu.memory_space<vmem>>, %arg7: memref<50x32xf32, #tpu.memory_space<vmem>>, %arg8: memref<50x1xf32, #tpu.memory_space<vmem>>, %arg9: memref<25x50xf32, #tpu.memory_space<vmem>>, %arg10: memref<25x1xf32, #tpu.memory_space<vmem>>, %arg11: memref<18x25xf32, #tpu.memory_space<vmem>>, %arg12: memref<18x1xf32, #tpu.memory_space<vmem>>, %arg13: memref<2048xf32, #tpu.memory_space<vmem>>, %arg14: memref<2048xf32, #tpu.memory_space<vmem>>, %arg15: memref<18x2048xf32, #tpu.memory_space<vmem>>) attributes {dimension_semantics = [#tpu.dimension_semantics<arbitrary>], iteration_bounds = array<i64: 8>, scalar_prefetch = 0 : i64, scratch_operands = 0 : i64, tpu.core_type = #tpu.core_type<tc>, window_params = [{transform_indices = @transform_0, window_bounds = array<i64: 32, 2048>}, {transform_indices = @transform_1, window_bounds = array<i64: 32, 2048>}, {transform_indices = @transform_2, window_bounds = array<i64: 1, 2048>}, {transform_indices = @transform_3, window_bounds = array<i64: 1, 2048>}, {transform_indices = @transform_4, window_bounds = array<i64: 18, 2048>}, {pipeline_mode = #tpu.pipeline_mode<synchronous>, transform_indices = @transform_5, window_bounds = array<i64: 18, 32>}, {pipeline_mode = #tpu.pipeline_mode<synchronous>, transform_indices = @transform_6, window_bounds = array<i64: 50, 32>}, {pipeline_mode = #tpu.pipeline_mode<synchronous>, transform_indices = @transform_7, window_bounds = array<i64: 50, 1>}, {pipeline_mode = #tpu.pipeline_mode<synchronous>, transform_indices = @transform_8, window_bounds = array<i64: 25, 50>}, {pipeline_mode = #tpu.pipeline_mode<synchronous>, transform_indices = @transform_9, window_bounds = array<i64: 25, 1>}, {pipeline_mode = #tpu.pipeline_mode<synchronous>, transform_indices = @transform_10, window_bounds = array<i64: 18, 25>}, {pipeline_mode = #tpu.pipeline_mode<synchronous>, transform_indices = @transform_11, window_bounds = array<i64: 18, 1>}, {transform_indices = @transform_12, window_bounds = array<i64: 2048>}, {transform_indices = @transform_13, window_bounds = array<i64: 2048>}, {transform_indices = @transform_14, window_bounds = array<i64: 18, 2048>}]} {
    %get3A = arith.constant 0 : index
    %get3A_0 = arith.constant 0 : index
    %get3A_1 = vector.load %arg1[%get3A, %get3A_0] : memref<32x2048xf32, #tpu.memory_space<vmem>>, vector<32x2048xf32>
    %get3A_2 = arith.constant 0 : index
    %get3A_3 = arith.constant 0 : index
    %get3A_4 = vector.load %arg2[%get3A_2, %get3A_3] : memref<32x2048xf32, #tpu.memory_space<vmem>>, vector<32x2048xf32>
    %get3A_5 = arith.constant 0 : index
    %get3A_6 = arith.constant 0 : index
    %get3A_7 = vector.load %arg6[%get3A_5, %get3A_6] : memref<18x32xf32, #tpu.memory_space<vmem>>, vector<18x32xf32>
    %mul3A = arith.mulf %get3A_1, %get3A_4 : vector<32x2048xf32>
    %reduce_sum3A = arith.constant dense<0.000000e+00> : vector<2048xf32>
    %reduce_sum3A_8 = vector.multi_reduction <add>, %mul3A, %reduce_sum3A [0] : vector<32x2048xf32> to vector<2048xf32>
    %get3A_9 = arith.constant 0 : index
    %get3A_10 = arith.constant 0 : index
    %get3A_11 = vector.load %arg3[%get3A_9, %get3A_10] : memref<1x2048xf32, #tpu.memory_space<vmem>>, vector<1x2048xf32>
    %get3A_12 = vector.shape_cast %get3A_11 : vector<1x2048xf32> to vector<2048xf32>
    %add3A = arith.addf %reduce_sum3A_8, %get3A_12 : vector<2048xf32>
    %get3A_13 = arith.constant 0 : index
    %get3A_14 = arith.constant 0 : index
    %get3A_15 = vector.load %arg4[%get3A_13, %get3A_14] : memref<1x2048xf32, #tpu.memory_space<vmem>>, vector<1x2048xf32>
    %get3A_16 = vector.shape_cast %get3A_15 : vector<1x2048xf32> to vector<2048xf32>
    %add3A_17 = arith.addf %add3A, %get3A_16 : vector<2048xf32>
    %add3A_18 = arith.constant 3.530000e+00 : f32
    %add3A_19 = vector.broadcast %add3A_18 : f32 to vector<2048xf32>
    %add3A_20 = arith.addf %add3A_17, %add3A_19 : vector<2048xf32>
    %swap3A = arith.constant 0 : index
    %swap3A_21 = vector.load %arg13[%swap3A] : memref<2048xf32, #tpu.memory_space<vmem>>, vector<2048xf32>
    tpu.vector_store %arg13[%swap3A], %add3A_20 {strides = array<i32>} : memref<2048xf32, #tpu.memory_space<vmem>>, vector<2048xf32>,
    %mul3A_22 = arith.mulf %get3A_7, %get3A_7 : vector<18x32xf32>
    %reduce_sum3A_23 = arith.constant dense<0.000000e+00> : vector<18xf32>
    %reduce_sum3A_24 = vector.multi_reduction <add>, %mul3A_22, %reduce_sum3A_23 [1] : vector<18x32xf32> to vector<18xf32>
    %broadcast_in_dim3A = vector.shape_cast %reduce_sum3A_24 : vector<18xf32> to vector<18x1xf32>
    %sqrt3A = math.sqrt %broadcast_in_dim3A : vector<18x1xf32>
    %get3A_25 = arith.constant 0 : index
    %get3A_26 = arith.constant 0 : index
    %get3A_27 = vector.load %arg5[%get3A_25, %get3A_26] : memref<18x2048xf32, #tpu.memory_space<vmem>>, vector<18x2048xf32>
    %abs3A = math.absf %get3A_27 : vector<18x2048xf32>
    %mul3A_28 = vector.broadcast %sqrt3A : vector<18x1xf32> to vector<18x2048xf32>
    %mul3A_29 = arith.mulf %abs3A, %mul3A_28 : vector<18x2048xf32>
    %max3A = arith.constant 9.99999996E-13 : f32
    %max3A_30 = vector.broadcast %max3A : f32 to vector<18x2048xf32>
    %max3A_31 = arith.maximumf %mul3A_29, %max3A_30 : vector<18x2048xf32>
    %div3A = arith.divf %get3A_27, %max3A_31 : vector<18x2048xf32>
    %get3A_32 = arith.constant 0 : index
    %get3A_33 = arith.constant 0 : index
    %get3A_34 = vector.load %arg7[%get3A_32, %get3A_33] : memref<50x32xf32, #tpu.memory_space<vmem>>, vector<50x32xf32>
    %dot_general3A = arith.constant dense<0.000000e+00> : vector<50x2048xf32>
    %dot_general3A_35 = tpu.matmul %get3A_34, %get3A_4, %dot_general3A {dimension_numbers = #tpu.dot_dimension_numbers<[1], [0], [0], [1], [0, 0, 1, 1], [], []>, transpose_lhs_hint = false} : vector<50x32xf32>, vector<32x2048xf32>, vector<50x2048xf32> -> vector<50x2048xf32>
    %get3A_36 = arith.constant 0 : index
    %get3A_37 = arith.constant 0 : index
    %get3A_38 = vector.load %arg8[%get3A_36, %get3A_37] : memref<50x1xf32, #tpu.memory_space<vmem>>, vector<50x1xf32>
    %add3A_39 = vector.broadcast %get3A_38 : vector<50x1xf32> to vector<50x2048xf32>
    %add3A_40 = arith.addf %dot_general3A_35, %add3A_39 : vector<50x2048xf32>
    %get3A_41 = arith.constant 0 : index
    %get3A_42 = arith.constant 0 : index
    %get3A_43 = vector.load %arg9[%get3A_41, %get3A_42] : memref<25x50xf32, #tpu.memory_space<vmem>>, vector<25x50xf32>
    %dot_general3A_44 = arith.constant dense<0.000000e+00> : vector<25x2048xf32>
    %dot_general3A_45 = tpu.matmul %get3A_43, %add3A_40, %dot_general3A_44 {dimension_numbers = #tpu.dot_dimension_numbers<[1], [0], [0], [1], [0, 0, 1, 1], [], []>, transpose_lhs_hint = false} : vector<25x50xf32>, vector<50x2048xf32>, vector<25x2048xf32> -> vector<25x2048xf32>
    %get3A_46 = arith.constant 0 : index
    %get3A_47 = arith.constant 0 : index
    %get3A_48 = vector.load %arg10[%get3A_46, %get3A_47] : memref<25x1xf32, #tpu.memory_space<vmem>>, vector<25x1xf32>
    %add3A_49 = vector.broadcast %get3A_48 : vector<25x1xf32> to vector<25x2048xf32>
    %add3A_50 = arith.addf %dot_general3A_45, %add3A_49 : vector<25x2048xf32>
    %get3A_51 = arith.constant 0 : index
    %get3A_52 = arith.constant 0 : index
    %get3A_53 = vector.load %arg11[%get3A_51, %get3A_52] : memref<18x25xf32, #tpu.memory_space<vmem>>, vector<18x25xf32>
    %dot_general3A_54 = arith.constant dense<0.000000e+00> : vector<18x2048xf32>
    %dot_general3A_55 = tpu.matmul %get3A_53, %add3A_50, %dot_general3A_54 {dimension_numbers = #tpu.dot_dimension_numbers<[1], [0], [0], [1], [0, 0, 1, 1], [], []>, transpose_lhs_hint = false} : vector<18x25xf32>, vector<25x2048xf32>, vector<18x2048xf32> -> vector<18x2048xf32>
    %get3A_56 = arith.constant 0 : index
    %get3A_57 = arith.constant 0 : index
    %get3A_58 = vector.load %arg12[%get3A_56, %get3A_57] : memref<18x1xf32, #tpu.memory_space<vmem>>, vector<18x1xf32>
    %add3A_59 = vector.broadcast %get3A_58 : vector<18x1xf32> to vector<18x2048xf32>
    %add3A_60 = arith.addf %dot_general3A_55, %add3A_59 : vector<18x2048xf32>
    %neg3A = arith.constant 0.000000e+00 : f32
    %neg3A_61 = vector.broadcast %neg3A : f32 to vector<18x2048xf32>
    %neg3A_62 = arith.subf %neg3A_61, %add3A_60 : vector<18x2048xf32>
    %exp3A = math.exp %neg3A_62 : vector<18x2048xf32>
    %add3A_63 = arith.constant 1.000000e+00 : f32
    %add3A_64 = vector.broadcast %add3A_63 : f32 to vector<18x2048xf32>
    %add3A_65 = arith.addf %add3A_64, %exp3A : vector<18x2048xf32>
    %div3A_66 = arith.constant 1.000000e+00 : f32
    %div3A_67 = vector.broadcast %div3A_66 : f32 to vector<18x2048xf32>
    %div3A_68 = arith.divf %div3A_67, %add3A_65 : vector<18x2048xf32>
    %mul3A_69 = arith.mulf %div3A, %div3A_68 : vector<18x2048xf32>
    %dot_general3A_70 = arith.constant dense<0.000000e+00> : vector<32x2048xf32>
    %dot_general3A_71 = tpu.matmul %get3A_7, %mul3A_69, %dot_general3A_70 {dimension_numbers = #tpu.dot_dimension_numbers<[0], [0], [1], [1], [0, 1, 1, 1], [], []>, transpose_lhs_hint = false} : vector<18x32xf32>, vector<18x2048xf32>, vector<32x2048xf32> -> vector<32x2048xf32>
    %sub3A = arith.subf %dot_general3A_71, %get3A_4 : vector<32x2048xf32>
    %add3A_72 = arith.constant 9.99999997E-7 : f32
    %add3A_73 = vector.broadcast %add3A_72 : f32 to vector<32x2048xf32>
    %add3A_74 = arith.addf %sub3A, %add3A_73 : vector<32x2048xf32>
    %mul3A_75 = arith.mulf %add3A_74, %add3A_74 : vector<32x2048xf32>
    %reduce_sum3A_76 = arith.constant dense<0.000000e+00> : vector<2048xf32>
    %reduce_sum3A_77 = vector.multi_reduction <add>, %mul3A_75, %reduce_sum3A_76 [0] : vector<32x2048xf32> to vector<2048xf32>
    %sqrt3A_78 = math.sqrt %reduce_sum3A_77 : vector<2048xf32>
    %swap3A_79 = arith.constant 0 : index
    %swap3A_80 = vector.load %arg14[%swap3A_79] : memref<2048xf32, #tpu.memory_space<vmem>>, vector<2048xf32>
    tpu.vector_store %arg14[%swap3A_79], %sqrt3A_78 {strides = array<i32>} : memref<2048xf32, #tpu.memory_space<vmem>>, vector<2048xf32>,
    %dot_general3A_81 = arith.constant dense<0.000000e+00> : vector<18x2048xf32>
    %dot_general3A_82 = tpu.matmul %get3A_7, %get3A_1, %dot_general3A_81 {dimension_numbers = #tpu.dot_dimension_numbers<[1], [0], [0], [1], [0, 0, 1, 1], [], []>, transpose_lhs_hint = false} : vector<18x32xf32>, vector<32x2048xf32>, vector<18x2048xf32> -> vector<18x2048xf32>
    %mul3A_83 = arith.mulf %div3A, %dot_general3A_82 : vector<18x2048xf32>
    %swap3A_84 = arith.constant 0 : index
    %swap3A_85 = arith.constant 0 : index
    %swap3A_86 = vector.load %arg15[%swap3A_84, %swap3A_85] : memref<18x2048xf32, #tpu.memory_space<vmem>>, vector<18x2048xf32>
    tpu.vector_store %arg15[%swap3A_84, %swap3A_85], %mul3A_83 {strides = array<i32>} : memref<18x2048xf32, #tpu.memory_space<vmem>>, vector<18x2048xf32>,
    return
  }
  func.func @transform_0(%arg0: i32) -> (i32, i32) {
    %c0_i32 = arith.constant 0 : i32
    %c0_i32_0 = arith.constant 0 : i32
    return %c0_i32, %arg0 : i32, i32
  }
  func.func @transform_1(%arg0: i32) -> (i32, i32) {
    %c0_i32 = arith.constant 0 : i32
    %c0_i32_0 = arith.constant 0 : i32
    return %c0_i32, %arg0 : i32, i32
  }
  func.func @transform_2(%arg0: i32) -> (i32, i32) {
    %c0_i32 = arith.constant 0 : i32
    %c0_i32_0 = arith.constant 0 : i32
    return %c0_i32, %arg0 : i32, i32
  }
  func.func @transform_3(%arg0: i32) -> (i32, i32) {
    %c0_i32 = arith.constant 0 : i32
    %c0_i32_0 = arith.constant 0 : i32
    return %c0_i32, %arg0 : i32, i32
  }
  func.func @transform_4(%arg0: i32) -> (i32, i32) {
    %c0_i32 = arith.constant 0 : i32
    %c0_i32_0 = arith.constant 0 : i32
    return %c0_i32, %arg0 : i32, i32
  }
  func.func @transform_5(%arg0: i32) -> (i32, i32) {
    %c0_i32 = arith.constant 0 : i32
    %c0_i32_0 = arith.constant 0 : i32
    %c0_i32_1 = arith.constant 0 : i32
    return %c0_i32, %c0_i32_0 : i32, i32
  }
  func.func @transform_6(%arg0: i32) -> (i32, i32) {
    %c0_i32 = arith.constant 0 : i32
    %c0_i32_0 = arith.constant 0 : i32
    %c0_i32_1 = arith.constant 0 : i32
    return %c0_i32, %c0_i32_0 : i32, i32
  }
  func.func @transform_7(%arg0: i32) -> (i32, i32) {
    %c0_i32 = arith.constant 0 : i32
    %c0_i32_0 = arith.constant 0 : i32
    %c0_i32_1 = arith.constant 0 : i32
    return %c0_i32, %c0_i32_0 : i32, i32
  }
  func.func @transform_8(%arg0: i32) -> (i32, i32) {
    %c0_i32 = arith.constant 0 : i32
    %c0_i32_0 = arith.constant 0 : i32
    %c0_i32_1 = arith.constant 0 : i32
    return %c0_i32, %c0_i32_0 : i32, i32
  }
  func.func @transform_9(%arg0: i32) -> (i32, i32) {
    %c0_i32 = arith.constant 0 : i32
    %c0_i32_0 = arith.constant 0 : i32
    %c0_i32_1 = arith.constant 0 : i32
    return %c0_i32, %c0_i32_0 : i32, i32
  }
  func.func @transform_10(%arg0: i32) -> (i32, i32) {
    %c0_i32 = arith.constant 0 : i32
    %c0_i32_0 = arith.constant 0 : i32
    %c0_i32_1 = arith.constant 0 : i32
    return %c0_i32, %c0_i32_0 : i32, i32
  }
  func.func @transform_11(%arg0: i32) -> (i32, i32) {
    %c0_i32 = arith.constant 0 : i32
    %c0_i32_0 = arith.constant 0 : i32
    %c0_i32_1 = arith.constant 0 : i32
    return %c0_i32, %c0_i32_0 : i32, i32
  }
  func.func @transform_12(%arg0: i32) -> i32 {
    %c0_i32 = arith.constant 0 : i32
    return %arg0 : i32
  }
  func.func @transform_13(%arg0: i32) -> i32 {
    %c0_i32 = arith.constant 0 : i32
    return %arg0 : i32
  }
  func.func @transform_14(%arg0: i32) -> (i32, i32) {
    %c0_i32 = arith.constant 0 : i32
    %c0_i32_0 = arith.constant 0 : i32
    return %c0_i32, %arg0 : i32, i32
  }
}

</mosaic_0001>

<sc_bundles>
// kernel: kernel.4.cloned.1.call-start
scs
__scs_entry_jumppad:
0x0: {  	(pc) =	sbr.rel $0x88, $3  }
0x1: {  	(tag) =	ssettag $0x0;
	lr =	simm.s32 $0x1  }
0x2: {  	[smem:$0x3F93] =	sst lr;
	_ =	strace $0xD0000000  }
0x3: {  	_ = 	snop  }
0x4: {  	_ = 	snop  }
0x5: {  	_ = 	snop  }
0x6: {  	_ = 	snop  }
0x7: {  	_ = 	snop  }
__scs_overlays_trampoline_lowered:
0x8: {  	[smem:$0x3FA2] =	sst s0  }
0x9: {  	[smem:$0x3FA3] =	sst s1  }
0xa: {  	[smem:$0x3FA4] =	sst s2  }
0xb: {  	[smem:$0x3FA5] =	sst s3  }
0xc: {  	[smem:$0x3FA6] =	sst s4  }
0xd: {  	[smem:$0x3FA7] =	sst s5  }
0xe: {  	[smem:$0x3FA8] =	sst s6  }
0xf: {  	[smem:$0x3FA9] =	sst s7  }
0x10: {  	[smem:$0x3FAA] =	sst s8  }
0x11: {  	[smem:$0x3FAB] =	sst s9;
	s0 =	simm.s32 @!p0 $0x0  }
0x12: {  	s1 =	sld [smem:$0x3F91];
	s0 =	simm.s32 @p0 $0x1  }
0x13: {  	[smem:$0x3FAC] =	sst s0;
	s0 =	simm.s32 @!p1 $0x0  }
0x14: {  	s2 =	sld [smem:$0x3F90];
	s0 =	simm.s32 @p1 $0x1  }
0x15: {  	[smem:$0x3FAD] =	sst s0;
	s0 =	simm.s32 @!p2 $0x0  }
0x16: {  	s3 =	sld [smem:$0x3FDB];
	s0 =	simm.s32 @p2 $0x1  }
0x17: {  	s4 =	simm.s32 $0x1BF5;
	[smem:$0x3FAF] =	sst s0  }
0x18: {  	s0 =	sld [smem:$0x3F92];
	_ =	swait.ge [sflag:s4], $0x0  }
0x19: {  	s7 =	sld [smem:$0x3F93]  }
0x1a: {  	s8 =	sadd.s32 $0xFFFFE003, lr  }
0x1b: {  	s9 =	sadd.s32 $0xFFFFFEF7, lr;
	s5 =	simm.s32 $0xFFFFFFFF;
	p2 =	slt.u32 s8, $0xFFFFF086  }
0x1c: {  	p1 =	slt.u32 s9, $0xF7A;
	s5 =	simm.s32 @!p2 $0x0  }
0x1d: {  	s5 =	simm.s32 @p1 $0x1;
	p0 =	seq.s32 s7, s2  }
0x1e: {  	s7 =	smul.u32 @!p0 $0xF7A, s2;
	p2 =	seq.s32 @!p0 s5, $0x0  }
0x1f: {  	s9 =	smul.u32 $0xF7A, s1;
	s8 =	simm.s32 @!p0 $0x1BF5;
	p2 =	por !p2, p0  }
0x20: {  	[sflag:s8] =	ssyncset.s32 @!p0 $0xFFFFF086;
	s6 =	sadd.s32 @!p0 s3, s7;
	s7 =	simm.s32 @!p0 $0x108  }
0x21: {  	s3 =	sadd.s32 s3, s9;
	s6 =	sadd.s32 @!p0 $0x88, s6;
	s7 =	simm.s32 @p2 $0x1082  }
0x22: {  	[simem:s7], [sflag:s8] =	dma.local @!p0 [hbm:s6], $0xF7A  }
0x23: {  	s9 =	sor.u32 $0xD0000000, s2;
	s6 =	simm.s32 $0x108;
	_ =	swait.ge @!p0 [sflag:s8], $0x0  }
0x24: {  	s3 =	sadd.s32 $0x88, s3;
	s6 =	simm.s32 @!p1 $0x1082;
	[sflag:s4] =	ssyncset.s32 $0xFFFFF086  }
0x25: {  	[simem:s6], [sflag:s4] =	dma.local [hbm:s3], $0xF7A  }
0x26: {  	[smem:$0x3F93] =	sst s1;
	(tag) =	ssettag s2;
	_ =	strace s9  }
0x27: {  	s1 =	sld [smem:$0x3FA3]  }
0x28: {  	s2 =	sld [smem:$0x3FA4]  }
0x29: {  	s4 =	sld [smem:$0x3FA6]  }
0x2a: {  	p0 =	seq.s32 s5, $0x0;
	s5 =	sld [smem:$0x3FA7]  }
0x2b: {  	s6 =	sld [smem:$0x3FA8]  }
0x2c: {  	s7 =	sld [smem:$0x3FA9]  }
0x2d: {  	s3 =	simm.s32 $0x108;
	s8 =	sld [smem:$0x3FAA]  }
0x2e: {  	s3 =	simm.s32 @!p0 $0x1082;
	s9 =	sld [smem:$0x3FAB]  }
0x2f: {  	lr =	sadd.s32 s0, s3;
	s0 =	sld [smem:$0x3FA2]  }
0x30: {  	s3 =	sld [smem:$0x3FA5]  }
0x31: {  	[smem:$0x3FAE] =	sst s10  }
0x32: {  	s10 =	sld [smem:$0x3FAC];
	_ =	sdelay $0x3  }
0x33: {  	p0 =	seq.s32 s10, $0x1;
	s10 =	sld [smem:$0x3FAE];
	_ =	sdelay $0x3  }
0x34: {  	[smem:$0x3FAE] =	sst s10  }
0x35: {  	s10 =	sld [smem:$0x3FAD];
	_ =	sdelay $0x3  }
0x36: {  	p1 =	seq.s32 s10, $0x1;
	s10 =	sld [smem:$0x3FAE];
	_ =	sdelay $0x3  }
0x37: {  	[smem:$0x3FAE] =	sst s10  }
0x38: {  	s10 =	sld [smem:$0x3FAF]  }
0x39: {  	_ = 	snop;
	(pc) =	sbr.ind lr, $3  }
0x3a: {  	_ = 	snop  }
0x3b: {  	_ = 	snop  }
0x3c: {  	p2 =	seq.s32 s10, $0x1;
	s10 =	sld [smem:$0x3FAE]  }
0x3d: {  	_ =	shalt  }
0x3e: {  	_ =	shalt  }
0x3f: {  	_ =	shalt  }
0x40: {  	_ =	shalt  }
0x41: {  	_ =	shalt  }
0x42: {  	_ =	shalt  }
0x43: {  	_ =	shalt  }
0x44: {  	_ =	shalt  }
0x45: {  	_ =	shalt  }
0x46: {  	_ =	shalt  }
0x47: {  	_ =	shalt  }
0x48: {  	_ =	shalt  }
0x49: {  	_ =	shalt  }
0x4a: {  	_ =	shalt  }
0x4b: {  	_ =	shalt  }
0x4c: {  	_ =	shalt  }
0x4d: {  	_ =	shalt  }
0x4e: {  	_ =	shalt  }
0x4f: {  	_ =	shalt  }
0x50: {  	_ =	shalt  }
0x51: {  	_ =	shalt  }
0x52: {  	_ =	shalt  }
0x53: {  	_ =	shalt  }
0x54: {  	_ =	shalt  }
0x55: {  	_ =	shalt  }
0x56: {  	_ =	shalt  }
0x57: {  	_ =	shalt  }
0x58: {  	_ =	shalt  }
0x59: {  	_ =	shalt  }
0x5a: {  	_ =	shalt  }
0x5b: {  	_ =	shalt  }
0x5c: {  	_ =	shalt  }
0x5d: {  	_ =	shalt  }
0x5e: {  	_ =	shalt  }
0x5f: {  	_ =	shalt  }
0x60: {  	_ =	shalt  }
0x61: {  	_ =	shalt  }
0x62: {  	_ =	shalt  }
0x63: {  	_ =	shalt  }
0x64: {  	_ =	shalt  }
0x65: {  	_ =	shalt  }
0x66: {  	_ =	shalt  }
0x67: {  	_ =	shalt  }
0x68: {  	_ =	shalt  }
0x69: {  	_ =	shalt  }
0x6a: {  	_ =	shalt  }
0x6b: {  	_ =	shalt  }
0x6c: {  	_ =	shalt  }
0x6d: {  	_ =	shalt  }
0x6e: {  	_ =	shalt  }
0x6f: {  	_ =	shalt  }
0x70: {  	_ =	shalt  }
0x71: {  	_ =	shalt  }
0x72: {  	_ =	shalt  }
0x73: {  	_ =	shalt  }
0x74: {  	_ =	shalt  }
0x75: {  	_ =	shalt  }
0x76: {  	_ =	shalt  }
0x77: {  	_ =	shalt  }
0x78: {  	_ =	shalt  }
0x79: {  	_ =	shalt  }
0x7a: {  	_ =	shalt  }
0x7b: {  	_ =	shalt  }
0x7c: {  	_ =	shalt  }
0x7d: {  	_ =	shalt  }
0x7e: {  	_ =	shalt  }
0x7f: {  	_ =	shalt  }
0x80: {  	_ =	shalt  }
0x81: {  	_ =	shalt  }
0x82: {  	_ =	shalt  }
0x83: {  	_ =	shalt  }
0x84: {  	_ =	shalt  }
0x85: {  	_ =	shalt  }
0x86: {  	_ =	shalt  }
0x87: {  	_ =	shalt  }
.Lfunc_end0:
.L_simem_size_0:
called_computation_lowered:
.L_overlay_start_0:
0x88: {  	s2 =	sld [smem:$0x3FD9]  }
0x89: {  	s3 =	sld [smem:$0x3FFE];
	_ =	sdelay $0x1  }
0x8a: {  	s1 =	srdreg.scid  }
0x8b: {  	s0 =	sand.u32 $0x1, s1  }
0x8c: {  	s14 =	sshll.u32 s0, $0xA;
	s2 =	sadd.s32 s3, s2  }
0x8d: {  	s2 =	sadd.s32 s2, s14  }
0x8e: {  	[smem:$0x3FBA] =	sst s2  }
0x8f: {  	_ = 	snop  }
0x90: {  	s2 =	sld [smem:$0x3FC9]  }
0x91: {  	s15 =	sld [smem:$0x3FC8]  }
0x92: {  	s4 =	sld [smem:$0x3FC6]  }
0x93: {  	s5 =	sld [smem:$0x3FD0]  }
0x94: {  	s6 =	sld [smem:$0x3FC5]  }
0x95: {  	s7 =	sld [smem:$0x3FC4]  }
0x96: {  	s9 =	simm.s32 $0xA;
	s10 =	simm.s32 $0x10;
	s8 =	sld [smem:$0x3FC3]  }
0x97: {  	[smem:s10], [sflag:s9] =	dma.local [hbm:s5], $0x1  }
0x98: {  	_ =	swait.eq [sflag:s9], $0x1  }
0x99: {  	[sflag:s9] =	ssyncset.done $0x0  }
0x9a: {  	s16 =	sld [smem:$0x10];
	[sflag:s9] =	ssyncadd.s32 $0xFFFFFFFF  }
0x9b: {  	s17 =	sld [smem:$0x11];
	(tm) =	ssettm $0x1  }
0x9c: {  	s18 =	sld [smem:$0x3FFB];
	_ =	sdelay $0x3  }
0x9d: {  	_ =	strace s18  }
0x9e: {  	s10 =	sld [smem:$0x3FFC];
	_ =	sdelay $0x3  }
0x9f: {  	_ =	strace s10  }
0xa0: {  	s10 =	sld [smem:$0x3FFD];
	_ =	sdelay $0x3  }
0xa1: {  	_ =	strace s10  }
0xa2: {  	_ =	strace $0x8FFFFFFF  }
0xa3: {  	s19 =	sld [smem:$0x3FDB];
	_ =	sdelay $0x1  }
0xa4: {  	s11 =	simm.s32 $_scs_section_size  }
0xa5: {  	s12 =	simm.s32 $_size__tile_overlayer_lowered;
	s13 =	simm.s32 $_tile_overlayer_lowered  }
0xa6: {  	s22 =	simm.s32 $0x1BFF;
	s21 =	sshll.u32 s13, $0x1;
	s10 =	sadd.s32 s11, s19  }
0xa7: {  	s20 =	sshll.u32 s12, $0x1;
	s14 =	simm.s32 $0x0;
	s12 =	sadd.s32 s21, s10  }
0xa8: {  	[timem:s14], [sflag:s22] =	dma.local [hbm:s12], s20  }
0xa9: {  	_ =	swait.ge [sflag:s22], s20  }
0xaa: {  	s11 =	ssub.s32 $0x0, s20;
	[sflag:s22] =	ssyncset.done $0x0  }
0xab: {  	[sflag:s22] =	ssyncadd.s32 s11;
	_ =	sdelay $0x1  }
0xac: {  	s23 =	simm.s32 $0x1B8B  }
0xad: {  	_ =	swait.ge [sflag:s23], $0x1  }
0xae: {  	[sflag:s23] =	ssyncset.done $0x0  }
0xaf: {  	s25 =	simm.s32 $0x1B8E;
	s24 =	sld [smem:$0x3FFE];
	[sflag:s23] =	ssyncadd.s32 $0xFFFFFFFF  }
0xb0: {  	s26 =	simm.s32 $execute0_lowered;
	[smem:$0x3FD2] =	sst s25  }
0xb1: {  	s12 =	sshll.u32 s26, $0x1;
	_ =	strace $0x80000046;
	[dreg:$0x1] =	wrdreg $0xFFFFFFFF  }
0xb2: {  	s28 =	simm.s32 $_size_execute0_lowered;
	s10 =	sadd.s32 s10, s12;
	[dreg:$0x0] =	wrdreg $0x0  }
0xb3: {  	s12 =	sshll.u32 s28, $0x1;
	[dreg:$0x2] =	wrdreg s10  }
0xb4: {  	[dreg:$0x3] =	wrdreg s12  }
0xb5: {  	[dreg:$0x4] =	wrdreg $0xC0  }
0xb6: {  	_ =	task [dreg:s14], $0x5FFFF  }
0xb7: {  	[dreg:$0x1] =	wrdreg $0xFFFFFFFF  }
0xb8: {  	[dreg:$0x0] =	wrdreg $0x60  }
0xb9: {  	[dreg:$0x2] =	wrdreg s2  }
0xba: {  	[dreg:$0x3] =	wrdreg s15  }
0xbb: {  	[dreg:$0x4] =	wrdreg s4  }
0xbc: {  	[dreg:$0x5] =	wrdreg s6  }
0xbd: {  	[dreg:$0x6] =	wrdreg s7  }
0xbe: {  	[dreg:$0x7] =	wrdreg s8  }
0xbf: {  	[dreg:$0x8] =	wrdreg s24  }
0xc0: {  	[dreg:$0x9] =	wrdreg s17  }
0xc1: {  	[dreg:$0xa] =	wrdreg s16  }
0xc2: {  	[dreg:$0xb] =	wrdreg $0x9  }
0xc3: {  	_ =	task.clear_ibuf [dreg:s14], $0xCFFFF;
	_ =	strace $0x90000046  }
0xc4: {  	s29 =	simm.s32 $0x9;
	_ =	strace $0x80000048  }
0xc5: {  	_ =	swait.ge [sflag:s29], $0x1  }
0xc6: {  	[sflag:s29] =	ssyncadd.s32 $0xFFFFFFFF  }
0xc7: {  	_ =	strace $0x90000048  }
0xc8: {  	_ =	sfence  }
0xc9: {  	s30 =	sld [smem:$0x0];
	_ =	sdelay $0x2  }
0xca: {  	s31 =	sshll.u32 s1, $0xD;
	s1 =	sshrl.u32 s1, $0x2  }
0xcb: {  	s3 =	sand.u32 $0x4000, s31;
	s1 =	sadd.s32 s1, s30  }
0xcc: {  	s0 =	sor.u32 s3, s0;
	s1 =	sshll.u32 s1, $0x11  }
0xcd: {  	s0 =	sor.u32 s1, s0  }
0xce: {  	s0 =	sadd.s32 $0x8F2B, s0  }
0xcf: {  	[sflag:s0] =	ssyncadd.remote.s32 $0x1  }
0xd0: {  	_ =	sfence.sel $0xFFFF  }
0xd1: {  	[dreg:$0x0] =	wrdreg $0xFFFFFFFF;
	(pc) =	sbr.abs _section_cstart, $3  }
0xd2: {  	[dreg:$0x1] =	wrdreg $0xFFFFFFFF  }
0xd3: {  	_ =	task.clear_ibuf [dreg:s14], $0x2FFFF;
	_ =	strace $0x9FFFFFFF  }
0xd4: {  	(tm) =	ssettm $0x7FFFFFFF  }
0xd5: {  	_ =	shalt  }
tec
execute0_lowered:
.L_overlay_start_1:
0x0: {  	(tag) =	ssettag $0x1  }
0x1: {  	s1 =	rddreg [dreg:$0x0]  }
0x2: {  	s3 =	rddreg [dreg:$0x1]  }
0x3: {  	s0 =	rddreg [dreg:$0x2]  }
0x4: {  	s2 =	rddreg [dreg:$0x3]  }
0x5: {  	s4 =	rddreg [dreg:$0x6]  }
0x6: {  	s5 =	rddreg [dreg:$0x7]  }
0x7: {  	s7 =	rddreg [dreg:$0x8];
	s6 =	simm.s32 $0x0  }
0x8: {  	s8 =	srdreg.scid;
	s9 =	stileid.u32;
	s14 =	simm.s32 $0x200  }
0x9: {  	v0 =	vlaneseq.u32;
	s15 =	simm.s32 $0x18400;
	s16 =	simm.s32 $0x4;
	s18 =	simm.s32 $0x7A1400  }
0xa: {  	vm1 =	vcmask $0x308;
	vm2 =	vcmask $0x70C;
	vm3 =	vcmask $0xB10;
	s19 =	simm.s32 $0x400;
	s28 =	simm.s32 $0x8400;
	s29 =	simm.s32 $0x9400  }
0xb: {  	vm4 =	vcmask $0xF14;
	vm5 =	vcmask $0x1318;
	vm6 =	vcmask $0x171C;
	s30 =	simm.s32 $0xA400;
	s31 =	simm.s32 $0xB400;
	s11 =	simm.s32 $0x2  }
0xc: {  	vm7 =	vcmask $0x1B20;
	vm8 =	vcmask $0x1F24;
	vm9 =	vcmask $0x2328;
	s17 =	simm.s32 $0x3;
	s12 =	simm.s32 $0x0;
	s8 =	sand.u32 $0x1, s8  }
0xd: {  	vm10 =	vcmask $0x272C;
	vm11 =	vcmask $0x2B30;
	[smem:$0x7FF] =	sst s6;
	s9 =	sshll.u32 s9, $0xA;
	v2 =	vmul.u32 $0x1000, v0;
	s10 =	sshll.u32 s8, $0x9  }
0xe: {  	vm12 =	vcmask $0x2F34;
	vm13 =	vcmask $0x3338;
	vm14 =	vcmask $0x373C;
	s8 =	ssub.s32 $0x2, s8;
	_ =	strace $0x80000047;
	s9 =	sor.u32 s10, s9  }
0xf: {  	s20 =	sshrl.u32 s8, $0x1;
	v5 =	vor.u32 $0x80, v2;
	v6 =	vor.u32 $0x100, v2;
	v7 =	vor.u32 $0x180, v2;
	s4 =	sadd.s32 s9, s4;
	s9 =	sshrl.u32 s9, $0x3  }
0x10: {  	v8 =	vor.u32 $0x200, v2;
	s10 =	simm.s32 $0x18600;
	v9 =	vor.u32 $0x280, v2;
	v10 =	vor.u32 $0x300, v2;
	s8 =	ssub.s32 s8, s20;
	s1 =	sadd.s32 s1, s9  }
0x11: {  	v11 =	vor.u32 $0x380, v2;
	v3 =	vor.u32 $0x400, v2;
	v12 =	vor.u32 $0x480, v2;
	s20 =	simm.s32 $0x1400;
	s21 =	sadd.s32 s3, s9;
	[dreg:$0xa] =	wrdreg s1  }
0x12: {  	v13 =	vor.u32 $0x500, v2;
	v14 =	vor.u32 $0x580, v2;
	v15 =	vor.u32 $0x600, v2;
	s22 =	sadd.s32 $0x2200, s4;
	s23 =	sadd.s32 $0x12200, s4;
	[dreg:$0xb] =	wrdreg s21  }
0x13: {  	v16 =	vor.u32 $0x680, v2;
	v17 =	vor.u32 $0x700, v2;
	v18 =	vor.u32 $0x780, v2;
	s24 =	sadd.s32 s5, s9;
	s25 =	sadd.s32 s7, s9;
	[dreg:$0xc] =	wrdreg s22  }
0x14: {  	v19 =	vor.u32 $0x800, v2;
	v20 =	vor.u32 $0x880, v2;
	v21 =	vor.u32 $0x900, v2;
	s26 =	smax.u32 s8, $0x1;
	s5 =	simm.s32 $0xD400;
	[dreg:$0xd] =	wrdreg s23  }
0x15: {  	v22 =	vor.u32 $0x980, v2;
	v23 =	vor.u32 $0xA00, v2;
	v24 =	vor.u32 $0xA80, v2;
	s3 =	simm.s32 $0xE400;
	s4 =	simm.s32 $0xF400;
	[dreg:$0xe] =	wrdreg s24  }
0x16: {  	v25 =	vor.u32 $0xB00, v2;
	v26 =	vor.u32 $0xB80, v2;
	v27 =	vor.u32 $0xC00, v2;
	s7 =	simm.s32 $0x1;
	s8 =	simm.s32 $0x10400;
	[dreg:$0xf] =	wrdreg s25  }
0x17: {  	v28 =	vor.u32 $0xC80, v2;
	v29 =	vor.u32 $0xD00, v2;
	v34 =	vor.u32 $0xF00, v2;
	[tilespmem:$0x1FFD0] =	vst v2;
	s9 =	simm.s32 $0x14400;
	[dreg:$0x10] =	wrdreg s26;
	s21 =	simm.s32 $0x2400  }
0x18: {  	vm0 =	vmmov $0x1;
	v30 =	vor.u32 $0xD80, v2;
	v33 =	vor.u32 $0xF80, v2;
	[tilespmem:$0x1FFE0] =	vst v34;
	s22 =	simm.s32 $0x3400;
	s23 =	simm.s32 $0x4400;
	s24 =	simm.s32 $0x5400  }
0x19: {  	vm15 =	vmmov $0x7fff;
	v31 =	vor.u32 $0xE00, v2;
	v4 =	vor.u32 $0xE80, v2;
	[tilespmem:$0x1FFF0] =	vst v33;
	s25 =	simm.s32 $0x6400;
	s26 =	simm.s32 $0x7400;
	s1 =	simm.s32 $0xC400  }
.LBB2_1:
0x1a: {  	s13 =	rddreg [dreg:$0xa]  }
0x1b: {  	[tilespmem:s6], [sflag:$0x4] =	stream.linear.gather [hbm4b:s13+s6], $0x200, $0x38;
	[tilespmem:$0x18800] =	vst v63  }
0x1c: {  	_ =	swait.ge [sflag:s16], $0x200  }
0x1d: {  	[sflag:s16] =	ssyncset.done $0x0  }
0x1e: {  	s13 =	rddreg [dreg:$0xb];
	[sflag:s16] =	ssyncadd.s32 $0xFFFFFE00  }
0x1f: {  	[tilespmem:s14], [sflag:$0x4] =	stream.linear.gather [hbm4b:s13+s6], $0x200, $0x38;
	[tilespmem:$0x18800] =	vst v63  }
0x20: {  	_ =	swait.ge [sflag:s16], $0x200  }
0x21: {  	[sflag:s16] =	ssyncset.done $0x0  }
0x22: {  	[sflag:s16] =	ssyncadd.s32 $0xFFFFFE00  }
0x23: {  	s13 =	rddreg [dreg:$0x4]  }
0x24: {  	[tilespmem:s15], [sflag:$0x2] =	stream.indirect.gather [hbm4b:s13+s14], $0x1, s6, s14, $0xb8;
	[tilespmem:$0x18800] =	vst v63  }
0x25: {  	s15 =	rddreg [dreg:$0x5];
	s13 =	simm.s32 $0x0  }
0x26: {  	[tilespmem:s10], [sflag:$0x3] =	stream.indirect.gather [hbm4b:s15+s14], $0x1, s14, s14, $0xb8;
	[tilespmem:$0x18800] =	vst v63  }
.LBB2_2:
0x27: {  	v33 =	vor.u32 s13, v0;
	_ =	sdelay $0x4  }
0x28: {  	v0 =	vld.idx.msk [tilespmem:v33+s6+$0x0], $0xffff;
	_ =	sdelay $0x4  }
0x29: {  	v1 =	vshra.s32 v0, $0x7  }
0x2a: {  	v34 =	vnsel vm0, $0x0, v1  }
0x2b: {  	v34 =	vxor.u32 $0x80000000, v34  }
0x2c: {  	(xrf0) =	vmax.scan.msk.u32 $0xffff, v34;
	_ =	sdelay $0x2  }
0x2d: {  	v63 =	vsel vm1, $0x0, v1  }
0x2e: {  	v34 =	vxor.u32 $0x80000000, v63  }
0x2f: {  	(xrf0) =	vmax.scan.msk.u32 $0xffff, v34  }
0x30: {  	v36, _, _ =	vpop (xrf0)  }
0x31: {  	v37 =	vsel vm2, $0x0, v1;
	(v2sf) =	vpush v36, $0xF  }
0x32: {  	v34 =	vxor.u32 $0x80000000, v37  }
0x33: {  	(xrf0) =	vmax.scan.msk.u32 $0xffff, v34;
	_ =	sdelay $0x1  }
0x34: {  	v38, _, _ =	vpop (xrf0)  }
0x35: {  	(v2sf) =	vpush v38, $0xF  }
0x36: {  	v39 =	vsel vm3, $0x0, v1  }
0x37: {  	v34 =	vxor.u32 $0x80000000, v39  }
0x38: {  	(xrf0) =	vmax.scan.msk.u32 $0xffff, v34;
	v40, _, _ =	vpop (xrf0)  }
0x39: {  	(v2sf) =	vpush v40, $0xF;
	_ =	sdelay $0x1  }
0x3a: {  	v41 =	vsel vm4, $0x0, v1  }
0x3b: {  	v34 =	vxor.u32 $0x80000000, v41  }
0x3c: {  	(xrf0) =	vmax.scan.msk.u32 $0xffff, v34  }
0x3d: {  	v42, _, _ =	vpop (xrf0)  }
0x3e: {  	v43 =	vsel vm5, $0x0, v1;
	s15 =	spop (v2sf);
	(v2sf) =	vpush v42, $0xF  }
0x3f: {  	v34 =	vxor.u32 $0x80000000, v43  }
0x40: {  	(xrf0) =	vmax.scan.msk.u32 $0xffff, v34;
	_ =	sdelay $0x1  }
0x41: {  	v44, _, _ =	vpop (xrf0)  }
0x42: {  	v45 =	vsel vm6, $0x0, v1;
	s15 =	sshll.u32 s15, $0x7;
	s10 =	spop (v2sf);
	(v2sf) =	vpush v44, $0xF  }
0x43: {  	v34 =	vxor.u32 $0x80000000, v45;
	s15 =	sand.u32 $0x1FFFFF80, s15  }
0x44: {  	(xrf0) =	vmax.scan.msk.u32 $0xffff, v34;
	s15 =	sadd.s32 s0, s15  }
0x45: {  	v46, _, _ =	vpop (xrf0);
	[tilespmem:s19], [sflag:$0x1] =	stream.strided.gather [hbm4b:s15+s19], $0x1000, s18, s19, $0x38;
	[tilespmem:$0x18800] =	vst v63  }
0x46: {  	s15 =	sshll.u32 s10, $0x7;
	s10 =	spop (v2sf);
	(v2sf) =	vpush v46, $0xF;
	_ =	sdelay $0x1  }
0x47: {  	v47 =	vsel vm7, $0x0, v1  }
0x48: {  	v34 =	vxor.u32 $0x80000000, v47;
	s15 =	sand.u32 $0x1FFFFF80, s15  }
0x49: {  	(xrf0) =	vmax.scan.msk.u32 $0xffff, v34;
	s15 =	sadd.s32 s0, s15  }
0x4a: {  	v48, _, _ =	vpop (xrf0);
	[tilespmem:s20], [sflag:$0x1] =	stream.strided.gather [hbm4b:s15+s19], $0x1000, s18, s19, $0x38;
	[tilespmem:$0x18800] =	vst v63  }
0x4b: {  	v49 =	vsel vm8, $0x0, v1;
	s15 =	sshll.u32 s10, $0x7;
	s10 =	spop (v2sf);
	(v2sf) =	vpush v48, $0xF  }
0x4c: {  	v34 =	vxor.u32 $0x80000000, v49  }
0x4d: {  	(xrf0) =	vmax.scan.msk.u32 $0xffff, v34;
	s15 =	sand.u32 $0x1FFFFF80, s15  }
0x4e: {  	s15 =	sadd.s32 s0, s15  }
0x4f: {  	v50, _, _ =	vpop (xrf0);
	[tilespmem:s21], [sflag:$0x1] =	stream.strided.gather [hbm4b:s15+s19], $0x1000, s18, s19, $0x38;
	[tilespmem:$0x18800] =	vst v63  }
0x50: {  	v51 =	vsel vm9, $0x0, v1;
	s15 =	sshll.u32 s10, $0x7;
	s10 =	spop (v2sf);
	(v2sf) =	vpush v50, $0xF  }
0x51: {  	v34 =	vxor.u32 $0x80000000, v51;
	s15 =	sand.u32 $0x1FFFFF80, s15  }
0x52: {  	(xrf0) =	vmax.scan.msk.u32 $0xffff, v34;
	s15 =	sadd.s32 s0, s15  }
0x53: {  	v52, _, _ =	vpop (xrf0);
	[tilespmem:s22], [sflag:$0x1] =	stream.strided.gather [hbm4b:s15+s19], $0x1000, s18, s19, $0x38;
	[tilespmem:$0x18800] =	vst v63  }
0x54: {  	s15 =	sshll.u32 s10, $0x7;
	s10 =	spop (v2sf);
	(v2sf) =	vpush v52, $0xF;
	_ =	sdelay $0x1  }
0x55: {  	v53 =	vsel vm10, $0x0, v1  }
0x56: {  	v34 =	vxor.u32 $0x80000000, v53;
	s15 =	sand.u32 $0x1FFFFF80, s15  }
0x57: {  	(xrf0) =	vmax.scan.msk.u32 $0xffff, v34;
	s15 =	sadd.s32 s0, s15  }
0x58: {  	v54, _, _ =	vpop (xrf0);
	[tilespmem:s23], [sflag:$0x1] =	stream.strided.gather [hbm4b:s15+s19], $0x1000, s18, s19, $0x38;
	[tilespmem:$0x18800] =	vst v63  }
0x59: {  	v55 =	vsel vm11, $0x0, v1;
	s15 =	sshll.u32 s10, $0x7;
	s10 =	spop (v2sf);
	(v2sf) =	vpush v54, $0xF  }
0x5a: {  	v34 =	vxor.u32 $0x80000000, v55  }
0x5b: {  	(xrf0) =	vmax.scan.msk.u32 $0xffff, v34;
	s15 =	sand.u32 $0x1FFFFF80, s15  }
0x5c: {  	s15 =	sadd.s32 s0, s15  }
0x5d: {  	v56, _, _ =	vpop (xrf0);
	[tilespmem:s24], [sflag:$0x1] =	stream.strided.gather [hbm4b:s15+s19], $0x1000, s18, s19, $0x38;
	[tilespmem:$0x18800] =	vst v63  }
0x5e: {  	v57 =	vsel vm12, $0x0, v1;
	s15 =	sshll.u32 s10, $0x7;
	s10 =	spop (v2sf);
	(v2sf) =	vpush v56, $0xF  }
0x5f: {  	v34 =	vxor.u32 $0x80000000, v57;
	s15 =	sand.u32 $0x1FFFFF80, s15  }
0x60: {  	(xrf0) =	vmax.scan.msk.u32 $0xffff, v34;
	s15 =	sadd.s32 s0, s15  }
0x61: {  	v58, _, _ =	vpop (xrf0);
	[tilespmem:s25], [sflag:$0x1] =	stream.strided.gather [hbm4b:s15+s19], $0x1000, s18, s19, $0x38;
	[tilespmem:$0x18800] =	vst v63  }
0x62: {  	s15 =	sshll.u32 s10, $0x7;
	s10 =	spop (v2sf);
	(v2sf) =	vpush v58, $0xF;
	_ =	sdelay $0x1  }
0x63: {  	v59 =	vsel vm13, $0x0, v1  }
0x64: {  	v34 =	vxor.u32 $0x80000000, v59;
	s15 =	sand.u32 $0x1FFFFF80, s15  }
0x65: {  	(xrf0) =	vmax.scan.msk.u32 $0xffff, v34;
	s15 =	sadd.s32 s0, s15  }
0x66: {  	v60, _, _ =	vpop (xrf0);
	[tilespmem:s26], [sflag:$0x1] =	stream.strided.gather [hbm4b:s15+s19], $0x1000, s18, s19, $0x38;
	[tilespmem:$0x18800] =	vst v63  }
0x67: {  	v61 =	vsel vm14, $0x0, v1;
	s15 =	sshll.u32 s10, $0x7;
	s10 =	spop (v2sf);
	(v2sf) =	vpush v60, $0xF  }
0x68: {  	v34 =	vxor.u32 $0x80000000, v61  }
0x69: {  	(xrf0) =	vmax.scan.msk.u32 $0xffff, v34;
	s15 =	sand.u32 $0x1FFFFF80, s15  }
0x6a: {  	s15 =	sadd.s32 s0, s15  }
0x6b: {  	v1 =	vsel vm15, $0x0, v1;
	v62, _, _ =	vpop (xrf0);
	[tilespmem:s28], [sflag:$0x1] =	stream.strided.gather [hbm4b:s15+s19], $0x1000, s18, s19, $0x38;
	[tilespmem:$0x18800] =	vst v63  }
0x6c: {  	v1 =	vxor.u32 $0x80000000, v1;
	s15 =	sshll.u32 s10, $0x7;
	s10 =	spop (v2sf);
	(v2sf) =	vpush v62, $0xF  }
0x6d: {  	s15 =	sand.u32 $0x1FFFFF80, s15  }
0x6e: {  	(xrf0) =	vmax.scan.msk.u32 $0xffff, v1;
	s15 =	sadd.s32 s0, s15  }
0x6f: {  	v1, _, _ =	vpop (xrf0);
	[tilespmem:s29], [sflag:$0x1] =	stream.strided.gather [hbm4b:s15+s19], $0x1000, s18, s19, $0x38;
	[tilespmem:$0x18800] =	vst v63  }
0x70: {  	s15 =	sshll.u32 s10, $0x7;
	s10 =	spop (v2sf);
	(v2sf) =	vpush v1, $0xF;
	_ =	sdelay $0x1  }
0x71: {  	s15 =	sand.u32 $0x1FFFFF80, s15  }
0x72: {  	s15 =	sadd.s32 s0, s15  }
0x73: {  	[tilespmem:s30], [sflag:$0x1] =	stream.strided.gather [hbm4b:s15+s19], $0x1000, s18, s19, $0x38;
	[tilespmem:$0x18800] =	vst v63  }
0x74: {  	v1, _, _ =	vpop (xrf0);
	s15 =	sshll.u32 s10, $0x7  }
0x75: {  	s15 =	sand.u32 $0x1FFFFF80, s15;
	s10 =	spop (v2sf);
	(v2sf) =	vpush v1, $0xF  }
0x76: {  	s15 =	sadd.s32 s0, s15  }
0x77: {  	[tilespmem:s31], [sflag:$0x1] =	stream.strided.gather [hbm4b:s15+s19], $0x1000, s18, s19, $0x38;
	[tilespmem:$0x18800] =	vst v63  }
0x78: {  	s15 =	sshll.u32 s10, $0x7  }
0x79: {  	s15 =	sand.u32 $0x1FFFFF80, s15  }
0x7a: {  	s10 =	spop (v2sf);
	s15 =	sadd.s32 s0, s15  }
0x7b: {  	[tilespmem:s1], [sflag:$0x1] =	stream.strided.gather [hbm4b:s15+s19], $0x1000, s18, s19, $0x38;
	[tilespmem:$0x18800] =	vst v63  }
0x7c: {  	s15 =	sshll.u32 s10, $0x7  }
0x7d: {  	s15 =	sand.u32 $0x1FFFFF80, s15  }
0x7e: {  	s15 =	sadd.s32 s0, s15;
	s10 =	spop (v2sf)  }
0x7f: {  	[tilespmem:s5], [sflag:$0x1] =	stream.strided.gather [hbm4b:s15+s19], $0x1000, s18, s19, $0x38;
	[tilespmem:$0x18800] =	vst v63  }
0x80: {  	s15 =	sshll.u32 s10, $0x7  }
0x81: {  	s15 =	sand.u32 $0x1FFFFF80, s15  }
0x82: {  	s15 =	sadd.s32 s0, s15  }
0x83: {  	[tilespmem:s3], [sflag:$0x1] =	stream.strided.gather [hbm4b:s15+s19], $0x1000, s18, s19, $0x38;
	[tilespmem:$0x18800] =	vst v63  }
0x84: {  	s10 =	spop (v2sf)  }
0x85: {  	s15 =	sshll.u32 s10, $0x7  }
0x86: {  	s15 =	sand.u32 $0x1FFFFF80, s15  }
0x87: {  	s15 =	sadd.s32 s0, s15  }
0x88: {  	[tilespmem:s4], [sflag:$0x1] =	stream.strided.gather [hbm4b:s15+s19], $0x1000, s18, s19, $0x38;
	[tilespmem:$0x18800] =	vst v63  }
0x89: {  	_ =	swait.ge [sflag:s7], $0x1000  }
0x8a: {  	[sflag:s7] =	ssyncset.done $0x0  }
0x8b: {  	[sflag:s7] =	ssyncadd.s32 $0xFFFFF000  }
0x8c: {  	_ =	swait.ge [sflag:s7], $0x1000  }
0x8d: {  	[sflag:s7] =	ssyncset.done $0x0  }
0x8e: {  	[sflag:s7] =	ssyncadd.s32 $0xFFFFF000  }
0x8f: {  	_ =	swait.ge [sflag:s7], $0x1000  }
0x90: {  	[sflag:s7] =	ssyncset.done $0x0  }
0x91: {  	[sflag:s7] =	ssyncadd.s32 $0xFFFFF000  }
0x92: {  	_ =	swait.ge [sflag:s7], $0x1000  }
0x93: {  	[sflag:s7] =	ssyncset.done $0x0  }
0x94: {  	[sflag:s7] =	ssyncadd.s32 $0xFFFFF000  }
0x95: {  	_ =	swait.ge [sflag:s7], $0x1000  }
0x96: {  	[sflag:s7] =	ssyncset.done $0x0  }
0x97: {  	[sflag:s7] =	ssyncadd.s32 $0xFFFFF000  }
0x98: {  	_ =	swait.ge [sflag:s7], $0x1000  }
0x99: {  	[sflag:s7] =	ssyncset.done $0x0  }
0x9a: {  	[sflag:s7] =	ssyncadd.s32 $0xFFFFF000  }
0x9b: {  	_ =	swait.ge [sflag:s7], $0x1000  }
0x9c: {  	[sflag:s7] =	ssyncset.done $0x0  }
0x9d: {  	[sflag:s7] =	ssyncadd.s32 $0xFFFFF000  }
0x9e: {  	_ =	swait.ge [sflag:s7], $0x1000  }
0x9f: {  	[sflag:s7] =	ssyncset.done $0x0  }
0xa0: {  	[sflag:s7] =	ssyncadd.s32 $0xFFFFF000  }
0xa1: {  	_ =	swait.ge [sflag:s7], $0x1000  }
0xa2: {  	[sflag:s7] =	ssyncset.done $0x0  }
0xa3: {  	[sflag:s7] =	ssyncadd.s32 $0xFFFFF000  }
0xa4: {  	_ =	swait.ge [sflag:s7], $0x1000  }
0xa5: {  	[sflag:s7] =	ssyncset.done $0x0  }
0xa6: {  	[sflag:s7] =	ssyncadd.s32 $0xFFFFF000  }
0xa7: {  	_ =	swait.ge [sflag:s7], $0x1000  }
0xa8: {  	[sflag:s7] =	ssyncset.done $0x0  }
0xa9: {  	[sflag:s7] =	ssyncadd.s32 $0xFFFFF000  }
0xaa: {  	_ =	swait.ge [sflag:s7], $0x1000  }
0xab: {  	[sflag:s7] =	ssyncset.done $0x0  }
0xac: {  	[sflag:s7] =	ssyncadd.s32 $0xFFFFF000  }
0xad: {  	_ =	swait.ge [sflag:s7], $0x1000  }
0xae: {  	[sflag:s7] =	ssyncset.done $0x0  }
0xaf: {  	[sflag:s7] =	ssyncadd.s32 $0xFFFFF000  }
0xb0: {  	_ =	swait.ge [sflag:s7], $0x1000  }
0xb1: {  	[sflag:s7] =	ssyncset.done $0x0  }
0xb2: {  	[sflag:s7] =	ssyncadd.s32 $0xFFFFF000  }
0xb3: {  	v1 =	vand.u32 $0x7F, v0;
	_ =	swait.ge [sflag:s7], $0x1000  }
0xb4: {  	v0 =	vor.u32 v2, v1;
	[sflag:s7] =	ssyncset.done $0x0  }
0xb5: {  	[sflag:s7] =	ssyncadd.s32 $0xFFFFF000  }
0xb6: {  	v63 =	vmov s13;
	_ =	swait.ge [sflag:s7], $0x1000  }
0xb7: {  	v41 =	vshll.u32 v63, $0x3;
	[sflag:s7] =	ssyncset.done $0x0  }
0xb8: {  	v42 =	vand.u32 $0x7F, v33;
	v34 =	vand.u32 $0xC00, v41;
	[sflag:s7] =	ssyncadd.s32 $0xFFFFF000  }
0xb9: {  	v34 =	vor.u32 v42, v34;
	v0 =	vld.idx.msk [tilespmem:v0+s19+$0x0], $0xffff  }
0xba: {  	v35 =	vor.u32 v5, v1;
	_ =	sdelay $0x3  }
0xbb: {  	[tilespmem:v34+s8+$0x0] =	vst.idx.msk $0xffff, v0  }
0xbc: {  	v2 =	vor.u32 $0x80, v34;
	v0 =	vld.idx.msk [tilespmem:v35+s19+$0x0], $0xffff  }
0xbd: {  	v36 =	vor.u32 v6, v1;
	_ =	sdelay $0x3  }
0xbe: {  	[tilespmem:v2+s8+$0x0] =	vst.idx.msk $0xffff, v0  }
0xbf: {  	v0 =	vld.idx.msk [tilespmem:v36+s19+$0x0], $0xffff;
	v36 =	vor.u32 $0x100, v34  }
0xc0: {  	v37 =	vor.u32 v7, v1;
	_ =	sdelay $0x3  }
0xc1: {  	[tilespmem:v36+s8+$0x0] =	vst.idx.msk $0xffff, v0  }
0xc2: {  	v0 =	vld.idx.msk [tilespmem:v37+s19+$0x0], $0xffff;
	v37 =	vor.u32 $0x180, v34  }
0xc3: {  	v38 =	vor.u32 v8, v1;
	_ =	sdelay $0x3  }
0xc4: {  	[tilespmem:v37+s8+$0x0] =	vst.idx.msk $0xffff, v0  }
0xc5: {  	v0 =	vld.idx.msk [tilespmem:v38+s19+$0x0], $0xffff;
	v38 =	vor.u32 $0x200, v34  }
0xc6: {  	v39 =	vor.u32 v9, v1;
	_ =	sdelay $0x3  }
0xc7: {  	[tilespmem:v38+s8+$0x0] =	vst.idx.msk $0xffff, v0  }
0xc8: {  	v0 =	vld.idx.msk [tilespmem:v39+s19+$0x0], $0xffff;
	v39 =	vor.u32 $0x280, v34  }
0xc9: {  	v40 =	vor.u32 v10, v1;
	_ =	sdelay $0x3  }
0xca: {  	[tilespmem:v39+s8+$0x0] =	vst.idx.msk $0xffff, v0  }
0xcb: {  	v0 =	vld.idx.msk [tilespmem:v40+s19+$0x0], $0xffff;
	v40 =	vor.u32 $0x300, v34  }
0xcc: {  	v43 =	vor.u32 v11, v1;
	_ =	sdelay $0x2  }
0xcd: {  	[tilespmem:$0x1FFC0] =	vst v2  }
0xce: {  	v2 =	vor.u32 v41, v42;
	[tilespmem:v40+s8+$0x0] =	vst.idx.msk $0xffff, v0  }
0xcf: {  	v41 =	vor.u32 $0x380, v2;
	v0 =	vld.idx.msk [tilespmem:v43+s19+$0x0], $0xffff  }
0xd0: {  	v32 =	vor.u32 v3, v1;
	_ =	sdelay $0x3  }
0xd1: {  	[tilespmem:v41+s8+$0x0] =	vst.idx.msk $0xffff, v0  }
0xd2: {  	v42 =	vor.u32 $0x1000, v34;
	v0 =	vld.idx.msk [tilespmem:v32+s19+$0x0], $0xffff  }
0xd3: {  	v35 =	vor.u32 v12, v1;
	_ =	sdelay $0x3  }
0xd4: {  	[tilespmem:v42+s8+$0x0] =	vst.idx.msk $0xffff, v0  }
0xd5: {  	v43 =	vor.u32 $0x1080, v34;
	v0 =	vld.idx.msk [tilespmem:v35+s19+$0x0], $0xffff  }
0xd6: {  	v44 =	vor.u32 v13, v1;
	_ =	sdelay $0x3  }
0xd7: {  	[tilespmem:v43+s8+$0x0] =	vst.idx.msk $0xffff, v0  }
0xd8: {  	v0 =	vld.idx.msk [tilespmem:v44+s19+$0x0], $0xffff;
	v44 =	vor.u32 $0x1100, v34  }
0xd9: {  	v45 =	vor.u32 v14, v1;
	_ =	sdelay $0x3  }
0xda: {  	[tilespmem:v44+s8+$0x0] =	vst.idx.msk $0xffff, v0  }
0xdb: {  	v0 =	vld.idx.msk [tilespmem:v45+s19+$0x0], $0xffff;
	v45 =	vor.u32 $0x1180, v34  }
0xdc: {  	v46 =	vor.u32 v15, v1;
	_ =	sdelay $0x3  }
0xdd: {  	[tilespmem:v45+s8+$0x0] =	vst.idx.msk $0xffff, v0  }
0xde: {  	v0 =	vld.idx.msk [tilespmem:v46+s19+$0x0], $0xffff;
	v46 =	vor.u32 $0x1200, v34  }
0xdf: {  	v47 =	vor.u32 v16, v1;
	_ =	sdelay $0x3  }
0xe0: {  	[tilespmem:v46+s8+$0x0] =	vst.idx.msk $0xffff, v0  }
0xe1: {  	v0 =	vld.idx.msk [tilespmem:v47+s19+$0x0], $0xffff;
	v47 =	vor.u32 $0x1280, v34  }
0xe2: {  	v48 =	vor.u32 v17, v1;
	_ =	sdelay $0x3  }
0xe3: {  	[tilespmem:v47+s8+$0x0] =	vst.idx.msk $0xffff, v0  }
0xe4: {  	v0 =	vld.idx.msk [tilespmem:v48+s19+$0x0], $0xffff;
	v48 =	vor.u32 $0x1300, v34  }
0xe5: {  	v49 =	vor.u32 v18, v1;
	_ =	sdelay $0x3  }
0xe6: {  	[tilespmem:v48+s8+$0x0] =	vst.idx.msk $0xffff, v0  }
0xe7: {  	v0 =	vld.idx.msk [tilespmem:v49+s19+$0x0], $0xffff;
	v49 =	vor.u32 $0x1380, v2  }
0xe8: {  	v50 =	vor.u32 v19, v1;
	_ =	sdelay $0x3  }
0xe9: {  	[tilespmem:v49+s8+$0x0] =	vst.idx.msk $0xffff, v0  }
0xea: {  	v0 =	vld.idx.msk [tilespmem:v50+s19+$0x0], $0xffff;
	v50 =	vor.u32 $0x2000, v34  }
0xeb: {  	v51 =	vor.u32 v20, v1;
	_ =	sdelay $0x3  }
0xec: {  	[tilespmem:v50+s8+$0x0] =	vst.idx.msk $0xffff, v0  }
0xed: {  	v0 =	vld.idx.msk [tilespmem:v51+s19+$0x0], $0xffff;
	v51 =	vor.u32 $0x2080, v34  }
0xee: {  	v52 =	vor.u32 v21, v1;
	_ =	sdelay $0x3  }
0xef: {  	[tilespmem:v51+s8+$0x0] =	vst.idx.msk $0xffff, v0  }
0xf0: {  	v0 =	vld.idx.msk [tilespmem:v52+s19+$0x0], $0xffff;
	v52 =	vor.u32 $0x2100, v34  }
0xf1: {  	v53 =	vor.u32 v22, v1;
	_ =	sdelay $0x3  }
0xf2: {  	[tilespmem:v52+s8+$0x0] =	vst.idx.msk $0xffff, v0  }
0xf3: {  	v0 =	vld.idx.msk [tilespmem:v53+s19+$0x0], $0xffff;
	v53 =	vor.u32 $0x2180, v34  }
0xf4: {  	v54 =	vor.u32 v23, v1;
	_ =	sdelay $0x3  }
0xf5: {  	[tilespmem:v53+s8+$0x0] =	vst.idx.msk $0xffff, v0  }
0xf6: {  	v0 =	vld.idx.msk [tilespmem:v54+s19+$0x0], $0xffff;
	v54 =	vor.u32 $0x2200, v34  }
0xf7: {  	v55 =	vor.u32 v24, v1;
	_ =	sdelay $0x3  }
0xf8: {  	[tilespmem:v54+s8+$0x0] =	vst.idx.msk $0xffff, v0  }
0xf9: {  	v0 =	vld.idx.msk [tilespmem:v55+s19+$0x0], $0xffff;
	v55 =	vor.u32 $0x2280, v34  }
0xfa: {  	v56 =	vor.u32 v25, v1;
	_ =	sdelay $0x3  }
0xfb: {  	[tilespmem:v55+s8+$0x0] =	vst.idx.msk $0xffff, v0  }
0xfc: {  	v0 =	vld.idx.msk [tilespmem:v56+s19+$0x0], $0xffff;
	v56 =	vor.u32 $0x2300, v34  }
0xfd: {  	v57 =	vor.u32 v26, v1;
	_ =	sdelay $0x3  }
0xfe: {  	[tilespmem:v56+s8+$0x0] =	vst.idx.msk $0xffff, v0  }
0xff: {  	v0 =	vld.idx.msk [tilespmem:v57+s19+$0x0], $0xffff;
	v57 =	vor.u32 $0x2380, v2  }
0x100: {  	v58 =	vor.u32 v27, v1;
	_ =	sdelay $0x3  }
0x101: {  	[tilespmem:v57+s8+$0x0] =	vst.idx.msk $0xffff, v0  }
0x102: {  	v0 =	vld.idx.msk [tilespmem:v58+s19+$0x0], $0xffff;
	v58 =	vor.u32 $0x3000, v34  }
0x103: {  	v59 =	vor.u32 v28, v1;
	_ =	sdelay $0x3  }
0x104: {  	[tilespmem:v58+s8+$0x0] =	vst.idx.msk $0xffff, v0  }
0x105: {  	v0 =	vld.idx.msk [tilespmem:v59+s19+$0x0], $0xffff;
	v59 =	vor.u32 $0x3080, v34  }
0x106: {  	v60 =	vor.u32 v29, v1;
	_ =	sdelay $0x3  }
0x107: {  	[tilespmem:v59+s8+$0x0] =	vst.idx.msk $0xffff, v0  }
0x108: {  	v0 =	vld.idx.msk [tilespmem:v60+s19+$0x0], $0xffff;
	v60 =	vor.u32 $0x3100, v34  }
0x109: {  	v61 =	vor.u32 v30, v1;
	_ =	sdelay $0x3  }
0x10a: {  	[tilespmem:v60+s8+$0x0] =	vst.idx.msk $0xffff, v0  }
0x10b: {  	v0 =	vld.idx.msk [tilespmem:v61+s19+$0x0], $0xffff;
	v61 =	vor.u32 $0x3180, v34  }
0x10c: {  	v62 =	vor.u32 v31, v1;
	_ =	sdelay $0x2  }
0x10d: {  	v63 =	vor.u32 v4, v1;
	v32 =	vmov v31;
	v31 =	vmov v30  }
0x10e: {  	v30 =	vmovc v29;
	v29 =	vmovc v28;
	v28 =	vmov v27;
	v27 =	vmov v26;
	v26 =	vmov v25;
	[tilespmem:v61+s8+$0x0] =	vst.idx.msk $0xffff, v0  }
0x10f: {  	v25 =	vmovc v24;
	v24 =	vmovc v23;
	v23 =	vmov v22;
	v22 =	vmov v21;
	v0 =	vld.idx.msk [tilespmem:v62+s19+$0x0], $0xffff;
	v62 =	vor.u32 $0x3200, v34  }
0x110: {  	v21 =	vmovc v20;
	v20 =	vmovc v19;
	v19 =	vmov v18;
	v18 =	vmov v17;
	v17 =	vmov v16  }
0x111: {  	v16 =	vmovc v15;
	v15 =	vmovc v14;
	v14 =	vmov v13;
	v13 =	vmov v12;
	v12 =	vmov v3;
	v3 =	vld [tilespmem:$0x1FFE0];
	_ =	sdelay $0x2  }
0x112: {  	[tilespmem:v62+s8+$0x0] =	vst.idx.msk $0xffff, v0  }
0x113: {  	v0 =	vld.idx.msk [tilespmem:v63+s19+$0x0], $0xffff;
	v63 =	vor.u32 $0x3280, v34  }
0x114: {  	v3 =	vor.u32 v3, v1  }
0x115: {  	v35 =	vld [tilespmem:$0x1FFF0];
	_ =	sdelay $0x2  }
0x116: {  	[tilespmem:v63+s8+$0x0] =	vst.idx.msk $0xffff, v0  }
0x117: {  	v0 =	vor.u32 $0x3300, v34;
	v3 =	vld.idx.msk [tilespmem:v3+s19+$0x0], $0xffff  }
0x118: {  	v1 =	vor.u32 v35, v1;
	_ =	sdelay $0x3  }
0x119: {  	[tilespmem:v0+s8+$0x0] =	vst.idx.msk $0xffff, v3  }
0x11a: {  	v3 =	vld.idx.msk [tilespmem:v1+s19+$0x0], $0xffff;
	v1 =	vor.u32 $0x3380, v2;
	_ =	sdelay $0x4  }
0x11b: {  	[tilespmem:v1+s8+$0x0] =	vst.idx.msk $0xffff, v3  }
0x11c: {  	v33 =	vld.idx.msk [tilespmem:v33+s14+$0x0], $0xffff;
	_ =	sdelay $0x4  }
0x11d: {  	v2 =	vshra.s32 v33, $0x7  }
0x11e: {  	v3 =	vnsel vm0, $0x0, v2  }
0x11f: {  	v3 =	vxor.u32 $0x80000000, v3  }
0x120: {  	(xrf0) =	vmax.scan.msk.u32 $0xffff, v3;
	_ =	sdelay $0x1  }
0x121: {  	v3 =	vsel vm1, $0x0, v2  }
0x122: {  	v3 =	vxor.u32 $0x80000000, v3;
	_ =	sdelay $0x1  }
0x123: {  	(xrf0) =	vmax.scan.msk.u32 $0xffff, v3  }
0x124: {  	v3, _, _ =	vpop (xrf0)  }
0x125: {  	(v2sf) =	vpush v3, $0xF;
	v3 =	vsel vm2, $0x0, v2  }
0x126: {  	v3 =	vxor.u32 $0x80000000, v3;
	_ =	sdelay $0x1  }
0x127: {  	(xrf0) =	vmax.scan.msk.u32 $0xffff, v3  }
0x128: {  	v3, _, _ =	vpop (xrf0)  }
0x129: {  	(v2sf) =	vpush v3, $0xF;
	v3 =	vsel vm3, $0x0, v2  }
0x12a: {  	v3 =	vxor.u32 $0x80000000, v3;
	_ =	sdelay $0x1  }
0x12b: {  	(xrf0) =	vmax.scan.msk.u32 $0xffff, v3  }
0x12c: {  	v3, _, _ =	vpop (xrf0)  }
0x12d: {  	(v2sf) =	vpush v3, $0xF;
	v3 =	vsel vm4, $0x0, v2  }
0x12e: {  	v3 =	vxor.u32 $0x80000000, v3;
	_ =	sdelay $0x1  }
0x12f: {  	(xrf0) =	vmax.scan.msk.u32 $0xffff, v3  }
0x130: {  	v3, _, _ =	vpop (xrf0)  }
0x131: {  	s10 =	spop (v2sf);
	(v2sf) =	vpush v3, $0xF;
	v3 =	vsel vm5, $0x0, v2  }
0x132: {  	s15 =	sshll.u32 s10, $0x7;
	v3 =	vxor.u32 $0x80000000, v3  }
0x133: {  	s15 =	sand.u32 $0x1FFFFF80, s15  }
0x134: {  	(xrf0) =	vmax.scan.msk.u32 $0xffff, v3;
	s15 =	sadd.s32 s2, s15  }
0x135: {  	[tilespmem:s19], [sflag:$0x1] =	stream.strided.gather [hbm4b:s15+s19], $0x1000, s18, s19, $0x38;
	v3, _, _ =	vpop (xrf0);
	[tilespmem:$0x18800] =	vst v63  }
0x136: {  	s10 =	spop (v2sf);
	(v2sf) =	vpush v3, $0xF;
	v3 =	vsel vm6, $0x0, v2  }
0x137: {  	s15 =	sshll.u32 s10, $0x7;
	v3 =	vxor.u32 $0x80000000, v3  }
0x138: {  	s15 =	sand.u32 $0x1FFFFF80, s15  }
0x139: {  	(xrf0) =	vmax.scan.msk.u32 $0xffff, v3;
	s15 =	sadd.s32 s2, s15  }
0x13a: {  	[tilespmem:s20], [sflag:$0x1] =	stream.strided.gather [hbm4b:s15+s19], $0x1000, s18, s19, $0x38;
	v3, _, _ =	vpop (xrf0);
	[tilespmem:$0x18800] =	vst v63  }
0x13b: {  	s10 =	spop (v2sf);
	(v2sf) =	vpush v3, $0xF;
	v3 =	vsel vm7, $0x0, v2  }
0x13c: {  	s15 =	sshll.u32 s10, $0x7;
	v3 =	vxor.u32 $0x80000000, v3  }
0x13d: {  	s15 =	sand.u32 $0x1FFFFF80, s15  }
0x13e: {  	(xrf0) =	vmax.scan.msk.u32 $0xffff, v3;
	s15 =	sadd.s32 s2, s15  }
0x13f: {  	[tilespmem:s21], [sflag:$0x1] =	stream.strided.gather [hbm4b:s15+s19], $0x1000, s18, s19, $0x38;
	v3, _, _ =	vpop (xrf0);
	[tilespmem:$0x18800] =	vst v63  }
0x140: {  	s10 =	spop (v2sf);
	(v2sf) =	vpush v3, $0xF;
	v3 =	vsel vm8, $0x0, v2  }
0x141: {  	s15 =	sshll.u32 s10, $0x7;
	v3 =	vxor.u32 $0x80000000, v3  }
0x142: {  	s15 =	sand.u32 $0x1FFFFF80, s15  }
0x143: {  	(xrf0) =	vmax.scan.msk.u32 $0xffff, v3;
	s15 =	sadd.s32 s2, s15  }
0x144: {  	[tilespmem:s22], [sflag:$0x1] =	stream.strided.gather [hbm4b:s15+s19], $0x1000, s18, s19, $0x38;
	v3, _, _ =	vpop (xrf0);
	[tilespmem:$0x18800] =	vst v63  }
0x145: {  	s10 =	spop (v2sf);
	(v2sf) =	vpush v3, $0xF;
	v3 =	vsel vm9, $0x0, v2  }
0x146: {  	s15 =	sshll.u32 s10, $0x7;
	v3 =	vxor.u32 $0x80000000, v3  }
0x147: {  	s15 =	sand.u32 $0x1FFFFF80, s15  }
0x148: {  	(xrf0) =	vmax.scan.msk.u32 $0xffff, v3;
	s15 =	sadd.s32 s2, s15  }
0x149: {  	[tilespmem:s23], [sflag:$0x1] =	stream.strided.gather [hbm4b:s15+s19], $0x1000, s18, s19, $0x38;
	v3, _, _ =	vpop (xrf0);
	[tilespmem:$0x18800] =	vst v63  }
0x14a: {  	s10 =	spop (v2sf);
	(v2sf) =	vpush v3, $0xF;
	v3 =	vsel vm10, $0x0, v2  }
0x14b: {  	s15 =	sshll.u32 s10, $0x7;
	v3 =	vxor.u32 $0x80000000, v3  }
0x14c: {  	s15 =	sand.u32 $0x1FFFFF80, s15  }
0x14d: {  	(xrf0) =	vmax.scan.msk.u32 $0xffff, v3;
	s15 =	sadd.s32 s2, s15  }
0x14e: {  	[tilespmem:s24], [sflag:$0x1] =	stream.strided.gather [hbm4b:s15+s19], $0x1000, s18, s19, $0x38;
	v3, _, _ =	vpop (xrf0);
	[tilespmem:$0x18800] =	vst v63  }
0x14f: {  	s10 =	spop (v2sf);
	(v2sf) =	vpush v3, $0xF;
	v3 =	vsel vm11, $0x0, v2  }
0x150: {  	s15 =	sshll.u32 s10, $0x7;
	v3 =	vxor.u32 $0x80000000, v3  }
0x151: {  	s15 =	sand.u32 $0x1FFFFF80, s15  }
0x152: {  	(xrf0) =	vmax.scan.msk.u32 $0xffff, v3;
	s15 =	sadd.s32 s2, s15  }
0x153: {  	[tilespmem:s25], [sflag:$0x1] =	stream.strided.gather [hbm4b:s15+s19], $0x1000, s18, s19, $0x38;
	v3, _, _ =	vpop (xrf0);
	[tilespmem:$0x18800] =	vst v63  }
0x154: {  	s10 =	spop (v2sf);
	(v2sf) =	vpush v3, $0xF;
	v3 =	vsel vm12, $0x0, v2  }
0x155: {  	s15 =	sshll.u32 s10, $0x7;
	v3 =	vxor.u32 $0x80000000, v3  }
0x156: {  	s15 =	sand.u32 $0x1FFFFF80, s15  }
0x157: {  	(xrf0) =	vmax.scan.msk.u32 $0xffff, v3;
	s15 =	sadd.s32 s2, s15  }
0x158: {  	[tilespmem:s26], [sflag:$0x1] =	stream.strided.gather [hbm4b:s15+s19], $0x1000, s18, s19, $0x38;
	v3, _, _ =	vpop (xrf0);
	[tilespmem:$0x18800] =	vst v63  }
0x159: {  	s10 =	spop (v2sf);
	(v2sf) =	vpush v3, $0xF;
	v3 =	vsel vm13, $0x0, v2  }
0x15a: {  	s15 =	sshll.u32 s10, $0x7;
	v3 =	vxor.u32 $0x80000000, v3  }
0x15b: {  	s15 =	sand.u32 $0x1FFFFF80, s15  }
0x15c: {  	(xrf0) =	vmax.scan.msk.u32 $0xffff, v3;
	s15 =	sadd.s32 s2, s15  }
0x15d: {  	[tilespmem:s28], [sflag:$0x1] =	stream.strided.gather [hbm4b:s15+s19], $0x1000, s18, s19, $0x38;
	v3, _, _ =	vpop (xrf0);
	[tilespmem:$0x18800] =	vst v63  }
0x15e: {  	s10 =	spop (v2sf);
	(v2sf) =	vpush v3, $0xF;
	v3 =	vsel vm14, $0x0, v2  }
0x15f: {  	s15 =	sshll.u32 s10, $0x7;
	v3 =	vxor.u32 $0x80000000, v3  }
0x160: {  	s15 =	sand.u32 $0x1FFFFF80, s15  }
0x161: {  	(xrf0) =	vmax.scan.msk.u32 $0xffff, v3;
	s15 =	sadd.s32 s2, s15  }
0x162: {  	[tilespmem:s29], [sflag:$0x1] =	stream.strided.gather [hbm4b:s15+s19], $0x1000, s18, s19, $0x38;
	v3, _, _ =	vpop (xrf0);
	[tilespmem:$0x18800] =	vst v63  }
0x163: {  	v2 =	vsel vm15, $0x0, v2;
	s10 =	spop (v2sf);
	(v2sf) =	vpush v3, $0xF  }
0x164: {  	v2 =	vxor.u32 $0x80000000, v2;
	s15 =	sshll.u32 s10, $0x7  }
0x165: {  	s15 =	sand.u32 $0x1FFFFF80, s15  }
0x166: {  	(xrf0) =	vmax.scan.msk.u32 $0xffff, v2;
	s15 =	sadd.s32 s2, s15  }
0x167: {  	v2, _, _ =	vpop (xrf0);
	[tilespmem:s30], [sflag:$0x1] =	stream.strided.gather [hbm4b:s15+s19], $0x1000, s18, s19, $0x38;
	[tilespmem:$0x18800] =	vst v63  }
0x168: {  	s10 =	spop (v2sf);
	(v2sf) =	vpush v2, $0xF  }
0x169: {  	s15 =	sshll.u32 s10, $0x7  }
0x16a: {  	s15 =	sand.u32 $0x1FFFFF80, s15  }
0x16b: {  	s15 =	sadd.s32 s2, s15  }
0x16c: {  	v2, _, _ =	vpop (xrf0);
	[tilespmem:s31], [sflag:$0x1] =	stream.strided.gather [hbm4b:s15+s19], $0x1000, s18, s19, $0x38;
	[tilespmem:$0x18800] =	vst v63  }
0x16d: {  	s10 =	spop (v2sf);
	(v2sf) =	vpush v2, $0xF  }
0x16e: {  	s15 =	sshll.u32 s10, $0x7  }
0x16f: {  	s15 =	sand.u32 $0x1FFFFF80, s15  }
0x170: {  	s15 =	sadd.s32 s2, s15  }
0x171: {  	[tilespmem:s1], [sflag:$0x1] =	stream.strided.gather [hbm4b:s15+s19], $0x1000, s18, s19, $0x38;
	[tilespmem:$0x18800] =	vst v63  }
0x172: {  	s10 =	spop (v2sf)  }
0x173: {  	s15 =	sshll.u32 s10, $0x7  }
0x174: {  	s15 =	sand.u32 $0x1FFFFF80, s15  }
0x175: {  	s15 =	sadd.s32 s2, s15  }
0x176: {  	[tilespmem:s5], [sflag:$0x1] =	stream.strided.gather [hbm4b:s15+s19], $0x1000, s18, s19, $0x38;
	[tilespmem:$0x18800] =	vst v63  }
0x177: {  	s10 =	spop (v2sf)  }
0x178: {  	s15 =	sshll.u32 s10, $0x7  }
0x179: {  	s15 =	sand.u32 $0x1FFFFF80, s15  }
0x17a: {  	s15 =	sadd.s32 s2, s15  }
0x17b: {  	[tilespmem:s3], [sflag:$0x1] =	stream.strided.gather [hbm4b:s15+s19], $0x1000, s18, s19, $0x38;
	[tilespmem:$0x18800] =	vst v63  }
0x17c: {  	s10 =	spop (v2sf)  }
0x17d: {  	s15 =	sshll.u32 s10, $0x7  }
0x17e: {  	s15 =	sand.u32 $0x1FFFFF80, s15  }
0x17f: {  	s15 =	sadd.s32 s2, s15  }
0x180: {  	[tilespmem:s4], [sflag:$0x1] =	stream.strided.gather [hbm4b:s15+s19], $0x1000, s18, s19, $0x38;
	[tilespmem:$0x18800] =	vst v63  }
0x181: {  	_ =	swait.ge [sflag:s7], $0x1000  }
0x182: {  	[sflag:s7] =	ssyncset.done $0x0  }
0x183: {  	[sflag:s7] =	ssyncadd.s32 $0xFFFFF000  }
0x184: {  	_ =	swait.ge [sflag:s7], $0x1000  }
0x185: {  	[sflag:s7] =	ssyncset.done $0x0  }
0x186: {  	[sflag:s7] =	ssyncadd.s32 $0xFFFFF000  }
0x187: {  	_ =	swait.ge [sflag:s7], $0x1000  }
0x188: {  	[sflag:s7] =	ssyncset.done $0x0  }
0x189: {  	[sflag:s7] =	ssyncadd.s32 $0xFFFFF000  }
0x18a: {  	_ =	swait.ge [sflag:s7], $0x1000  }
0x18b: {  	[sflag:s7] =	ssyncset.done $0x0  }
0x18c: {  	[sflag:s7] =	ssyncadd.s32 $0xFFFFF000  }
0x18d: {  	_ =	swait.ge [sflag:s7], $0x1000  }
0x18e: {  	[sflag:s7] =	ssyncset.done $0x0  }
0x18f: {  	[sflag:s7] =	ssyncadd.s32 $0xFFFFF000  }
0x190: {  	_ =	swait.ge [sflag:s7], $0x1000  }
0x191: {  	[sflag:s7] =	ssyncset.done $0x0  }
0x192: {  	[sflag:s7] =	ssyncadd.s32 $0xFFFFF000  }
0x193: {  	_ =	swait.ge [sflag:s7], $0x1000  }
0x194: {  	[sflag:s7] =	ssyncset.done $0x0  }
0x195: {  	[sflag:s7] =	ssyncadd.s32 $0xFFFFF000  }
0x196: {  	_ =	swait.ge [sflag:s7], $0x1000  }
0x197: {  	[sflag:s7] =	ssyncset.done $0x0  }
0x198: {  	[sflag:s7] =	ssyncadd.s32 $0xFFFFF000  }
0x199: {  	_ =	swait.ge [sflag:s7], $0x1000  }
0x19a: {  	[sflag:s7] =	ssyncset.done $0x0  }
0x19b: {  	[sflag:s7] =	ssyncadd.s32 $0xFFFFF000  }
0x19c: {  	_ =	swait.ge [sflag:s7], $0x1000  }
0x19d: {  	[sflag:s7] =	ssyncset.done $0x0  }
0x19e: {  	[sflag:s7] =	ssyncadd.s32 $0xFFFFF000  }
0x19f: {  	_ =	swait.ge [sflag:s7], $0x1000  }
0x1a0: {  	[sflag:s7] =	ssyncset.done $0x0  }
0x1a1: {  	[sflag:s7] =	ssyncadd.s32 $0xFFFFF000  }
0x1a2: {  	_ =	swait.ge [sflag:s7], $0x1000  }
0x1a3: {  	[sflag:s7] =	ssyncset.done $0x0  }
0x1a4: {  	[sflag:s7] =	ssyncadd.s32 $0xFFFFF000  }
0x1a5: {  	_ =	swait.ge [sflag:s7], $0x1000  }
0x1a6: {  	[sflag:s7] =	ssyncset.done $0x0  }
0x1a7: {  	[sflag:s7] =	ssyncadd.s32 $0xFFFFF000  }
0x1a8: {  	_ =	swait.ge [sflag:s7], $0x1000  }
0x1a9: {  	[sflag:s7] =	ssyncset.done $0x0  }
0x1aa: {  	[sflag:s7] =	ssyncadd.s32 $0xFFFFF000  }
0x1ab: {  	_ =	swait.ge [sflag:s7], $0x1000  }
0x1ac: {  	v3 =	vld [tilespmem:$0x1FFD0];
	_ =	sdelay $0x3  }
0x1ad: {  	v2 =	vand.u32 $0x7F, v33  }
0x1ae: {  	[sflag:s7] =	ssyncset.done $0x0;
	v3 =	vor.u32 v3, v2  }
0x1af: {  	[sflag:s7] =	ssyncadd.s32 $0xFFFFF000  }
0x1b0: {  	_ =	swait.ge [sflag:s7], $0x1000  }
0x1b1: {  	[sflag:s7] =	ssyncset.done $0x0  }
0x1b2: {  	[sflag:s7] =	ssyncadd.s32 $0xFFFFF000  }
0x1b3: {  	v3 =	vld.idx.msk [tilespmem:v3+s19+$0x0], $0xffff  }
0x1b4: {  	v33 =	vor.u32 v5, v2;
	_ =	sdelay $0x1  }
0x1b5: {  	v35 =	vld [tilespmem:$0x1FFC0];
	_ =	sdelay $0x1  }
0x1b6: {  	[tilespmem:v34+s9+$0x0] =	vst.idx.msk $0xffff, v3  }
0x1b7: {  	v3 =	vld.idx.msk [tilespmem:v33+s19+$0x0], $0xffff  }
0x1b8: {  	v33 =	vor.u32 v6, v2;
	_ =	sdelay $0x3  }
0x1b9: {  	[tilespmem:v35+s9+$0x0] =	vst.idx.msk $0xffff, v3  }
0x1ba: {  	v3 =	vld.idx.msk [tilespmem:v33+s19+$0x0], $0xffff  }
0x1bb: {  	v33 =	vor.u32 v7, v2;
	_ =	sdelay $0x3  }
0x1bc: {  	[tilespmem:v36+s9+$0x0] =	vst.idx.msk $0xffff, v3  }
0x1bd: {  	v3 =	vld.idx.msk [tilespmem:v33+s19+$0x0], $0xffff  }
0x1be: {  	v36 =	vor.u32 v8, v2;
	_ =	sdelay $0x3  }
0x1bf: {  	[tilespmem:v37+s9+$0x0] =	vst.idx.msk $0xffff, v3  }
0x1c0: {  	v3 =	vld.idx.msk [tilespmem:v36+s19+$0x0], $0xffff  }
0x1c1: {  	v37 =	vor.u32 v9, v2;
	_ =	sdelay $0x3  }
0x1c2: {  	[tilespmem:v38+s9+$0x0] =	vst.idx.msk $0xffff, v3  }
0x1c3: {  	v3 =	vld.idx.msk [tilespmem:v37+s19+$0x0], $0xffff  }
0x1c4: {  	v38 =	vor.u32 v10, v2;
	_ =	sdelay $0x3  }
0x1c5: {  	[tilespmem:v39+s9+$0x0] =	vst.idx.msk $0xffff, v3  }
0x1c6: {  	v3 =	vld.idx.msk [tilespmem:v38+s19+$0x0], $0xffff  }
0x1c7: {  	v39 =	vor.u32 v11, v2;
	_ =	sdelay $0x3  }
0x1c8: {  	[tilespmem:v40+s9+$0x0] =	vst.idx.msk $0xffff, v3  }
0x1c9: {  	v3 =	vld.idx.msk [tilespmem:v39+s19+$0x0], $0xffff  }
0x1ca: {  	v40 =	vor.u32 v12, v2;
	_ =	sdelay $0x3  }
0x1cb: {  	[tilespmem:v41+s9+$0x0] =	vst.idx.msk $0xffff, v3  }
0x1cc: {  	v3 =	vld.idx.msk [tilespmem:v40+s19+$0x0], $0xffff  }
0x1cd: {  	v41 =	vor.u32 v13, v2;
	_ =	sdelay $0x3  }
0x1ce: {  	[tilespmem:v42+s9+$0x0] =	vst.idx.msk $0xffff, v3  }
0x1cf: {  	v3 =	vld.idx.msk [tilespmem:v41+s19+$0x0], $0xffff  }
0x1d0: {  	v42 =	vor.u32 v14, v2;
	_ =	sdelay $0x3  }
0x1d1: {  	[tilespmem:v43+s9+$0x0] =	vst.idx.msk $0xffff, v3  }
0x1d2: {  	v3 =	vld.idx.msk [tilespmem:v42+s19+$0x0], $0xffff  }
0x1d3: {  	v43 =	vor.u32 v15, v2;
	_ =	sdelay $0x3  }
0x1d4: {  	[tilespmem:v44+s9+$0x0] =	vst.idx.msk $0xffff, v3  }
0x1d5: {  	v3 =	vld.idx.msk [tilespmem:v43+s19+$0x0], $0xffff  }
0x1d6: {  	v44 =	vor.u32 v16, v2;
	_ =	sdelay $0x3  }
0x1d7: {  	[tilespmem:v45+s9+$0x0] =	vst.idx.msk $0xffff, v3  }
0x1d8: {  	v3 =	vld.idx.msk [tilespmem:v44+s19+$0x0], $0xffff  }
0x1d9: {  	v45 =	vor.u32 v17, v2;
	_ =	sdelay $0x3  }
0x1da: {  	[tilespmem:v46+s9+$0x0] =	vst.idx.msk $0xffff, v3  }
0x1db: {  	v3 =	vld.idx.msk [tilespmem:v45+s19+$0x0], $0xffff  }
0x1dc: {  	v46 =	vor.u32 v18, v2;
	_ =	sdelay $0x3  }
0x1dd: {  	[tilespmem:v47+s9+$0x0] =	vst.idx.msk $0xffff, v3  }
0x1de: {  	v3 =	vld.idx.msk [tilespmem:v46+s19+$0x0], $0xffff  }
0x1df: {  	v47 =	vor.u32 v19, v2;
	_ =	sdelay $0x3  }
0x1e0: {  	[tilespmem:v48+s9+$0x0] =	vst.idx.msk $0xffff, v3  }
0x1e1: {  	v3 =	vld.idx.msk [tilespmem:v47+s19+$0x0], $0xffff  }
0x1e2: {  	v48 =	vor.u32 v20, v2;
	_ =	sdelay $0x3  }
0x1e3: {  	[tilespmem:v49+s9+$0x0] =	vst.idx.msk $0xffff, v3  }
0x1e4: {  	v3 =	vld.idx.msk [tilespmem:v48+s19+$0x0], $0xffff  }
0x1e5: {  	v49 =	vor.u32 v21, v2;
	_ =	sdelay $0x3  }
0x1e6: {  	[tilespmem:v50+s9+$0x0] =	vst.idx.msk $0xffff, v3  }
0x1e7: {  	v3 =	vld.idx.msk [tilespmem:v49+s19+$0x0], $0xffff  }
0x1e8: {  	v50 =	vor.u32 v22, v2;
	_ =	sdelay $0x3  }
0x1e9: {  	[tilespmem:v51+s9+$0x0] =	vst.idx.msk $0xffff, v3  }
0x1ea: {  	v3 =	vld.idx.msk [tilespmem:v50+s19+$0x0], $0xffff  }
0x1eb: {  	v51 =	vor.u32 v23, v2;
	_ =	sdelay $0x3  }
0x1ec: {  	[tilespmem:v52+s9+$0x0] =	vst.idx.msk $0xffff, v3  }
0x1ed: {  	v3 =	vld.idx.msk [tilespmem:v51+s19+$0x0], $0xffff  }
0x1ee: {  	v52 =	vor.u32 v24, v2;
	_ =	sdelay $0x3  }
0x1ef: {  	[tilespmem:v53+s9+$0x0] =	vst.idx.msk $0xffff, v3  }
0x1f0: {  	v3 =	vld.idx.msk [tilespmem:v52+s19+$0x0], $0xffff  }
0x1f1: {  	v53 =	vor.u32 v25, v2;
	_ =	sdelay $0x3  }
0x1f2: {  	[tilespmem:v54+s9+$0x0] =	vst.idx.msk $0xffff, v3  }
0x1f3: {  	v3 =	vld.idx.msk [tilespmem:v53+s19+$0x0], $0xffff  }
0x1f4: {  	v54 =	vor.u32 v26, v2;
	_ =	sdelay $0x3  }
0x1f5: {  	[tilespmem:v55+s9+$0x0] =	vst.idx.msk $0xffff, v3  }
0x1f6: {  	v3 =	vld.idx.msk [tilespmem:v54+s19+$0x0], $0xffff  }
0x1f7: {  	v55 =	vor.u32 v27, v2;
	_ =	sdelay $0x3  }
0x1f8: {  	[tilespmem:v56+s9+$0x0] =	vst.idx.msk $0xffff, v3  }
0x1f9: {  	v3 =	vld.idx.msk [tilespmem:v55+s19+$0x0], $0xffff  }
0x1fa: {  	v56 =	vor.u32 v28, v2;
	_ =	sdelay $0x3  }
0x1fb: {  	[tilespmem:v57+s9+$0x0] =	vst.idx.msk $0xffff, v3  }
0x1fc: {  	v3 =	vld.idx.msk [tilespmem:v56+s19+$0x0], $0xffff  }
0x1fd: {  	v57 =	vor.u32 v29, v2;
	_ =	sdelay $0x3  }
0x1fe: {  	[tilespmem:v58+s9+$0x0] =	vst.idx.msk $0xffff, v3  }
0x1ff: {  	v3 =	vld.idx.msk [tilespmem:v57+s19+$0x0], $0xffff  }
0x200: {  	v58 =	vor.u32 v30, v2;
	_ =	sdelay $0x3  }
0x201: {  	[tilespmem:v59+s9+$0x0] =	vst.idx.msk $0xffff, v3  }
0x202: {  	v3 =	vld.idx.msk [tilespmem:v58+s19+$0x0], $0xffff  }
0x203: {  	v59 =	vor.u32 v31, v2;
	_ =	sdelay $0x3  }
0x204: {  	[tilespmem:v60+s9+$0x0] =	vst.idx.msk $0xffff, v3  }
0x205: {  	v3 =	vld.idx.msk [tilespmem:v59+s19+$0x0], $0xffff  }
0x206: {  	v60 =	vor.u32 v32, v2;
	_ =	sdelay $0x3  }
0x207: {  	[tilespmem:v61+s9+$0x0] =	vst.idx.msk $0xffff, v3  }
0x208: {  	v3 =	vld.idx.msk [tilespmem:v60+s19+$0x0], $0xffff  }
0x209: {  	v61 =	vor.u32 v4, v2;
	_ =	sdelay $0x3  }
0x20a: {  	v34 =	vld [tilespmem:$0x1FFE0];
	[tilespmem:v62+s9+$0x0] =	vst.idx.msk $0xffff, v3  }
0x20b: {  	v3 =	vld.idx.msk [tilespmem:v61+s19+$0x0], $0xffff;
	_ =	sdelay $0x3  }
0x20c: {  	v62 =	vor.u32 v34, v2  }
0x20d: {  	[tilespmem:v63+s9+$0x0] =	vst.idx.msk $0xffff, v3;
	v63 =	vld [tilespmem:$0x1FFF0];
	_ =	sdelay $0x3  }
0x20e: {  	v3 =	vld.idx.msk [tilespmem:v62+s19+$0x0], $0xffff  }
0x20f: {  	v2 =	vor.u32 v63, v2;
	_ =	sdelay $0x3  }
0x210: {  	[tilespmem:v0+s9+$0x0] =	vst.idx.msk $0xffff, v3  }
0x211: {  	p0 =	sne.s32 s13, $0x1F0;
	v0 =	vld.idx.msk [tilespmem:v2+s19+$0x0], $0xffff  }
.Ltmp0:
0x212: {  	v3 =	vmov v12;
	v12 =	vmov v13;
	(pc) =	sbr.rel @p0 .LBB2_2-.Ltmp0, $4  }
0x213: {  	v13 =	vmovc v14;
	v14 =	vmovc v15;
	v15 =	vmov v16;
	v16 =	vmov v17;
	v17 =	vmov v18  }
0x214: {  	v18 =	vmovc v19;
	v19 =	vmovc v20;
	v20 =	vmov v21;
	v21 =	vmov v22;
	v22 =	vmov v23  }
0x215: {  	v23 =	vmovc v24;
	v24 =	vmovc v25;
	v25 =	vmov v26;
	v26 =	vmov v27;
	v27 =	vmov v28  }
0x216: {  	s13 =	sadd.s32 $0x10, s13;
	v28 =	vmovc v29;
	v29 =	vmovc v30;
	v30 =	vmov v31;
	v31 =	vmov v32;
	v2 =	vld [tilespmem:$0x1FFD0];
	[tilespmem:v1+s9+$0x0] =	vst.idx.msk $0xffff, v0;
	v0 =	vlaneseq.u32  }
0x217: {  	s13 =	rddreg [dreg:$0xc];
	s10 =	simm.s32 $0x1000;
	s15 =	simm.s32 $0x20000  }
0x218: {  	[hbm4b:s13+s10] =	stream.strided.scatter [tilespmem:s8], [sflag:$0x4], $0x4000, s15, s10, $0x38;
	[tilespmem:$0x18800] =	vst v63  }
0x219: {  	_ =	swait.ge [sflag:s16], $0x4000  }
0x21a: {  	[sflag:s16] =	ssyncset.done $0x0  }
0x21b: {  	s13 =	rddreg [dreg:$0xd];
	[sflag:s16] =	ssyncadd.s32 $0xFFFFC000  }
0x21c: {  	[hbm4b:s13+s10] =	stream.strided.scatter [tilespmem:s9], [sflag:$0x4], $0x4000, s15, s10, $0x38;
	[tilespmem:$0x18800] =	vst v63  }
0x21d: {  	_ =	swait.ge [sflag:s16], $0x4000  }
0x21e: {  	[sflag:s16] =	ssyncset.done $0x0  }
0x21f: {  	[sflag:s16] =	ssyncadd.s32 $0xFFFFC000  }
0x220: {  	_ =	swait.ge [sflag:s11], $0x200  }
0x221: {  	[sflag:s11] =	ssyncset.done $0x0  }
0x222: {  	s15 =	simm.s32 $0x18400;
	s10 =	rddreg [dreg:$0xe];
	[sflag:s11] =	ssyncadd.s32 $0xFFFFFE00  }
0x223: {  	[hbm4b:s10+s6] =	stream.linear.scatter [tilespmem:s15], [sflag:$0x4], $0x200, $0x38;
	[tilespmem:$0x18800] =	vst v63  }
0x224: {  	_ =	swait.ge [sflag:s16], $0x200  }
0x225: {  	[sflag:s16] =	ssyncset.done $0x0  }
0x226: {  	[sflag:s16] =	ssyncadd.s32 $0xFFFFFE00  }
0x227: {  	_ =	swait.ge [sflag:s17], $0x200  }
0x228: {  	[sflag:s17] =	ssyncset.done $0x0  }
0x229: {  	s10 =	simm.s32 $0x18600;
	s13 =	rddreg [dreg:$0xf];
	[sflag:s17] =	ssyncadd.s32 $0xFFFFFE00  }
0x22a: {  	[hbm4b:s13+s6] =	stream.linear.scatter [tilespmem:s10], [sflag:$0x4], $0x200, $0x38;
	[tilespmem:$0x18800] =	vst v63  }
0x22b: {  	_ =	swait.ge [sflag:s16], $0x200  }
0x22c: {  	s12 =	sadd.s32 $0x1, s12;
	s13 =	rddreg [dreg:$0x10]  }
0x22d: {  	p0 =	sne.s32 s12, s13  }
.Ltmp1:
0x22e: {  	_ = 	snop;
	(pc) =	sbr.rel @p0 .LBB2_1-.Ltmp1, $3  }
0x22f: {  	_ =	sdelay $0x1  }
0x230: {  	[sflag:s16] =	ssyncset.done $0x0  }
0x231: {  	[sflag:s16] =	ssyncadd.s32 $0xFFFFFE00  }
0x232: {  	_ =	sfence.sel $0x180000  }
0x233: {  	[bflag:$0x0] =	sbarrier.arrive $0xFFFF  }
0x234: {  	_ =	strace $0x90000047  }
0x235: {  	s0 =	stileid.u32;
	[bflag:$0x2] =	sbarrier.arrive $0xFFFF  }
0x236: {  	p0 =	sne.s32 s0, $0x0;
	s0 =	rddreg [dreg:$0x9]  }
0x237: {  	s0 =	sadd.s32 @!p0 $0x100000, s0  }
0x238: {  	[sflag:s0] =	ssyncadd.tile.s32 @!p0 $0x1;
	_ =	shalt  }
.Lfunc_end2:
_tile_overlayer_lowered:
.L_overlay_start_2:
0x239: {  	(tag) =	ssettag $0x2  }
0x23a: {  	s0 =	rddreg [dreg:$0x0];
	s2 =	stileid.u32  }
0x23b: {  	s1 =	rddreg [dreg:$0x1];
	p0 =	sne.s32 s2, $0x0  }
0x23c: {  	s3 =	rddreg [dreg:$0x2];
	[bflag:$0x3] =	sbarrier.arrive $0xFFFF;
	s2 =	simm.s32 @!p0 $0x1C04  }
0x23d: {  	[timem:s3], [sflag:s2] =	dma.local @!p0 [hbm:s0], s1  }
0x23e: {  	s0 =	simm.s32 @!p0 $0x4  }
0x23f: {  	_ =	swait.ge @!p0 [sflag:s0], s1  }
0x240: {  	s1 =	ssub.s32 @!p0 $0x0, s1;
	[sflag:s0] =	ssyncset.done @!p0 $0x0  }
0x241: {  	[sflag:s0] =	ssyncadd.s32 @!p0 s1  }
0x242: {  	[bflag:$0x3] =	sbarrier.arrive $0xFFFF  }
0x243: {  	_ =	shalt  }

</sc_bundles>
